<compile_context>
chip_gen: v7x
topology: tpu7x:2x2x1
jax: 0.10.2.dev20260603
libtpu: 0.0.44.dev20260713+nightly
codegen_flags: <defaults>
</compile_context>

<pallas_src>
import functools

import jax
import jax.numpy as jnp
from jax import lax
from jax.experimental import pallas as pl
from jax.experimental.pallas import tpu as pltpu
from jax.experimental.pallas import tpu_sc as plsc

B = 2
N = 978
NP = 1024
NE = 512
IB = 64
F2 = 2 * IB
F4 = 4 * IB
HID = 512
NPERS = 8
TOPK = 50
SKIP = 0.2
CH = 4096
ROWS_W = 32
NW = 32


def _scatter_body(edges_hbm, out_hbm, rowbuf, srcb, dstb):
    nchunk = edges_hbm.shape[1] // CH
    c_id = lax.axis_index("c")
    s_id = lax.axis_index("s")
    wid = s_id * 2 + c_id
    lo = wid * ROWS_W
    ones16 = jnp.full((16,), 1.0, jnp.float32)
    zeros16 = jnp.zeros((16,), jnp.float32)

    def zero_body(i, _):
        rowbuf[pl.ds(i * 16, 16)] = zeros16
        return 0

    lax.fori_loop(0, (ROWS_W * NP) // 16, zero_body, 0)

    for c in range(nchunk):
        pltpu.sync_copy(edges_hbm.at[0, pl.ds(c * CH, CH)], srcb)
        pltpu.sync_copy(edges_hbm.at[1, pl.ds(c * CH, CH)], dstb)

        def edge_body(k, _):
            s16 = srcb[pl.ds(k * 16, 16)]
            d16 = dstb[pl.ds(k * 16, 16)]
            idx = (s16 - lo) * NP + d16
            m = (s16 >= lo) & (s16 < lo + ROWS_W)
            plsc.store_scatter(rowbuf, [idx], ones16, mask=m)
            return 0

        lax.fori_loop(0, CH // 16, edge_body, 0)

    pltpu.sync_copy(rowbuf, out_hbm.at[pl.ds(wid * (ROWS_W * NP), ROWS_W * NP)])


def _raw_adj(edges):
    mesh = plsc.VectorSubcoreMesh(core_axis_name="c", subcore_axis_name="s")
    f = pl.kernel(
        _scatter_body,
        out_type=jax.ShapeDtypeStruct((NP * NP,), jnp.float32),
        mesh=mesh,
        compiler_params=pltpu.CompilerParams(needs_layout_passes=False),
        scratch_types=[
            pltpu.VMEM((ROWS_W * NP,), jnp.float32),
            pltpu.VMEM((CH,), jnp.int32),
            pltpu.VMEM((CH,), jnp.int32),
        ],
    )
    return f(edges)


def _encoder_body(x1t_ref, gene_ref, gate_w_ref, gate_b_ref, w1_ref, b1_ref,
                  w2_ref, b2_ref, dd_ref, nw1_ref, nb1_ref, nw2_ref, nb2_ref,
                  lng_ref, lnb_ref, h_ref, fus_ref):
    rowmask = (lax.broadcasted_iota(jnp.int32, (NP, 1), 0) < N).astype(jnp.float32)

    dh = jnp.maximum(jnp.dot(dd_ref[...], nw1_ref[...],
                             preferred_element_type=jnp.float32) + nb1_ref[...], 0.0)
    dh = jnp.dot(dh, nw2_ref[...], preferred_element_type=jnp.float32) + nb2_ref[...]
    mu = jnp.sum(dh, axis=1, keepdims=True) / float(F2)
    c = dh - mu
    var = jnp.sum(c * c, axis=1, keepdims=True) / float(F2)
    dd = c / jnp.sqrt(var + 1e-5) * lng_ref[...] + lnb_ref[...]

    for b in range(B):
        col = x1t_ref[:, b:b + 1]
        gate = jax.nn.sigmoid(col * gate_w_ref[...] + gate_b_ref[...])
        h0 = gate * gene_ref[...]
        hb = jax.nn.gelu(jnp.dot(h0, w1_ref[...],
                                 preferred_element_type=jnp.float32) + b1_ref[...])
        hb = jnp.dot(hb, w2_ref[...],
                     preferred_element_type=jnp.float32) + b2_ref[...]
        hb = hb * rowmask
        h_ref[b] = hb
        d1 = jnp.broadcast_to(dd[b:b + 1, :], (NP, F2)) * rowmask
        d2 = jnp.broadcast_to(dd[B + b:B + b + 1, :], (NP, F2)) * rowmask
        fus_ref[b] = jnp.concatenate([hb, d1], axis=-1)
        fus_ref[B + b] = jnp.concatenate([hb, d2], axis=-1)


def _lane_tree(t):
    w = t.shape[1]
    while w > 1:
        w //= 2
        t = t[:, :w] + t[:, w:]
    return t


def _adj_body(fus_ref, raw_ref, glw_ref, glmask_ref, adj_ref):
    f = fus_ref[0] * jax.nn.sigmoid(glmask_ref[...])
    fns = []
    for p in range(NPERS):
        fp = f * glw_ref[p:p + 1, :]
        sq = fp * fp
        nrm = jnp.sqrt(_lane_tree(sq[:, :128] + sq[:, 128:]))
        fns.append(fp / (nrm + 1e-8))
    fa = jnp.concatenate(fns, axis=1)
    att = lax.dot_general(fa, fa, (((1,), (1,)), ((), ())),
                          preferred_element_type=jnp.float32)
    att = jnp.maximum(att * (1.0 / NPERS), 0.0)

    rowmax = jnp.max(att, axis=1, keepdims=True)
    lo0 = jnp.zeros((NP, 1), jnp.int32)
    hi0 = lax.bitcast_convert_type(rowmax, jnp.int32)

    def bis(_, carry):
        lo, hi = carry
        mid = lo + lax.shift_right_logical(hi - lo + 1, 1)
        t = lax.bitcast_convert_type(mid, jnp.float32)
        cnt = jnp.sum((att >= t).astype(jnp.float32), axis=1, keepdims=True)
        ok = cnt >= TOPK
        return jnp.where(ok, mid, lo), jnp.where(ok, hi, mid - 1)

    lo, _ = lax.fori_loop(0, 31, bis, (lo0, hi0))
    kth = lax.bitcast_convert_type(lo, jnp.float32)
    att = jnp.where(att >= kth, att, 0.0)
    att = att / (jnp.sum(att, axis=1, keepdims=True) + 1e-8)
    adj_ref[0] = SKIP * raw_ref[...] + (1.0 - SKIP) * att


def _gcn_body(adj_ref, h_ref, w1_ref, w2_ref, w3_ref, emb_ref):
    ids_r = lax.broadcasted_iota(jnp.int32, (NP, NP), 0)
    ids_c = lax.broadcasted_iota(jnp.int32, (NP, NP), 1)
    a = adj_ref[0] + jnp.where((ids_r == ids_c) & (ids_r < N), 1.0, 0.0)
    d_col = jnp.sum(a, axis=1, keepdims=True)
    dinv_col = lax.rsqrt(d_col + 1e-8)
    a = a * dinv_col * jnp.transpose(dinv_col)

    x = h_ref[0]
    h1 = jnp.maximum(jnp.dot(a, jnp.dot(x, w1_ref[...],
                                        preferred_element_type=jnp.float32),
                             preferred_element_type=jnp.float32), 0.0)
    h2 = jnp.maximum(jnp.dot(a, jnp.dot(h1, w2_ref[...],
                                        preferred_element_type=jnp.float32),
                             preferred_element_type=jnp.float32), 0.0)
    o3 = jnp.dot(a, jnp.dot(h2, w3_ref[...],
                            preferred_element_type=jnp.float32),
                 preferred_element_type=jnp.float32)
    emb_ref[0] = jnp.sum(o3, axis=0, keepdims=True) / float(N)


def _head_body(emb_ref, eps_ref, dw1_ref, db1_ref, bng_ref, bnb_ref,
               dw2_ref, db2_ref, x2_ref, mu_ref, std_ref):
    ge = 0.5 * (emb_ref[0:B, :] + emb_ref[B:2 * B, :])
    mu = ge[:, :IB]
    s0 = ge[:, IB:] - float(IB)
    y = jnp.exp(-jnp.abs(s0))
    lp = jnp.where(y < 1e-4, y - 0.5 * y * y, jnp.log(1.0 + y))
    std = jnp.maximum(s0, 0.0) + lp
    z = mu + eps_ref[...] * std
    h = jnp.dot(z, dw1_ref[...], preferred_element_type=jnp.float32) + db1_ref[...]
    bm = jnp.mean(h, axis=0, keepdims=True)
    bv = jnp.mean((h - bm) * (h - bm), axis=0, keepdims=True)
    h = (h - bm) / jnp.sqrt(bv + 1e-5) * bng_ref[...] + bnb_ref[...]
    h = jnp.maximum(h, 0.0)
    x2 = jnp.dot(h, dw2_ref[...], preferred_element_type=jnp.float32) + db2_ref[...]
    x2_ref[...] = jnp.maximum(x2, 0.0)
    mu_ref[...] = mu
    std_ref[...] = std


def kernel(x1, drugfeature_1, drugfeature_2, edge_index, params):
    p = params
    f32 = jnp.float32

    def row(v):
        return v.reshape(1, -1).astype(f32)

    x1t = jnp.pad(x1.T.astype(f32), ((0, NP - N), (0, 0)))
    gene = jnp.pad(p['gene_emb'].astype(f32), ((0, NP - N), (0, 0)))
    dd = jnp.concatenate([drugfeature_1, drugfeature_2], axis=0).astype(f32)
    e = edge_index.shape[1]
    e_pad = ((e + CH - 1) // CH) * CH
    edges = jnp.concatenate(
        [edge_index.astype(jnp.int32),
         jnp.full((2, e_pad - e), 2000, jnp.int32)], axis=1)
    eps = jax.random.normal(jax.random.key(42), (B, IB), dtype=f32)
    dw2 = jnp.pad(p['dec_w2'].astype(f32), ((0, 0), (0, NP - N)))
    db2 = jnp.pad(row(p['dec_b2']), ((0, 0), (0, NP - N)))

    raw = _raw_adj(edges).reshape(NP, NP)

    h_p, fusion = pl.pallas_call(
        _encoder_body,
        out_shape=(jax.ShapeDtypeStruct((B, NP, F2), f32),
                   jax.ShapeDtypeStruct((2 * B, NP, F4), f32)),
    )(x1t, gene, row(p['gate_w']), row(p['gate_b']),
      p['enc_w1'].astype(f32), row(p['enc_b1']),
      p['enc_w2'].astype(f32), row(p['enc_b2']),
      dd, p['net_w1'].astype(f32), row(p['net_b1']),
      p['net_w2'].astype(f32), row(p['net_b2']),
      row(p['ln_g']), row(p['ln_b']))

    full = lambda shape: pl.BlockSpec(shape, lambda g: (0,) * len(shape))
    adj_p = pl.pallas_call(
        _adj_body,
        grid=(2 * B,),
        in_specs=[
            pl.BlockSpec((1, NP, F4), lambda g: (g, 0, 0)),
            full((NP, NP)),
            full((NPERS, F4)),
            full((1, F4)),
        ],
        out_specs=pl.BlockSpec((1, NP, NP), lambda g: (g, 0, 0)),
        out_shape=jax.ShapeDtypeStruct((2 * B, NP, NP), f32),
    )(fusion, raw, p['gl_w'].astype(f32), row(p['gl_mask']))

    emb = pl.pallas_call(
        _gcn_body,
        grid=(2 * B,),
        in_specs=[
            pl.BlockSpec((1, NP, NP), lambda g: (g, 0, 0)),
            pl.BlockSpec((1, NP, F2), lambda g: (g % B, 0, 0)),
            full((F2, HID)),
            full((HID, HID)),
            full((HID, F2)),
        ],
        out_specs=pl.BlockSpec((1, 1, F2), lambda g: (g, 0, 0)),
        out_shape=jax.ShapeDtypeStruct((2 * B, 1, F2), f32),
    )(adj_p, h_p,
      p['gcn_w1'].astype(f32), p['gcn_w2'].astype(f32), p['gcn_w3'].astype(f32))

    x2p, mu, std = pl.pallas_call(
        _head_body,
        out_shape=(jax.ShapeDtypeStruct((B, NP), f32),
                   jax.ShapeDtypeStruct((B, IB), f32),
                   jax.ShapeDtypeStruct((B, IB), f32)),
    )(emb.reshape(2 * B, F2), eps, p['dec_w1'].astype(f32), row(p['dec_b1']),
      row(p['bn_g']), row(p['bn_b']), dw2, db2)

    return (x2p[:, :N], adj_p[:B, :N, :N], (mu, std))

# --- scband reference (transcript-rebuilt; emitter-appended) ---
"""Pipeline reference for scband-gene-graph-vib-72146860638814 (READ-ONLY COPY).

The authoritative reference and input builder live on the scoring server;
editing this copy changes nothing except your own understanding.
"""

import jax, jax.numpy as jnp
import numpy as np

B = 2
N_GENES = 978
N_EMB = 512
EN_HID = 512
DE_HID = 512
IB = 64
FEAT_DIM = 2304
HID = 512
NUM_PERS = 8
TOP_K = 50
AVG_DEG = 50
E = N_GENES * AVG_DEG
SKIP = 0.2


def setup_inputs(seed: int = 0) -> dict:
    key = jax.random.key(seed)
    ks = jax.random.split(key, 20)
    def nrm(i, shape, s=0.02):
        return jax.random.normal(ks[i], shape, dtype=jnp.float32) * s
    x1 = jax.random.normal(ks[0], (B, N_GENES), dtype=jnp.float32)
    drugfeature_1 = jax.random.normal(ks[1], (B, FEAT_DIM), dtype=jnp.float32)
    drugfeature_2 = jax.random.normal(ks[2], (B, FEAT_DIM), dtype=jnp.float32)
    edge_index = jax.random.randint(ks[3], (2, E), 0, N_GENES, dtype=jnp.int32)
    params = {
        'gene_emb': nrm(4, (N_GENES, N_EMB)),
        'gate_w': nrm(5, (1, N_EMB)), 'gate_b': jnp.zeros((N_EMB,), jnp.float32),
        'enc_w1': nrm(6, (N_EMB, EN_HID)), 'enc_b1': jnp.zeros((EN_HID,), jnp.float32),
        'enc_w2': nrm(7, (EN_HID, 2 * IB)), 'enc_b2': jnp.zeros((2 * IB,), jnp.float32),
        'net_w1': nrm(8, (FEAT_DIM, N_EMB)), 'net_b1': jnp.zeros((N_EMB,), jnp.float32),
        'net_w2': nrm(9, (N_EMB, 2 * IB)), 'net_b2': jnp.zeros((2 * IB,), jnp.float32),
        'ln_g': jnp.ones((2 * IB,), jnp.float32), 'ln_b': jnp.zeros((2 * IB,), jnp.float32),
        'gl_w': jax.random.normal(ks[10], (NUM_PERS, 4 * IB), dtype=jnp.float32),
        'gl_mask': jnp.ones((4 * IB,), jnp.float32),
        'gcn_w1': nrm(11, (2 * IB, HID), 0.05),
        'gcn_w2': nrm(12, (HID, HID), 0.05),
        'gcn_w3': nrm(13, (HID, 2 * IB), 0.05),
        'dec_w1': nrm(14, (IB, DE_HID)), 'dec_b1': jnp.zeros((DE_HID,), jnp.float32),
        'bn_g': jnp.ones((DE_HID,), jnp.float32), 'bn_b': jnp.zeros((DE_HID,), jnp.float32),
        'dec_w2': nrm(15, (DE_HID, N_GENES)), 'dec_b2': jnp.zeros((N_GENES,), jnp.float32),
    }
    return {'x1': x1, 'drugfeature_1': drugfeature_1, 'drugfeature_2': drugfeature_2,
            'edge_index': edge_index, 'params': params}


def _learn_adj(feat, gl_w, gl_mask, raw_adj):
    # GraphLearner: feature denoise mask + multi-perspective attention + KNN(top_k) sparsify
    f = feat * jax.nn.sigmoid(gl_mask)[None, :]
    def per(wp):
        fp = f * wp[None, :]
        fn = fp / (jnp.linalg.norm(fp, axis=-1, keepdims=True) + 1e-8)
        return fn @ fn.T
    att = jax.vmap(per)(gl_w).mean(0)
    att = jax.nn.relu(att)
    vals, _ = jax.lax.top_k(att, TOP_K)
    kth = vals[:, -1:]
    att = jnp.where(att >= kth, att, 0.0)
    att = att / (att.sum(-1, keepdims=True) + 1e-8)
    # graph_skip_conn mix with raw adjacency
    return SKIP * raw_adj + (1.0 - SKIP) * att


def _gcn(adj, x, w1, w2, w3):
    A = adj + jnp.eye(adj.shape[0], dtype=adj.dtype)
    d = A.sum(-1)
    dinv = jax.lax.rsqrt(d + 1e-8)
    A = A * dinv[:, None] * dinv[None, :]
    h = jax.nn.relu(A @ (x @ w1))
    h = jax.nn.relu(A @ (h @ w2))
    return A @ (h @ w3)


def reference(x1, drugfeature_1, drugfeature_2, edge_index, params):
    p = params
    # Encoder_x1: gated gene embedding -> MLP (dropout inactive at eval)
    gate = jax.nn.sigmoid(x1[..., None] @ p['gate_w'] + p['gate_b'])
    H = gate * p['gene_emb'][None]
    H = jax.nn.gelu(H @ p['enc_w1'] + p['enc_b1']) @ p['enc_w2'] + p['enc_b2']  # [B,N,2*IB]
    def net(d):
        h = jax.nn.relu(d @ p['net_w1'] + p['net_b1']) @ p['net_w2'] + p['net_b2']
        mu = h.mean(-1, keepdims=True)
        var = h.var(-1, keepdims=True)
        return (h - mu) / jnp.sqrt(var + 1e-5) * p['ln_g'] + p['ln_b']
    D1 = net(drugfeature_1)
    D2 = net(drugfeature_2)
    fusion1 = jnp.concatenate([H, jnp.broadcast_to(D1[:, None, :], (B, N_GENES, 2 * IB))], axis=-1)
    fusion2 = jnp.concatenate([H, jnp.broadcast_to(D2[:, None, :], (B, N_GENES, 2 * IB))], axis=-1)
    # raw dense adjacency from edge_index (to_dense_adj)
    raw_adj = jnp.zeros((N_GENES, N_GENES), jnp.float32).at[edge_index[0], edge_index[1]].set(1.0)
    learn = lambda f: _learn_adj(f, p['gl_w'], p['gl_mask'], raw_adj)
    adj1 = jax.vmap(learn)(fusion1)
    adj2 = jax.vmap(learn)(fusion2)
    gcn = lambda a, x: _gcn(a, x, p['gcn_w1'], p['gcn_w2'], p['gcn_w3'])
    emb1 = jax.vmap(gcn)(adj1, H).mean(1)  # global_mean_pool
    emb2 = jax.vmap(gcn)(adj2, H).mean(1)
    graph_embs = 0.5 * (emb1 + emb2)
    mu = graph_embs[:, :IB]
    std = jax.nn.softplus(graph_embs[:, IB:] - IB)
    eps = jax.random.normal(jax.random.key(42), std.shape, dtype=std.dtype)
    z = mu + eps * std
    # Decoder_x2: Linear -> BatchNorm1d(batch stats) -> ReLU -> Linear -> ReLU
    h = z @ p['dec_w1'] + p['dec_b1']
    bm = h.mean(0, keepdims=True)
    bv = h.var(0, keepdims=True)
    h = (h - bm) / jnp.sqrt(bv + 1e-5) * p['bn_g'] + p['bn_b']
    h = jax.nn.relu(h)
    x2_pred = jax.nn.relu(h @ p['dec_w2'] + p['dec_b2'])
    return (x2_pred, adj1, (mu, std))

if __name__ == "__main__":
    import jax
    _d = setup_inputs()
    print(jax.jit(kernel)(*tuple(_d.values())))

</pallas_src>

<mosaic_0001>
#map = affine_map<(d0, d1) -> (0, 0)>
#map1 = affine_map<(d0, d1) -> (0)>
module attributes {stable_mosaic.version = 14 : i64} {
  func.func @_scatter_body(%arg0: i32, %arg1: i32, %arg2: memref<2x49152xi32, #tpu.memory_space<hbm>>, %arg3: memref<1048576xf32, #tpu.memory_space<hbm>>, %arg4: memref<32768xf32, #tpu.memory_space<vmem>>, %arg5: memref<4096xi32, #tpu.memory_space<vmem>>, %arg6: memref<4096xi32, #tpu.memory_space<vmem>>) attributes {dimension_semantics = [#tpu.dimension_semantics<core_parallel>, #tpu.dimension_semantics<subcore_parallel>], iteration_bounds = array<i64: 2, 16>, scalar_prefetch = 0 : i64, scratch_operands = 3 : i64, tpu.core_type = #tpu.core_type<sc_vector_subcore>, window_params = [{transform_indices = #map}, {transform_indices = #map1}]} {
    %mul3A = arith.constant 2 : i32
    %mul3A_0 = arith.muli %arg1, %mul3A : i32
    %add3A = arith.addi %mul3A_0, %arg0 : i32
    %mul3A_1 = arith.constant 32 : i32
    %mul3A_2 = arith.muli %add3A, %mul3A_1 : i32
    %broadcast_in_dim3A = arith.constant 1.000000e+00 : f32
    %broadcast_in_dim3A_3 = vector.broadcast %broadcast_in_dim3A : f32 to vector<16xf32>
    %broadcast_in_dim3A_4 = arith.constant 0.000000e+00 : f32
    %broadcast_in_dim3A_5 = vector.broadcast %broadcast_in_dim3A_4 : f32 to vector<16xf32>
    %scan3A = arith.constant 0 : i32
    %scan3A_6 = arith.constant 0 : i32
    %scan3A_7 = arith.constant 2048 : i32
    %scan3A_8 = arith.addi %scan3A_6, %scan3A_7 : i32
    %scan3A_9 = arith.constant 1 : i32
    %scan3A_10 = scf.for %scan3A_121 = %scan3A_6 to %scan3A_8 step %scan3A_9 iter_args(%scan3A_122 = %scan3A) -> (i32)  : i32 {
      %mul3A_123 = arith.constant 16 : i32
      %mul3A_124 = arith.muli %scan3A_121, %mul3A_123 : i32
      %swap3A = arith.index_cast %mul3A_124 : i32 to index
      %swap3A_125 = tpu.vector_load %arg4[%swap3A] {strides = array<i32>} : memref<32768xf32, #tpu.memory_space<vmem>>, vector<16xf32>,
      tpu.vector_store %arg4[%swap3A], %broadcast_in_dim3A_5 {strides = array<i32>} : memref<32768xf32, #tpu.memory_space<vmem>>, vector<16xf32>,
      %scan3A_126 = arith.constant 0 : i32
      scf.yield %scan3A_126 : i32
    }
    %scan3A_11 = arith.constant 2048 : i32
    %run_scoped3A = arith.constant 0 : i32
    "tpu.region"() ({
      %run_scoped3A_121 = tpu.sem_alloc : memref<!tpu.dma_semaphore, #tpu.memory_space<semaphore_mem>>
      %dma_start3A = arith.constant 0 : i32
      %dma_start3A_122 = tpu.memref_slice %arg2[%run_scoped3A, %dma_start3A] : memref<2x49152xi32, #tpu.memory_space<hbm>> -> memref<1x4096xi32, #tpu.memory_space<hbm>>
      %dma_start3A_123 = tpu.memref_squeeze %dma_start3A_122 : memref<1x4096xi32, #tpu.memory_space<hbm>> -> memref<4096xi32, #tpu.memory_space<hbm>>
      %dma_start3A_124 = arith.constant 0 : i32
      %dma_start3A_125 = tpu.memref_slice %arg2[%run_scoped3A, %dma_start3A_124] : memref<2x49152xi32, #tpu.memory_space<hbm>> -> memref<1x4096xi32, #tpu.memory_space<hbm>>
      %dma_start3A_126 = tpu.memref_squeeze %dma_start3A_125 : memref<1x4096xi32, #tpu.memory_space<hbm>> -> memref<4096xi32, #tpu.memory_space<hbm>>
      tpu.enqueue_dma source(%dma_start3A_126 : memref<4096xi32, #tpu.memory_space<hbm>>) target(%arg5 : memref<4096xi32, #tpu.memory_space<vmem>>) target_semaphore(%run_scoped3A_121 : memref<!tpu.dma_semaphore, #tpu.memory_space<semaphore_mem>>)
      %dma_wait3A = arith.constant 0 : i32
      %dma_wait3A_127 = tpu.memref_slice %arg2[%run_scoped3A, %dma_wait3A] : memref<2x49152xi32, #tpu.memory_space<hbm>> -> memref<1x4096xi32, #tpu.memory_space<hbm>>
      %dma_wait3A_128 = tpu.memref_squeeze %dma_wait3A_127 : memref<1x4096xi32, #tpu.memory_space<hbm>> -> memref<4096xi32, #tpu.memory_space<hbm>>
      %dma_wait3A_129 = arith.constant 0 : i32
      %dma_wait3A_130 = tpu.memref_slice %arg2[%run_scoped3A, %dma_wait3A_129] : memref<2x49152xi32, #tpu.memory_space<hbm>> -> memref<1x4096xi32, #tpu.memory_space<hbm>>
      %dma_wait3A_131 = tpu.memref_squeeze %dma_wait3A_130 : memref<1x4096xi32, #tpu.memory_space<hbm>> -> memref<4096xi32, #tpu.memory_space<hbm>>
      tpu.wait_dma2 semaphore(%run_scoped3A_121 : memref<!tpu.dma_semaphore, #tpu.memory_space<semaphore_mem>>) src(%dma_wait3A_131 : memref<4096xi32, #tpu.memory_space<hbm>>) dst(%arg5 : memref<4096xi32, #tpu.memory_space<vmem>>)
      tpu.yield
    }) : () -> ()
    %run_scoped3A_12 = arith.constant 1 : i32
    "tpu.region"() ({
      %run_scoped3A_121 = tpu.sem_alloc : memref<!tpu.dma_semaphore, #tpu.memory_space<semaphore_mem>>
      %dma_start3A = arith.constant 0 : i32
      %dma_start3A_122 = tpu.memref_slice %arg2[%run_scoped3A_12, %dma_start3A] : memref<2x49152xi32, #tpu.memory_space<hbm>> -> memref<1x4096xi32, #tpu.memory_space<hbm>>
      %dma_start3A_123 = tpu.memref_squeeze %dma_start3A_122 : memref<1x4096xi32, #tpu.memory_space<hbm>> -> memref<4096xi32, #tpu.memory_space<hbm>>
      %dma_start3A_124 = arith.constant 0 : i32
      %dma_start3A_125 = tpu.memref_slice %arg2[%run_scoped3A_12, %dma_start3A_124] : memref<2x49152xi32, #tpu.memory_space<hbm>> -> memref<1x4096xi32, #tpu.memory_space<hbm>>
      %dma_start3A_126 = tpu.memref_squeeze %dma_start3A_125 : memref<1x4096xi32, #tpu.memory_space<hbm>> -> memref<4096xi32, #tpu.memory_space<hbm>>
      tpu.enqueue_dma source(%dma_start3A_126 : memref<4096xi32, #tpu.memory_space<hbm>>) target(%arg6 : memref<4096xi32, #tpu.memory_space<vmem>>) target_semaphore(%run_scoped3A_121 : memref<!tpu.dma_semaphore, #tpu.memory_space<semaphore_mem>>)
      %dma_wait3A = arith.constant 0 : i32
      %dma_wait3A_127 = tpu.memref_slice %arg2[%run_scoped3A_12, %dma_wait3A] : memref<2x49152xi32, #tpu.memory_space<hbm>> -> memref<1x4096xi32, #tpu.memory_space<hbm>>
      %dma_wait3A_128 = tpu.memref_squeeze %dma_wait3A_127 : memref<1x4096xi32, #tpu.memory_space<hbm>> -> memref<4096xi32, #tpu.memory_space<hbm>>
      %dma_wait3A_129 = arith.constant 0 : i32
      %dma_wait3A_130 = tpu.memref_slice %arg2[%run_scoped3A_12, %dma_wait3A_129] : memref<2x49152xi32, #tpu.memory_space<hbm>> -> memref<1x4096xi32, #tpu.memory_space<hbm>>
      %dma_wait3A_131 = tpu.memref_squeeze %dma_wait3A_130 : memref<1x4096xi32, #tpu.memory_space<hbm>> -> memref<4096xi32, #tpu.memory_space<hbm>>
      tpu.wait_dma2 semaphore(%run_scoped3A_121 : memref<!tpu.dma_semaphore, #tpu.memory_space<semaphore_mem>>) src(%dma_wait3A_131 : memref<4096xi32, #tpu.memory_space<hbm>>) dst(%arg6 : memref<4096xi32, #tpu.memory_space<vmem>>)
      tpu.yield
    }) : () -> ()
    %scan3A_13 = arith.constant 0 : i32
    %scan3A_14 = arith.constant 0 : i32
    %scan3A_15 = arith.constant 256 : i32
    %scan3A_16 = arith.addi %scan3A_14, %scan3A_15 : i32
    %scan3A_17 = arith.constant 1 : i32
    %scan3A_18 = scf.for %scan3A_121 = %scan3A_14 to %scan3A_16 step %scan3A_17 iter_args(%scan3A_122 = %scan3A_13) -> (i32)  : i32 {
      %mul3A_123 = arith.constant 16 : i32
      %mul3A_124 = arith.muli %scan3A_121, %mul3A_123 : i32
      %get3A = arith.index_cast %mul3A_124 : i32 to index
      %get3A_125 = tpu.vector_load %arg5[%get3A] {strides = array<i32>} : memref<4096xi32, #tpu.memory_space<vmem>>, vector<16xi32>,
      %mul3A_126 = arith.constant 16 : i32
      %mul3A_127 = arith.muli %scan3A_121, %mul3A_126 : i32
      %get3A_128 = arith.index_cast %mul3A_127 : i32 to index
      %get3A_129 = tpu.vector_load %arg6[%get3A_128] {strides = array<i32>} : memref<4096xi32, #tpu.memory_space<vmem>>, vector<16xi32>,
      %sub3A = vector.broadcast %mul3A_2 : i32 to vector<16xi32>
      %sub3A_130 = arith.subi %get3A_125, %sub3A : vector<16xi32>
      %mul3A_131 = arith.constant 1024 : i32
      %mul3A_132 = vector.broadcast %mul3A_131 : i32 to vector<16xi32>
      %mul3A_133 = arith.muli %sub3A_130, %mul3A_132 : vector<16xi32>
      %add3A_134 = arith.addi %mul3A_133, %get3A_129 : vector<16xi32>
      %ge3A = vector.broadcast %mul3A_2 : i32 to vector<16xi32>
      %ge3A_135 = arith.cmpi sge, %get3A_125, %ge3A : vector<16xi32>
      %add3A_136 = arith.constant 32 : i32
      %add3A_137 = arith.addi %mul3A_2, %add3A_136 : i32
      %lt3A = vector.broadcast %add3A_137 : i32 to vector<16xi32>
      %lt3A_138 = arith.cmpi slt, %get3A_125, %lt3A : vector<16xi32>
      %and3A = arith.andi %ge3A_135, %lt3A_138 : vector<16xi1>
      tpu.vector_store_idx %arg4[%add3A_134], %broadcast_in_dim3A_3 masked %and3A : memref<32768xf32, #tpu.memory_space<vmem>>[vector<16xi32>], vector<16xf32>, vector<16xi1>
      %scan3A_139 = arith.constant 0 : i32
      scf.yield %scan3A_139 : i32
    }
    %scan3A_19 = arith.constant 256 : i32
    %run_scoped3A_20 = arith.constant 0 : i32
    "tpu.region"() ({
      %run_scoped3A_121 = tpu.sem_alloc : memref<!tpu.dma_semaphore, #tpu.memory_space<semaphore_mem>>
      %dma_start3A = arith.constant 4096 : i32
      %dma_start3A_122 = tpu.memref_slice %arg2[%run_scoped3A_20, %dma_start3A] : memref<2x49152xi32, #tpu.memory_space<hbm>> -> memref<1x4096xi32, #tpu.memory_space<hbm>>
      %dma_start3A_123 = tpu.memref_squeeze %dma_start3A_122 : memref<1x4096xi32, #tpu.memory_space<hbm>> -> memref<4096xi32, #tpu.memory_space<hbm>>
      %dma_start3A_124 = arith.constant 4096 : i32
      %dma_start3A_125 = tpu.memref_slice %arg2[%run_scoped3A_20, %dma_start3A_124] : memref<2x49152xi32, #tpu.memory_space<hbm>> -> memref<1x4096xi32, #tpu.memory_space<hbm>>
      %dma_start3A_126 = tpu.memref_squeeze %dma_start3A_125 : memref<1x4096xi32, #tpu.memory_space<hbm>> -> memref<4096xi32, #tpu.memory_space<hbm>>
      tpu.enqueue_dma source(%dma_start3A_126 : memref<4096xi32, #tpu.memory_space<hbm>>) target(%arg5 : memref<4096xi32, #tpu.memory_space<vmem>>) target_semaphore(%run_scoped3A_121 : memref<!tpu.dma_semaphore, #tpu.memory_space<semaphore_mem>>)
      %dma_wait3A = arith.constant 4096 : i32
      %dma_wait3A_127 = tpu.memref_slice %arg2[%run_scoped3A_20, %dma_wait3A] : memref<2x49152xi32, #tpu.memory_space<hbm>> -> memref<1x4096xi32, #tpu.memory_space<hbm>>
      %dma_wait3A_128 = tpu.memref_squeeze %dma_wait3A_127 : memref<1x4096xi32, #tpu.memory_space<hbm>> -> memref<4096xi32, #tpu.memory_space<hbm>>
      %dma_wait3A_129 = arith.constant 4096 : i32
      %dma_wait3A_130 = tpu.memref_slice %arg2[%run_scoped3A_20, %dma_wait3A_129] : memref<2x49152xi32, #tpu.memory_space<hbm>> -> memref<1x4096xi32, #tpu.memory_space<hbm>>
      %dma_wait3A_131 = tpu.memref_squeeze %dma_wait3A_130 : memref<1x4096xi32, #tpu.memory_space<hbm>> -> memref<4096xi32, #tpu.memory_space<hbm>>
      tpu.wait_dma2 semaphore(%run_scoped3A_121 : memref<!tpu.dma_semaphore, #tpu.memory_space<semaphore_mem>>) src(%dma_wait3A_131 : memref<4096xi32, #tpu.memory_space<hbm>>) dst(%arg5 : memref<4096xi32, #tpu.memory_space<vmem>>)
      tpu.yield
    }) : () -> ()
    %run_scoped3A_21 = arith.constant 1 : i32
    "tpu.region"() ({
      %run_scoped3A_121 = tpu.sem_alloc : memref<!tpu.dma_semaphore, #tpu.memory_space<semaphore_mem>>
      %dma_start3A = arith.constant 4096 : i32
      %dma_start3A_122 = tpu.memref_slice %arg2[%run_scoped3A_21, %dma_start3A] : memref<2x49152xi32, #tpu.memory_space<hbm>> -> memref<1x4096xi32, #tpu.memory_space<hbm>>
      %dma_start3A_123 = tpu.memref_squeeze %dma_start3A_122 : memref<1x4096xi32, #tpu.memory_space<hbm>> -> memref<4096xi32, #tpu.memory_space<hbm>>
      %dma_start3A_124 = arith.constant 4096 : i32
      %dma_start3A_125 = tpu.memref_slice %arg2[%run_scoped3A_21, %dma_start3A_124] : memref<2x49152xi32, #tpu.memory_space<hbm>> -> memref<1x4096xi32, #tpu.memory_space<hbm>>
      %dma_start3A_126 = tpu.memref_squeeze %dma_start3A_125 : memref<1x4096xi32, #tpu.memory_space<hbm>> -> memref<4096xi32, #tpu.memory_space<hbm>>
      tpu.enqueue_dma source(%dma_start3A_126 : memref<4096xi32, #tpu.memory_space<hbm>>) target(%arg6 : memref<4096xi32, #tpu.memory_space<vmem>>) target_semaphore(%run_scoped3A_121 : memref<!tpu.dma_semaphore, #tpu.memory_space<semaphore_mem>>)
      %dma_wait3A = arith.constant 4096 : i32
      %dma_wait3A_127 = tpu.memref_slice %arg2[%run_scoped3A_21, %dma_wait3A] : memref<2x49152xi32, #tpu.memory_space<hbm>> -> memref<1x4096xi32, #tpu.memory_space<hbm>>
      %dma_wait3A_128 = tpu.memref_squeeze %dma_wait3A_127 : memref<1x4096xi32, #tpu.memory_space<hbm>> -> memref<4096xi32, #tpu.memory_space<hbm>>
      %dma_wait3A_129 = arith.constant 4096 : i32
      %dma_wait3A_130 = tpu.memref_slice %arg2[%run_scoped3A_21, %dma_wait3A_129] : memref<2x49152xi32, #tpu.memory_space<hbm>> -> memref<1x4096xi32, #tpu.memory_space<hbm>>
      %dma_wait3A_131 = tpu.memref_squeeze %dma_wait3A_130 : memref<1x4096xi32, #tpu.memory_space<hbm>> -> memref<4096xi32, #tpu.memory_space<hbm>>
      tpu.wait_dma2 semaphore(%run_scoped3A_121 : memref<!tpu.dma_semaphore, #tpu.memory_space<semaphore_mem>>) src(%dma_wait3A_131 : memref<4096xi32, #tpu.memory_space<hbm>>) dst(%arg6 : memref<4096xi32, #tpu.memory_space<vmem>>)
      tpu.yield
    }) : () -> ()
    %scan3A_22 = arith.constant 0 : i32
    %scan3A_23 = arith.constant 0 : i32
    %scan3A_24 = arith.constant 256 : i32
    %scan3A_25 = arith.addi %scan3A_23, %scan3A_24 : i32
    %scan3A_26 = arith.constant 1 : i32
    %scan3A_27 = scf.for %scan3A_121 = %scan3A_23 to %scan3A_25 step %scan3A_26 iter_args(%scan3A_122 = %scan3A_22) -> (i32)  : i32 {
      %mul3A_123 = arith.constant 16 : i32
      %mul3A_124 = arith.muli %scan3A_121, %mul3A_123 : i32
      %get3A = arith.index_cast %mul3A_124 : i32 to index
      %get3A_125 = tpu.vector_load %arg5[%get3A] {strides = array<i32>} : memref<4096xi32, #tpu.memory_space<vmem>>, vector<16xi32>,
      %mul3A_126 = arith.constant 16 : i32
      %mul3A_127 = arith.muli %scan3A_121, %mul3A_126 : i32
      %get3A_128 = arith.index_cast %mul3A_127 : i32 to index
      %get3A_129 = tpu.vector_load %arg6[%get3A_128] {strides = array<i32>} : memref<4096xi32, #tpu.memory_space<vmem>>, vector<16xi32>,
      %sub3A = vector.broadcast %mul3A_2 : i32 to vector<16xi32>
      %sub3A_130 = arith.subi %get3A_125, %sub3A : vector<16xi32>
      %mul3A_131 = arith.constant 1024 : i32
      %mul3A_132 = vector.broadcast %mul3A_131 : i32 to vector<16xi32>
      %mul3A_133 = arith.muli %sub3A_130, %mul3A_132 : vector<16xi32>
      %add3A_134 = arith.addi %mul3A_133, %get3A_129 : vector<16xi32>
      %ge3A = vector.broadcast %mul3A_2 : i32 to vector<16xi32>
      %ge3A_135 = arith.cmpi sge, %get3A_125, %ge3A : vector<16xi32>
      %add3A_136 = arith.constant 32 : i32
      %add3A_137 = arith.addi %mul3A_2, %add3A_136 : i32
      %lt3A = vector.broadcast %add3A_137 : i32 to vector<16xi32>
      %lt3A_138 = arith.cmpi slt, %get3A_125, %lt3A : vector<16xi32>
      %and3A = arith.andi %ge3A_135, %lt3A_138 : vector<16xi1>
      tpu.vector_store_idx %arg4[%add3A_134], %broadcast_in_dim3A_3 masked %and3A : memref<32768xf32, #tpu.memory_space<vmem>>[vector<16xi32>], vector<16xf32>, vector<16xi1>
      %scan3A_139 = arith.constant 0 : i32
      scf.yield %scan3A_139 : i32
    }
    %scan3A_28 = arith.constant 256 : i32
    %run_scoped3A_29 = arith.constant 0 : i32
    "tpu.region"() ({
      %run_scoped3A_121 = tpu.sem_alloc : memref<!tpu.dma_semaphore, #tpu.memory_space<semaphore_mem>>
      %dma_start3A = arith.constant 8192 : i32
      %dma_start3A_122 = tpu.memref_slice %arg2[%run_scoped3A_29, %dma_start3A] : memref<2x49152xi32, #tpu.memory_space<hbm>> -> memref<1x4096xi32, #tpu.memory_space<hbm>>
      %dma_start3A_123 = tpu.memref_squeeze %dma_start3A_122 : memref<1x4096xi32, #tpu.memory_space<hbm>> -> memref<4096xi32, #tpu.memory_space<hbm>>
      %dma_start3A_124 = arith.constant 8192 : i32
      %dma_start3A_125 = tpu.memref_slice %arg2[%run_scoped3A_29, %dma_start3A_124] : memref<2x49152xi32, #tpu.memory_space<hbm>> -> memref<1x4096xi32, #tpu.memory_space<hbm>>
      %dma_start3A_126 = tpu.memref_squeeze %dma_start3A_125 : memref<1x4096xi32, #tpu.memory_space<hbm>> -> memref<4096xi32, #tpu.memory_space<hbm>>
      tpu.enqueue_dma source(%dma_start3A_126 : memref<4096xi32, #tpu.memory_space<hbm>>) target(%arg5 : memref<4096xi32, #tpu.memory_space<vmem>>) target_semaphore(%run_scoped3A_121 : memref<!tpu.dma_semaphore, #tpu.memory_space<semaphore_mem>>)
      %dma_wait3A = arith.constant 8192 : i32
      %dma_wait3A_127 = tpu.memref_slice %arg2[%run_scoped3A_29, %dma_wait3A] : memref<2x49152xi32, #tpu.memory_space<hbm>> -> memref<1x4096xi32, #tpu.memory_space<hbm>>
      %dma_wait3A_128 = tpu.memref_squeeze %dma_wait3A_127 : memref<1x4096xi32, #tpu.memory_space<hbm>> -> memref<4096xi32, #tpu.memory_space<hbm>>
      %dma_wait3A_129 = arith.constant 8192 : i32
      %dma_wait3A_130 = tpu.memref_slice %arg2[%run_scoped3A_29, %dma_wait3A_129] : memref<2x49152xi32, #tpu.memory_space<hbm>> -> memref<1x4096xi32, #tpu.memory_space<hbm>>
      %dma_wait3A_131 = tpu.memref_squeeze %dma_wait3A_130 : memref<1x4096xi32, #tpu.memory_space<hbm>> -> memref<4096xi32, #tpu.memory_space<hbm>>
      tpu.wait_dma2 semaphore(%run_scoped3A_121 : memref<!tpu.dma_semaphore, #tpu.memory_space<semaphore_mem>>) src(%dma_wait3A_131 : memref<4096xi32, #tpu.memory_space<hbm>>) dst(%arg5 : memref<4096xi32, #tpu.memory_space<vmem>>)
      tpu.yield
    }) : () -> ()
    %run_scoped3A_30 = arith.constant 1 : i32
    "tpu.region"() ({
      %run_scoped3A_121 = tpu.sem_alloc : memref<!tpu.dma_semaphore, #tpu.memory_space<semaphore_mem>>
      %dma_start3A = arith.constant 8192 : i32
      %dma_start3A_122 = tpu.memref_slice %arg2[%run_scoped3A_30, %dma_start3A] : memref<2x49152xi32, #tpu.memory_space<hbm>> -> memref<1x4096xi32, #tpu.memory_space<hbm>>
      %dma_start3A_123 = tpu.memref_squeeze %dma_start3A_122 : memref<1x4096xi32, #tpu.memory_space<hbm>> -> memref<4096xi32, #tpu.memory_space<hbm>>
      %dma_start3A_124 = arith.constant 8192 : i32
      %dma_start3A_125 = tpu.memref_slice %arg2[%run_scoped3A_30, %dma_start3A_124] : memref<2x49152xi32, #tpu.memory_space<hbm>> -> memref<1x4096xi32, #tpu.memory_space<hbm>>
      %dma_start3A_126 = tpu.memref_squeeze %dma_start3A_125 : memref<1x4096xi32, #tpu.memory_space<hbm>> -> memref<4096xi32, #tpu.memory_space<hbm>>
      tpu.enqueue_dma source(%dma_start3A_126 : memref<4096xi32, #tpu.memory_space<hbm>>) target(%arg6 : memref<4096xi32, #tpu.memory_space<vmem>>) target_semaphore(%run_scoped3A_121 : memref<!tpu.dma_semaphore, #tpu.memory_space<semaphore_mem>>)
      %dma_wait3A = arith.constant 8192 : i32
      %dma_wait3A_127 = tpu.memref_slice %arg2[%run_scoped3A_30, %dma_wait3A] : memref<2x49152xi32, #tpu.memory_space<hbm>> -> memref<1x4096xi32, #tpu.memory_space<hbm>>
      %dma_wait3A_128 = tpu.memref_squeeze %dma_wait3A_127 : memref<1x4096xi32, #tpu.memory_space<hbm>> -> memref<4096xi32, #tpu.memory_space<hbm>>
      %dma_wait3A_129 = arith.constant 8192 : i32
      %dma_wait3A_130 = tpu.memref_slice %arg2[%run_scoped3A_30, %dma_wait3A_129] : memref<2x49152xi32, #tpu.memory_space<hbm>> -> memref<1x4096xi32, #tpu.memory_space<hbm>>
      %dma_wait3A_131 = tpu.memref_squeeze %dma_wait3A_130 : memref<1x4096xi32, #tpu.memory_space<hbm>> -> memref<4096xi32, #tpu.memory_space<hbm>>
      tpu.wait_dma2 semaphore(%run_scoped3A_121 : memref<!tpu.dma_semaphore, #tpu.memory_space<semaphore_mem>>) src(%dma_wait3A_131 : memref<4096xi32, #tpu.memory_space<hbm>>) dst(%arg6 : memref<4096xi32, #tpu.memory_space<vmem>>)
      tpu.yield
    }) : () -> ()
    %scan3A_31 = arith.constant 0 : i32
    %scan3A_32 = arith.constant 0 : i32
    %scan3A_33 = arith.constant 256 : i32
    %scan3A_34 = arith.addi %scan3A_32, %scan3A_33 : i32
    %scan3A_35 = arith.constant 1 : i32
    %scan3A_36 = scf.for %scan3A_121 = %scan3A_32 to %scan3A_34 step %scan3A_35 iter_args(%scan3A_122 = %scan3A_31) -> (i32)  : i32 {
      %mul3A_123 = arith.constant 16 : i32
      %mul3A_124 = arith.muli %scan3A_121, %mul3A_123 : i32
      %get3A = arith.index_cast %mul3A_124 : i32 to index
      %get3A_125 = tpu.vector_load %arg5[%get3A] {strides = array<i32>} : memref<4096xi32, #tpu.memory_space<vmem>>, vector<16xi32>,
      %mul3A_126 = arith.constant 16 : i32
      %mul3A_127 = arith.muli %scan3A_121, %mul3A_126 : i32
      %get3A_128 = arith.index_cast %mul3A_127 : i32 to index
      %get3A_129 = tpu.vector_load %arg6[%get3A_128] {strides = array<i32>} : memref<4096xi32, #tpu.memory_space<vmem>>, vector<16xi32>,
      %sub3A = vector.broadcast %mul3A_2 : i32 to vector<16xi32>
      %sub3A_130 = arith.subi %get3A_125, %sub3A : vector<16xi32>
      %mul3A_131 = arith.constant 1024 : i32
      %mul3A_132 = vector.broadcast %mul3A_131 : i32 to vector<16xi32>
      %mul3A_133 = arith.muli %sub3A_130, %mul3A_132 : vector<16xi32>
      %add3A_134 = arith.addi %mul3A_133, %get3A_129 : vector<16xi32>
      %ge3A = vector.broadcast %mul3A_2 : i32 to vector<16xi32>
      %ge3A_135 = arith.cmpi sge, %get3A_125, %ge3A : vector<16xi32>
      %add3A_136 = arith.constant 32 : i32
      %add3A_137 = arith.addi %mul3A_2, %add3A_136 : i32
      %lt3A = vector.broadcast %add3A_137 : i32 to vector<16xi32>
      %lt3A_138 = arith.cmpi slt, %get3A_125, %lt3A : vector<16xi32>
      %and3A = arith.andi %ge3A_135, %lt3A_138 : vector<16xi1>
      tpu.vector_store_idx %arg4[%add3A_134], %broadcast_in_dim3A_3 masked %and3A : memref<32768xf32, #tpu.memory_space<vmem>>[vector<16xi32>], vector<16xf32>, vector<16xi1>
      %scan3A_139 = arith.constant 0 : i32
      scf.yield %scan3A_139 : i32
    }
    %scan3A_37 = arith.constant 256 : i32
    %run_scoped3A_38 = arith.constant 0 : i32
    "tpu.region"() ({
      %run_scoped3A_121 = tpu.sem_alloc : memref<!tpu.dma_semaphore, #tpu.memory_space<semaphore_mem>>
      %dma_start3A = arith.constant 12288 : i32
      %dma_start3A_122 = tpu.memref_slice %arg2[%run_scoped3A_38, %dma_start3A] : memref<2x49152xi32, #tpu.memory_space<hbm>> -> memref<1x4096xi32, #tpu.memory_space<hbm>>
      %dma_start3A_123 = tpu.memref_squeeze %dma_start3A_122 : memref<1x4096xi32, #tpu.memory_space<hbm>> -> memref<4096xi32, #tpu.memory_space<hbm>>
      %dma_start3A_124 = arith.constant 12288 : i32
      %dma_start3A_125 = tpu.memref_slice %arg2[%run_scoped3A_38, %dma_start3A_124] : memref<2x49152xi32, #tpu.memory_space<hbm>> -> memref<1x4096xi32, #tpu.memory_space<hbm>>
      %dma_start3A_126 = tpu.memref_squeeze %dma_start3A_125 : memref<1x4096xi32, #tpu.memory_space<hbm>> -> memref<4096xi32, #tpu.memory_space<hbm>>
      tpu.enqueue_dma source(%dma_start3A_126 : memref<4096xi32, #tpu.memory_space<hbm>>) target(%arg5 : memref<4096xi32, #tpu.memory_space<vmem>>) target_semaphore(%run_scoped3A_121 : memref<!tpu.dma_semaphore, #tpu.memory_space<semaphore_mem>>)
      %dma_wait3A = arith.constant 12288 : i32
      %dma_wait3A_127 = tpu.memref_slice %arg2[%run_scoped3A_38, %dma_wait3A] : memref<2x49152xi32, #tpu.memory_space<hbm>> -> memref<1x4096xi32, #tpu.memory_space<hbm>>
      %dma_wait3A_128 = tpu.memref_squeeze %dma_wait3A_127 : memref<1x4096xi32, #tpu.memory_space<hbm>> -> memref<4096xi32, #tpu.memory_space<hbm>>
      %dma_wait3A_129 = arith.constant 12288 : i32
      %dma_wait3A_130 = tpu.memref_slice %arg2[%run_scoped3A_38, %dma_wait3A_129] : memref<2x49152xi32, #tpu.memory_space<hbm>> -> memref<1x4096xi32, #tpu.memory_space<hbm>>
      %dma_wait3A_131 = tpu.memref_squeeze %dma_wait3A_130 : memref<1x4096xi32, #tpu.memory_space<hbm>> -> memref<4096xi32, #tpu.memory_space<hbm>>
      tpu.wait_dma2 semaphore(%run_scoped3A_121 : memref<!tpu.dma_semaphore, #tpu.memory_space<semaphore_mem>>) src(%dma_wait3A_131 : memref<4096xi32, #tpu.memory_space<hbm>>) dst(%arg5 : memref<4096xi32, #tpu.memory_space<vmem>>)
      tpu.yield
    }) : () -> ()
    %run_scoped3A_39 = arith.constant 1 : i32
    "tpu.region"() ({
      %run_scoped3A_121 = tpu.sem_alloc : memref<!tpu.dma_semaphore, #tpu.memory_space<semaphore_mem>>
      %dma_start3A = arith.constant 12288 : i32
      %dma_start3A_122 = tpu.memref_slice %arg2[%run_scoped3A_39, %dma_start3A] : memref<2x49152xi32, #tpu.memory_space<hbm>> -> memref<1x4096xi32, #tpu.memory_space<hbm>>
      %dma_start3A_123 = tpu.memref_squeeze %dma_start3A_122 : memref<1x4096xi32, #tpu.memory_space<hbm>> -> memref<4096xi32, #tpu.memory_space<hbm>>
      %dma_start3A_124 = arith.constant 12288 : i32
      %dma_start3A_125 = tpu.memref_slice %arg2[%run_scoped3A_39, %dma_start3A_124] : memref<2x49152xi32, #tpu.memory_space<hbm>> -> memref<1x4096xi32, #tpu.memory_space<hbm>>
      %dma_start3A_126 = tpu.memref_squeeze %dma_start3A_125 : memref<1x4096xi32, #tpu.memory_space<hbm>> -> memref<4096xi32, #tpu.memory_space<hbm>>
      tpu.enqueue_dma source(%dma_start3A_126 : memref<4096xi32, #tpu.memory_space<hbm>>) target(%arg6 : memref<4096xi32, #tpu.memory_space<vmem>>) target_semaphore(%run_scoped3A_121 : memref<!tpu.dma_semaphore, #tpu.memory_space<semaphore_mem>>)
      %dma_wait3A = arith.constant 12288 : i32
      %dma_wait3A_127 = tpu.memref_slice %arg2[%run_scoped3A_39, %dma_wait3A] : memref<2x49152xi32, #tpu.memory_space<hbm>> -> memref<1x4096xi32, #tpu.memory_space<hbm>>
      %dma_wait3A_128 = tpu.memref_squeeze %dma_wait3A_127 : memref<1x4096xi32, #tpu.memory_space<hbm>> -> memref<4096xi32, #tpu.memory_space<hbm>>
      %dma_wait3A_129 = arith.constant 12288 : i32
      %dma_wait3A_130 = tpu.memref_slice %arg2[%run_scoped3A_39, %dma_wait3A_129] : memref<2x49152xi32, #tpu.memory_space<hbm>> -> memref<1x4096xi32, #tpu.memory_space<hbm>>
      %dma_wait3A_131 = tpu.memref_squeeze %dma_wait3A_130 : memref<1x4096xi32, #tpu.memory_space<hbm>> -> memref<4096xi32, #tpu.memory_space<hbm>>
      tpu.wait_dma2 semaphore(%run_scoped3A_121 : memref<!tpu.dma_semaphore, #tpu.memory_space<semaphore_mem>>) src(%dma_wait3A_131 : memref<4096xi32, #tpu.memory_space<hbm>>) dst(%arg6 : memref<4096xi32, #tpu.memory_space<vmem>>)
      tpu.yield
    }) : () -> ()
    %scan3A_40 = arith.constant 0 : i32
    %scan3A_41 = arith.constant 0 : i32
    %scan3A_42 = arith.constant 256 : i32
    %scan3A_43 = arith.addi %scan3A_41, %scan3A_42 : i32
    %scan3A_44 = arith.constant 1 : i32
    %scan3A_45 = scf.for %scan3A_121 = %scan3A_41 to %scan3A_43 step %scan3A_44 iter_args(%scan3A_122 = %scan3A_40) -> (i32)  : i32 {
      %mul3A_123 = arith.constant 16 : i32
      %mul3A_124 = arith.muli %scan3A_121, %mul3A_123 : i32
      %get3A = arith.index_cast %mul3A_124 : i32 to index
      %get3A_125 = tpu.vector_load %arg5[%get3A] {strides = array<i32>} : memref<4096xi32, #tpu.memory_space<vmem>>, vector<16xi32>,
      %mul3A_126 = arith.constant 16 : i32
      %mul3A_127 = arith.muli %scan3A_121, %mul3A_126 : i32
      %get3A_128 = arith.index_cast %mul3A_127 : i32 to index
      %get3A_129 = tpu.vector_load %arg6[%get3A_128] {strides = array<i32>} : memref<4096xi32, #tpu.memory_space<vmem>>, vector<16xi32>,
      %sub3A = vector.broadcast %mul3A_2 : i32 to vector<16xi32>
      %sub3A_130 = arith.subi %get3A_125, %sub3A : vector<16xi32>
      %mul3A_131 = arith.constant 1024 : i32
      %mul3A_132 = vector.broadcast %mul3A_131 : i32 to vector<16xi32>
      %mul3A_133 = arith.muli %sub3A_130, %mul3A_132 : vector<16xi32>
      %add3A_134 = arith.addi %mul3A_133, %get3A_129 : vector<16xi32>
      %ge3A = vector.broadcast %mul3A_2 : i32 to vector<16xi32>
      %ge3A_135 = arith.cmpi sge, %get3A_125, %ge3A : vector<16xi32>
      %add3A_136 = arith.constant 32 : i32
      %add3A_137 = arith.addi %mul3A_2, %add3A_136 : i32
      %lt3A = vector.broadcast %add3A_137 : i32 to vector<16xi32>
      %lt3A_138 = arith.cmpi slt, %get3A_125, %lt3A : vector<16xi32>
      %and3A = arith.andi %ge3A_135, %lt3A_138 : vector<16xi1>
      tpu.vector_store_idx %arg4[%add3A_134], %broadcast_in_dim3A_3 masked %and3A : memref<32768xf32, #tpu.memory_space<vmem>>[vector<16xi32>], vector<16xf32>, vector<16xi1>
      %scan3A_139 = arith.constant 0 : i32
      scf.yield %scan3A_139 : i32
    }
    %scan3A_46 = arith.constant 256 : i32
    %run_scoped3A_47 = arith.constant 0 : i32
    "tpu.region"() ({
      %run_scoped3A_121 = tpu.sem_alloc : memref<!tpu.dma_semaphore, #tpu.memory_space<semaphore_mem>>
      %dma_start3A = arith.constant 16384 : i32
      %dma_start3A_122 = tpu.memref_slice %arg2[%run_scoped3A_47, %dma_start3A] : memref<2x49152xi32, #tpu.memory_space<hbm>> -> memref<1x4096xi32, #tpu.memory_space<hbm>>
      %dma_start3A_123 = tpu.memref_squeeze %dma_start3A_122 : memref<1x4096xi32, #tpu.memory_space<hbm>> -> memref<4096xi32, #tpu.memory_space<hbm>>
      %dma_start3A_124 = arith.constant 16384 : i32
      %dma_start3A_125 = tpu.memref_slice %arg2[%run_scoped3A_47, %dma_start3A_124] : memref<2x49152xi32, #tpu.memory_space<hbm>> -> memref<1x4096xi32, #tpu.memory_space<hbm>>
      %dma_start3A_126 = tpu.memref_squeeze %dma_start3A_125 : memref<1x4096xi32, #tpu.memory_space<hbm>> -> memref<4096xi32, #tpu.memory_space<hbm>>
      tpu.enqueue_dma source(%dma_start3A_126 : memref<4096xi32, #tpu.memory_space<hbm>>) target(%arg5 : memref<4096xi32, #tpu.memory_space<vmem>>) target_semaphore(%run_scoped3A_121 : memref<!tpu.dma_semaphore, #tpu.memory_space<semaphore_mem>>)
      %dma_wait3A = arith.constant 16384 : i32
      %dma_wait3A_127 = tpu.memref_slice %arg2[%run_scoped3A_47, %dma_wait3A] : memref<2x49152xi32, #tpu.memory_space<hbm>> -> memref<1x4096xi32, #tpu.memory_space<hbm>>
      %dma_wait3A_128 = tpu.memref_squeeze %dma_wait3A_127 : memref<1x4096xi32, #tpu.memory_space<hbm>> -> memref<4096xi32, #tpu.memory_space<hbm>>
      %dma_wait3A_129 = arith.constant 16384 : i32
      %dma_wait3A_130 = tpu.memref_slice %arg2[%run_scoped3A_47, %dma_wait3A_129] : memref<2x49152xi32, #tpu.memory_space<hbm>> -> memref<1x4096xi32, #tpu.memory_space<hbm>>
      %dma_wait3A_131 = tpu.memref_squeeze %dma_wait3A_130 : memref<1x4096xi32, #tpu.memory_space<hbm>> -> memref<4096xi32, #tpu.memory_space<hbm>>
      tpu.wait_dma2 semaphore(%run_scoped3A_121 : memref<!tpu.dma_semaphore, #tpu.memory_space<semaphore_mem>>) src(%dma_wait3A_131 : memref<4096xi32, #tpu.memory_space<hbm>>) dst(%arg5 : memref<4096xi32, #tpu.memory_space<vmem>>)
      tpu.yield
    }) : () -> ()
    %run_scoped3A_48 = arith.constant 1 : i32
    "tpu.region"() ({
      %run_scoped3A_121 = tpu.sem_alloc : memref<!tpu.dma_semaphore, #tpu.memory_space<semaphore_mem>>
      %dma_start3A = arith.constant 16384 : i32
      %dma_start3A_122 = tpu.memref_slice %arg2[%run_scoped3A_48, %dma_start3A] : memref<2x49152xi32, #tpu.memory_space<hbm>> -> memref<1x4096xi32, #tpu.memory_space<hbm>>
      %dma_start3A_123 = tpu.memref_squeeze %dma_start3A_122 : memref<1x4096xi32, #tpu.memory_space<hbm>> -> memref<4096xi32, #tpu.memory_space<hbm>>
      %dma_start3A_124 = arith.constant 16384 : i32
      %dma_start3A_125 = tpu.memref_slice %arg2[%run_scoped3A_48, %dma_start3A_124] : memref<2x49152xi32, #tpu.memory_space<hbm>> -> memref<1x4096xi32, #tpu.memory_space<hbm>>
      %dma_start3A_126 = tpu.memref_squeeze %dma_start3A_125 : memref<1x4096xi32, #tpu.memory_space<hbm>> -> memref<4096xi32, #tpu.memory_space<hbm>>
      tpu.enqueue_dma source(%dma_start3A_126 : memref<4096xi32, #tpu.memory_space<hbm>>) target(%arg6 : memref<4096xi32, #tpu.memory_space<vmem>>) target_semaphore(%run_scoped3A_121 : memref<!tpu.dma_semaphore, #tpu.memory_space<semaphore_mem>>)
      %dma_wait3A = arith.constant 16384 : i32
      %dma_wait3A_127 = tpu.memref_slice %arg2[%run_scoped3A_48, %dma_wait3A] : memref<2x49152xi32, #tpu.memory_space<hbm>> -> memref<1x4096xi32, #tpu.memory_space<hbm>>
      %dma_wait3A_128 = tpu.memref_squeeze %dma_wait3A_127 : memref<1x4096xi32, #tpu.memory_space<hbm>> -> memref<4096xi32, #tpu.memory_space<hbm>>
      %dma_wait3A_129 = arith.constant 16384 : i32
      %dma_wait3A_130 = tpu.memref_slice %arg2[%run_scoped3A_48, %dma_wait3A_129] : memref<2x49152xi32, #tpu.memory_space<hbm>> -> memref<1x4096xi32, #tpu.memory_space<hbm>>
      %dma_wait3A_131 = tpu.memref_squeeze %dma_wait3A_130 : memref<1x4096xi32, #tpu.memory_space<hbm>> -> memref<4096xi32, #tpu.memory_space<hbm>>
      tpu.wait_dma2 semaphore(%run_scoped3A_121 : memref<!tpu.dma_semaphore, #tpu.memory_space<semaphore_mem>>) src(%dma_wait3A_131 : memref<4096xi32, #tpu.memory_space<hbm>>) dst(%arg6 : memref<4096xi32, #tpu.memory_space<vmem>>)
      tpu.yield
    }) : () -> ()
    %scan3A_49 = arith.constant 0 : i32
    %scan3A_50 = arith.constant 0 : i32
    %scan3A_51 = arith.constant 256 : i32
    %scan3A_52 = arith.addi %scan3A_50, %scan3A_51 : i32
    %scan3A_53 = arith.constant 1 : i32
    %scan3A_54 = scf.for %scan3A_121 = %scan3A_50 to %scan3A_52 step %scan3A_53 iter_args(%scan3A_122 = %scan3A_49) -> (i32)  : i32 {
      %mul3A_123 = arith.constant 16 : i32
      %mul3A_124 = arith.muli %scan3A_121, %mul3A_123 : i32
      %get3A = arith.index_cast %mul3A_124 : i32 to index
      %get3A_125 = tpu.vector_load %arg5[%get3A] {strides = array<i32>} : memref<4096xi32, #tpu.memory_space<vmem>>, vector<16xi32>,
      %mul3A_126 = arith.constant 16 : i32
      %mul3A_127 = arith.muli %scan3A_121, %mul3A_126 : i32
      %get3A_128 = arith.index_cast %mul3A_127 : i32 to index
      %get3A_129 = tpu.vector_load %arg6[%get3A_128] {strides = array<i32>} : memref<4096xi32, #tpu.memory_space<vmem>>, vector<16xi32>,
      %sub3A = vector.broadcast %mul3A_2 : i32 to vector<16xi32>
      %sub3A_130 = arith.subi %get3A_125, %sub3A : vector<16xi32>
      %mul3A_131 = arith.constant 1024 : i32
      %mul3A_132 = vector.broadcast %mul3A_131 : i32 to vector<16xi32>
      %mul3A_133 = arith.muli %sub3A_130, %mul3A_132 : vector<16xi32>
      %add3A_134 = arith.addi %mul3A_133, %get3A_129 : vector<16xi32>
      %ge3A = vector.broadcast %mul3A_2 : i32 to vector<16xi32>
      %ge3A_135 = arith.cmpi sge, %get3A_125, %ge3A : vector<16xi32>
      %add3A_136 = arith.constant 32 : i32
      %add3A_137 = arith.addi %mul3A_2, %add3A_136 : i32
      %lt3A = vector.broadcast %add3A_137 : i32 to vector<16xi32>
      %lt3A_138 = arith.cmpi slt, %get3A_125, %lt3A : vector<16xi32>
      %and3A = arith.andi %ge3A_135, %lt3A_138 : vector<16xi1>
      tpu.vector_store_idx %arg4[%add3A_134], %broadcast_in_dim3A_3 masked %and3A : memref<32768xf32, #tpu.memory_space<vmem>>[vector<16xi32>], vector<16xf32>, vector<16xi1>
      %scan3A_139 = arith.constant 0 : i32
      scf.yield %scan3A_139 : i32
    }
    %scan3A_55 = arith.constant 256 : i32
    %run_scoped3A_56 = arith.constant 0 : i32
    "tpu.region"() ({
      %run_scoped3A_121 = tpu.sem_alloc : memref<!tpu.dma_semaphore, #tpu.memory_space<semaphore_mem>>
      %dma_start3A = arith.constant 20480 : i32
      %dma_start3A_122 = tpu.memref_slice %arg2[%run_scoped3A_56, %dma_start3A] : memref<2x49152xi32, #tpu.memory_space<hbm>> -> memref<1x4096xi32, #tpu.memory_space<hbm>>
      %dma_start3A_123 = tpu.memref_squeeze %dma_start3A_122 : memref<1x4096xi32, #tpu.memory_space<hbm>> -> memref<4096xi32, #tpu.memory_space<hbm>>
      %dma_start3A_124 = arith.constant 20480 : i32
      %dma_start3A_125 = tpu.memref_slice %arg2[%run_scoped3A_56, %dma_start3A_124] : memref<2x49152xi32, #tpu.memory_space<hbm>> -> memref<1x4096xi32, #tpu.memory_space<hbm>>
      %dma_start3A_126 = tpu.memref_squeeze %dma_start3A_125 : memref<1x4096xi32, #tpu.memory_space<hbm>> -> memref<4096xi32, #tpu.memory_space<hbm>>
      tpu.enqueue_dma source(%dma_start3A_126 : memref<4096xi32, #tpu.memory_space<hbm>>) target(%arg5 : memref<4096xi32, #tpu.memory_space<vmem>>) target_semaphore(%run_scoped3A_121 : memref<!tpu.dma_semaphore, #tpu.memory_space<semaphore_mem>>)
      %dma_wait3A = arith.constant 20480 : i32
      %dma_wait3A_127 = tpu.memref_slice %arg2[%run_scoped3A_56, %dma_wait3A] : memref<2x49152xi32, #tpu.memory_space<hbm>> -> memref<1x4096xi32, #tpu.memory_space<hbm>>
      %dma_wait3A_128 = tpu.memref_squeeze %dma_wait3A_127 : memref<1x4096xi32, #tpu.memory_space<hbm>> -> memref<4096xi32, #tpu.memory_space<hbm>>
      %dma_wait3A_129 = arith.constant 20480 : i32
      %dma_wait3A_130 = tpu.memref_slice %arg2[%run_scoped3A_56, %dma_wait3A_129] : memref<2x49152xi32, #tpu.memory_space<hbm>> -> memref<1x4096xi32, #tpu.memory_space<hbm>>
      %dma_wait3A_131 = tpu.memref_squeeze %dma_wait3A_130 : memref<1x4096xi32, #tpu.memory_space<hbm>> -> memref<4096xi32, #tpu.memory_space<hbm>>
      tpu.wait_dma2 semaphore(%run_scoped3A_121 : memref<!tpu.dma_semaphore, #tpu.memory_space<semaphore_mem>>) src(%dma_wait3A_131 : memref<4096xi32, #tpu.memory_space<hbm>>) dst(%arg5 : memref<4096xi32, #tpu.memory_space<vmem>>)
      tpu.yield
    }) : () -> ()
    %run_scoped3A_57 = arith.constant 1 : i32
    "tpu.region"() ({
      %run_scoped3A_121 = tpu.sem_alloc : memref<!tpu.dma_semaphore, #tpu.memory_space<semaphore_mem>>
      %dma_start3A = arith.constant 20480 : i32
      %dma_start3A_122 = tpu.memref_slice %arg2[%run_scoped3A_57, %dma_start3A] : memref<2x49152xi32, #tpu.memory_space<hbm>> -> memref<1x4096xi32, #tpu.memory_space<hbm>>
      %dma_start3A_123 = tpu.memref_squeeze %dma_start3A_122 : memref<1x4096xi32, #tpu.memory_space<hbm>> -> memref<4096xi32, #tpu.memory_space<hbm>>
      %dma_start3A_124 = arith.constant 20480 : i32
      %dma_start3A_125 = tpu.memref_slice %arg2[%run_scoped3A_57, %dma_start3A_124] : memref<2x49152xi32, #tpu.memory_space<hbm>> -> memref<1x4096xi32, #tpu.memory_space<hbm>>
      %dma_start3A_126 = tpu.memref_squeeze %dma_start3A_125 : memref<1x4096xi32, #tpu.memory_space<hbm>> -> memref<4096xi32, #tpu.memory_space<hbm>>
      tpu.enqueue_dma source(%dma_start3A_126 : memref<4096xi32, #tpu.memory_space<hbm>>) target(%arg6 : memref<4096xi32, #tpu.memory_space<vmem>>) target_semaphore(%run_scoped3A_121 : memref<!tpu.dma_semaphore, #tpu.memory_space<semaphore_mem>>)
      %dma_wait3A = arith.constant 20480 : i32
      %dma_wait3A_127 = tpu.memref_slice %arg2[%run_scoped3A_57, %dma_wait3A] : memref<2x49152xi32, #tpu.memory_space<hbm>> -> memref<1x4096xi32, #tpu.memory_space<hbm>>
      %dma_wait3A_128 = tpu.memref_squeeze %dma_wait3A_127 : memref<1x4096xi32, #tpu.memory_space<hbm>> -> memref<4096xi32, #tpu.memory_space<hbm>>
      %dma_wait3A_129 = arith.constant 20480 : i32
      %dma_wait3A_130 = tpu.memref_slice %arg2[%run_scoped3A_57, %dma_wait3A_129] : memref<2x49152xi32, #tpu.memory_space<hbm>> -> memref<1x4096xi32, #tpu.memory_space<hbm>>
      %dma_wait3A_131 = tpu.memref_squeeze %dma_wait3A_130 : memref<1x4096xi32, #tpu.memory_space<hbm>> -> memref<4096xi32, #tpu.memory_space<hbm>>
      tpu.wait_dma2 semaphore(%run_scoped3A_121 : memref<!tpu.dma_semaphore, #tpu.memory_space<semaphore_mem>>) src(%dma_wait3A_131 : memref<4096xi32, #tpu.memory_space<hbm>>) dst(%arg6 : memref<4096xi32, #tpu.memory_space<vmem>>)
      tpu.yield
    }) : () -> ()
    %scan3A_58 = arith.constant 0 : i32
    %scan3A_59 = arith.constant 0 : i32
    %scan3A_60 = arith.constant 256 : i32
    %scan3A_61 = arith.addi %scan3A_59, %scan3A_60 : i32
    %scan3A_62 = arith.constant 1 : i32
    %scan3A_63 = scf.for %scan3A_121 = %scan3A_59 to %scan3A_61 step %scan3A_62 iter_args(%scan3A_122 = %scan3A_58) -> (i32)  : i32 {
      %mul3A_123 = arith.constant 16 : i32
      %mul3A_124 = arith.muli %scan3A_121, %mul3A_123 : i32
      %get3A = arith.index_cast %mul3A_124 : i32 to index
      %get3A_125 = tpu.vector_load %arg5[%get3A] {strides = array<i32>} : memref<4096xi32, #tpu.memory_space<vmem>>, vector<16xi32>,
      %mul3A_126 = arith.constant 16 : i32
      %mul3A_127 = arith.muli %scan3A_121, %mul3A_126 : i32
      %get3A_128 = arith.index_cast %mul3A_127 : i32 to index
      %get3A_129 = tpu.vector_load %arg6[%get3A_128] {strides = array<i32>} : memref<4096xi32, #tpu.memory_space<vmem>>, vector<16xi32>,
      %sub3A = vector.broadcast %mul3A_2 : i32 to vector<16xi32>
      %sub3A_130 = arith.subi %get3A_125, %sub3A : vector<16xi32>
      %mul3A_131 = arith.constant 1024 : i32
      %mul3A_132 = vector.broadcast %mul3A_131 : i32 to vector<16xi32>
      %mul3A_133 = arith.muli %sub3A_130, %mul3A_132 : vector<16xi32>
      %add3A_134 = arith.addi %mul3A_133, %get3A_129 : vector<16xi32>
      %ge3A = vector.broadcast %mul3A_2 : i32 to vector<16xi32>
      %ge3A_135 = arith.cmpi sge, %get3A_125, %ge3A : vector<16xi32>
      %add3A_136 = arith.constant 32 : i32
      %add3A_137 = arith.addi %mul3A_2, %add3A_136 : i32
      %lt3A = vector.broadcast %add3A_137 : i32 to vector<16xi32>
      %lt3A_138 = arith.cmpi slt, %get3A_125, %lt3A : vector<16xi32>
      %and3A = arith.andi %ge3A_135, %lt3A_138 : vector<16xi1>
      tpu.vector_store_idx %arg4[%add3A_134], %broadcast_in_dim3A_3 masked %and3A : memref<32768xf32, #tpu.memory_space<vmem>>[vector<16xi32>], vector<16xf32>, vector<16xi1>
      %scan3A_139 = arith.constant 0 : i32
      scf.yield %scan3A_139 : i32
    }
    %scan3A_64 = arith.constant 256 : i32
    %run_scoped3A_65 = arith.constant 0 : i32
    "tpu.region"() ({
      %run_scoped3A_121 = tpu.sem_alloc : memref<!tpu.dma_semaphore, #tpu.memory_space<semaphore_mem>>
      %dma_start3A = arith.constant 24576 : i32
      %dma_start3A_122 = tpu.memref_slice %arg2[%run_scoped3A_65, %dma_start3A] : memref<2x49152xi32, #tpu.memory_space<hbm>> -> memref<1x4096xi32, #tpu.memory_space<hbm>>
      %dma_start3A_123 = tpu.memref_squeeze %dma_start3A_122 : memref<1x4096xi32, #tpu.memory_space<hbm>> -> memref<4096xi32, #tpu.memory_space<hbm>>
      %dma_start3A_124 = arith.constant 24576 : i32
      %dma_start3A_125 = tpu.memref_slice %arg2[%run_scoped3A_65, %dma_start3A_124] : memref<2x49152xi32, #tpu.memory_space<hbm>> -> memref<1x4096xi32, #tpu.memory_space<hbm>>
      %dma_start3A_126 = tpu.memref_squeeze %dma_start3A_125 : memref<1x4096xi32, #tpu.memory_space<hbm>> -> memref<4096xi32, #tpu.memory_space<hbm>>
      tpu.enqueue_dma source(%dma_start3A_126 : memref<4096xi32, #tpu.memory_space<hbm>>) target(%arg5 : memref<4096xi32, #tpu.memory_space<vmem>>) target_semaphore(%run_scoped3A_121 : memref<!tpu.dma_semaphore, #tpu.memory_space<semaphore_mem>>)
      %dma_wait3A = arith.constant 24576 : i32
      %dma_wait3A_127 = tpu.memref_slice %arg2[%run_scoped3A_65, %dma_wait3A] : memref<2x49152xi32, #tpu.memory_space<hbm>> -> memref<1x4096xi32, #tpu.memory_space<hbm>>
      %dma_wait3A_128 = tpu.memref_squeeze %dma_wait3A_127 : memref<1x4096xi32, #tpu.memory_space<hbm>> -> memref<4096xi32, #tpu.memory_space<hbm>>
      %dma_wait3A_129 = arith.constant 24576 : i32
      %dma_wait3A_130 = tpu.memref_slice %arg2[%run_scoped3A_65, %dma_wait3A_129] : memref<2x49152xi32, #tpu.memory_space<hbm>> -> memref<1x4096xi32, #tpu.memory_space<hbm>>
      %dma_wait3A_131 = tpu.memref_squeeze %dma_wait3A_130 : memref<1x4096xi32, #tpu.memory_space<hbm>> -> memref<4096xi32, #tpu.memory_space<hbm>>
      tpu.wait_dma2 semaphore(%run_scoped3A_121 : memref<!tpu.dma_semaphore, #tpu.memory_space<semaphore_mem>>) src(%dma_wait3A_131 : memref<4096xi32, #tpu.memory_space<hbm>>) dst(%arg5 : memref<4096xi32, #tpu.memory_space<vmem>>)
      tpu.yield
    }) : () -> ()
    %run_scoped3A_66 = arith.constant 1 : i32
    "tpu.region"() ({
      %run_scoped3A_121 = tpu.sem_alloc : memref<!tpu.dma_semaphore, #tpu.memory_space<semaphore_mem>>
      %dma_start3A = arith.constant 24576 : i32
      %dma_start3A_122 = tpu.memref_slice %arg2[%run_scoped3A_66, %dma_start3A] : memref<2x49152xi32, #tpu.memory_space<hbm>> -> memref<1x4096xi32, #tpu.memory_space<hbm>>
      %dma_start3A_123 = tpu.memref_squeeze %dma_start3A_122 : memref<1x4096xi32, #tpu.memory_space<hbm>> -> memref<4096xi32, #tpu.memory_space<hbm>>
      %dma_start3A_124 = arith.constant 24576 : i32
      %dma_start3A_125 = tpu.memref_slice %arg2[%run_scoped3A_66, %dma_start3A_124] : memref<2x49152xi32, #tpu.memory_space<hbm>> -> memref<1x4096xi32, #tpu.memory_space<hbm>>
      %dma_start3A_126 = tpu.memref_squeeze %dma_start3A_125 : memref<1x4096xi32, #tpu.memory_space<hbm>> -> memref<4096xi32, #tpu.memory_space<hbm>>
      tpu.enqueue_dma source(%dma_start3A_126 : memref<4096xi32, #tpu.memory_space<hbm>>) target(%arg6 : memref<4096xi32, #tpu.memory_space<vmem>>) target_semaphore(%run_scoped3A_121 : memref<!tpu.dma_semaphore, #tpu.memory_space<semaphore_mem>>)
      %dma_wait3A = arith.constant 24576 : i32
      %dma_wait3A_127 = tpu.memref_slice %arg2[%run_scoped3A_66, %dma_wait3A] : memref<2x49152xi32, #tpu.memory_space<hbm>> -> memref<1x4096xi32, #tpu.memory_space<hbm>>
      %dma_wait3A_128 = tpu.memref_squeeze %dma_wait3A_127 : memref<1x4096xi32, #tpu.memory_space<hbm>> -> memref<4096xi32, #tpu.memory_space<hbm>>
      %dma_wait3A_129 = arith.constant 24576 : i32
      %dma_wait3A_130 = tpu.memref_slice %arg2[%run_scoped3A_66, %dma_wait3A_129] : memref<2x49152xi32, #tpu.memory_space<hbm>> -> memref<1x4096xi32, #tpu.memory_space<hbm>>
      %dma_wait3A_131 = tpu.memref_squeeze %dma_wait3A_130 : memref<1x4096xi32, #tpu.memory_space<hbm>> -> memref<4096xi32, #tpu.memory_space<hbm>>
      tpu.wait_dma2 semaphore(%run_scoped3A_121 : memref<!tpu.dma_semaphore, #tpu.memory_space<semaphore_mem>>) src(%dma_wait3A_131 : memref<4096xi32, #tpu.memory_space<hbm>>) dst(%arg6 : memref<4096xi32, #tpu.memory_space<vmem>>)
      tpu.yield
    }) : () -> ()
    %scan3A_67 = arith.constant 0 : i32
    %scan3A_68 = arith.constant 0 : i32
    %scan3A_69 = arith.constant 256 : i32
    %scan3A_70 = arith.addi %scan3A_68, %scan3A_69 : i32
    %scan3A_71 = arith.constant 1 : i32
    %scan3A_72 = scf.for %scan3A_121 = %scan3A_68 to %scan3A_70 step %scan3A_71 iter_args(%scan3A_122 = %scan3A_67) -> (i32)  : i32 {
      %mul3A_123 = arith.constant 16 : i32
      %mul3A_124 = arith.muli %scan3A_121, %mul3A_123 : i32
      %get3A = arith.index_cast %mul3A_124 : i32 to index
      %get3A_125 = tpu.vector_load %arg5[%get3A] {strides = array<i32>} : memref<4096xi32, #tpu.memory_space<vmem>>, vector<16xi32>,
      %mul3A_126 = arith.constant 16 : i32
      %mul3A_127 = arith.muli %scan3A_121, %mul3A_126 : i32
      %get3A_128 = arith.index_cast %mul3A_127 : i32 to index
      %get3A_129 = tpu.vector_load %arg6[%get3A_128] {strides = array<i32>} : memref<4096xi32, #tpu.memory_space<vmem>>, vector<16xi32>,
      %sub3A = vector.broadcast %mul3A_2 : i32 to vector<16xi32>
      %sub3A_130 = arith.subi %get3A_125, %sub3A : vector<16xi32>
      %mul3A_131 = arith.constant 1024 : i32
      %mul3A_132 = vector.broadcast %mul3A_131 : i32 to vector<16xi32>
      %mul3A_133 = arith.muli %sub3A_130, %mul3A_132 : vector<16xi32>
      %add3A_134 = arith.addi %mul3A_133, %get3A_129 : vector<16xi32>
      %ge3A = vector.broadcast %mul3A_2 : i32 to vector<16xi32>
      %ge3A_135 = arith.cmpi sge, %get3A_125, %ge3A : vector<16xi32>
      %add3A_136 = arith.constant 32 : i32
      %add3A_137 = arith.addi %mul3A_2, %add3A_136 : i32
      %lt3A = vector.broadcast %add3A_137 : i32 to vector<16xi32>
      %lt3A_138 = arith.cmpi slt, %get3A_125, %lt3A : vector<16xi32>
      %and3A = arith.andi %ge3A_135, %lt3A_138 : vector<16xi1>
      tpu.vector_store_idx %arg4[%add3A_134], %broadcast_in_dim3A_3 masked %and3A : memref<32768xf32, #tpu.memory_space<vmem>>[vector<16xi32>], vector<16xf32>, vector<16xi1>
      %scan3A_139 = arith.constant 0 : i32
      scf.yield %scan3A_139 : i32
    }
    %scan3A_73 = arith.constant 256 : i32
    %run_scoped3A_74 = arith.constant 0 : i32
    "tpu.region"() ({
      %run_scoped3A_121 = tpu.sem_alloc : memref<!tpu.dma_semaphore, #tpu.memory_space<semaphore_mem>>
      %dma_start3A = arith.constant 28672 : i32
      %dma_start3A_122 = tpu.memref_slice %arg2[%run_scoped3A_74, %dma_start3A] : memref<2x49152xi32, #tpu.memory_space<hbm>> -> memref<1x4096xi32, #tpu.memory_space<hbm>>
      %dma_start3A_123 = tpu.memref_squeeze %dma_start3A_122 : memref<1x4096xi32, #tpu.memory_space<hbm>> -> memref<4096xi32, #tpu.memory_space<hbm>>
      %dma_start3A_124 = arith.constant 28672 : i32
      %dma_start3A_125 = tpu.memref_slice %arg2[%run_scoped3A_74, %dma_start3A_124] : memref<2x49152xi32, #tpu.memory_space<hbm>> -> memref<1x4096xi32, #tpu.memory_space<hbm>>
      %dma_start3A_126 = tpu.memref_squeeze %dma_start3A_125 : memref<1x4096xi32, #tpu.memory_space<hbm>> -> memref<4096xi32, #tpu.memory_space<hbm>>
      tpu.enqueue_dma source(%dma_start3A_126 : memref<4096xi32, #tpu.memory_space<hbm>>) target(%arg5 : memref<4096xi32, #tpu.memory_space<vmem>>) target_semaphore(%run_scoped3A_121 : memref<!tpu.dma_semaphore, #tpu.memory_space<semaphore_mem>>)
      %dma_wait3A = arith.constant 28672 : i32
      %dma_wait3A_127 = tpu.memref_slice %arg2[%run_scoped3A_74, %dma_wait3A] : memref<2x49152xi32, #tpu.memory_space<hbm>> -> memref<1x4096xi32, #tpu.memory_space<hbm>>
      %dma_wait3A_128 = tpu.memref_squeeze %dma_wait3A_127 : memref<1x4096xi32, #tpu.memory_space<hbm>> -> memref<4096xi32, #tpu.memory_space<hbm>>
      %dma_wait3A_129 = arith.constant 28672 : i32
      %dma_wait3A_130 = tpu.memref_slice %arg2[%run_scoped3A_74, %dma_wait3A_129] : memref<2x49152xi32, #tpu.memory_space<hbm>> -> memref<1x4096xi32, #tpu.memory_space<hbm>>
      %dma_wait3A_131 = tpu.memref_squeeze %dma_wait3A_130 : memref<1x4096xi32, #tpu.memory_space<hbm>> -> memref<4096xi32, #tpu.memory_space<hbm>>
      tpu.wait_dma2 semaphore(%run_scoped3A_121 : memref<!tpu.dma_semaphore, #tpu.memory_space<semaphore_mem>>) src(%dma_wait3A_131 : memref<4096xi32, #tpu.memory_space<hbm>>) dst(%arg5 : memref<4096xi32, #tpu.memory_space<vmem>>)
      tpu.yield
    }) : () -> ()
    %run_scoped3A_75 = arith.constant 1 : i32
    "tpu.region"() ({
      %run_scoped3A_121 = tpu.sem_alloc : memref<!tpu.dma_semaphore, #tpu.memory_space<semaphore_mem>>
      %dma_start3A = arith.constant 28672 : i32
      %dma_start3A_122 = tpu.memref_slice %arg2[%run_scoped3A_75, %dma_start3A] : memref<2x49152xi32, #tpu.memory_space<hbm>> -> memref<1x4096xi32, #tpu.memory_space<hbm>>
      %dma_start3A_123 = tpu.memref_squeeze %dma_start3A_122 : memref<1x4096xi32, #tpu.memory_space<hbm>> -> memref<4096xi32, #tpu.memory_space<hbm>>
      %dma_start3A_124 = arith.constant 28672 : i32
      %dma_start3A_125 = tpu.memref_slice %arg2[%run_scoped3A_75, %dma_start3A_124] : memref<2x49152xi32, #tpu.memory_space<hbm>> -> memref<1x4096xi32, #tpu.memory_space<hbm>>
      %dma_start3A_126 = tpu.memref_squeeze %dma_start3A_125 : memref<1x4096xi32, #tpu.memory_space<hbm>> -> memref<4096xi32, #tpu.memory_space<hbm>>
      tpu.enqueue_dma source(%dma_start3A_126 : memref<4096xi32, #tpu.memory_space<hbm>>) target(%arg6 : memref<4096xi32, #tpu.memory_space<vmem>>) target_semaphore(%run_scoped3A_121 : memref<!tpu.dma_semaphore, #tpu.memory_space<semaphore_mem>>)
      %dma_wait3A = arith.constant 28672 : i32
      %dma_wait3A_127 = tpu.memref_slice %arg2[%run_scoped3A_75, %dma_wait3A] : memref<2x49152xi32, #tpu.memory_space<hbm>> -> memref<1x4096xi32, #tpu.memory_space<hbm>>
      %dma_wait3A_128 = tpu.memref_squeeze %dma_wait3A_127 : memref<1x4096xi32, #tpu.memory_space<hbm>> -> memref<4096xi32, #tpu.memory_space<hbm>>
      %dma_wait3A_129 = arith.constant 28672 : i32
      %dma_wait3A_130 = tpu.memref_slice %arg2[%run_scoped3A_75, %dma_wait3A_129] : memref<2x49152xi32, #tpu.memory_space<hbm>> -> memref<1x4096xi32, #tpu.memory_space<hbm>>
      %dma_wait3A_131 = tpu.memref_squeeze %dma_wait3A_130 : memref<1x4096xi32, #tpu.memory_space<hbm>> -> memref<4096xi32, #tpu.memory_space<hbm>>
      tpu.wait_dma2 semaphore(%run_scoped3A_121 : memref<!tpu.dma_semaphore, #tpu.memory_space<semaphore_mem>>) src(%dma_wait3A_131 : memref<4096xi32, #tpu.memory_space<hbm>>) dst(%arg6 : memref<4096xi32, #tpu.memory_space<vmem>>)
      tpu.yield
    }) : () -> ()
    %scan3A_76 = arith.constant 0 : i32
    %scan3A_77 = arith.constant 0 : i32
    %scan3A_78 = arith.constant 256 : i32
    %scan3A_79 = arith.addi %scan3A_77, %scan3A_78 : i32
    %scan3A_80 = arith.constant 1 : i32
    %scan3A_81 = scf.for %scan3A_121 = %scan3A_77 to %scan3A_79 step %scan3A_80 iter_args(%scan3A_122 = %scan3A_76) -> (i32)  : i32 {
      %mul3A_123 = arith.constant 16 : i32
      %mul3A_124 = arith.muli %scan3A_121, %mul3A_123 : i32
      %get3A = arith.index_cast %mul3A_124 : i32 to index
      %get3A_125 = tpu.vector_load %arg5[%get3A] {strides = array<i32>} : memref<4096xi32, #tpu.memory_space<vmem>>, vector<16xi32>,
      %mul3A_126 = arith.constant 16 : i32
      %mul3A_127 = arith.muli %scan3A_121, %mul3A_126 : i32
      %get3A_128 = arith.index_cast %mul3A_127 : i32 to index
      %get3A_129 = tpu.vector_load %arg6[%get3A_128] {strides = array<i32>} : memref<4096xi32, #tpu.memory_space<vmem>>, vector<16xi32>,
      %sub3A = vector.broadcast %mul3A_2 : i32 to vector<16xi32>
      %sub3A_130 = arith.subi %get3A_125, %sub3A : vector<16xi32>
      %mul3A_131 = arith.constant 1024 : i32
      %mul3A_132 = vector.broadcast %mul3A_131 : i32 to vector<16xi32>
      %mul3A_133 = arith.muli %sub3A_130, %mul3A_132 : vector<16xi32>
      %add3A_134 = arith.addi %mul3A_133, %get3A_129 : vector<16xi32>
      %ge3A = vector.broadcast %mul3A_2 : i32 to vector<16xi32>
      %ge3A_135 = arith.cmpi sge, %get3A_125, %ge3A : vector<16xi32>
      %add3A_136 = arith.constant 32 : i32
      %add3A_137 = arith.addi %mul3A_2, %add3A_136 : i32
      %lt3A = vector.broadcast %add3A_137 : i32 to vector<16xi32>
      %lt3A_138 = arith.cmpi slt, %get3A_125, %lt3A : vector<16xi32>
      %and3A = arith.andi %ge3A_135, %lt3A_138 : vector<16xi1>
      tpu.vector_store_idx %arg4[%add3A_134], %broadcast_in_dim3A_3 masked %and3A : memref<32768xf32, #tpu.memory_space<vmem>>[vector<16xi32>], vector<16xf32>, vector<16xi1>
      %scan3A_139 = arith.constant 0 : i32
      scf.yield %scan3A_139 : i32
    }
    %scan3A_82 = arith.constant 256 : i32
    %run_scoped3A_83 = arith.constant 0 : i32
    "tpu.region"() ({
      %run_scoped3A_121 = tpu.sem_alloc : memref<!tpu.dma_semaphore, #tpu.memory_space<semaphore_mem>>
      %dma_start3A = arith.constant 32768 : i32
      %dma_start3A_122 = tpu.memref_slice %arg2[%run_scoped3A_83, %dma_start3A] : memref<2x49152xi32, #tpu.memory_space<hbm>> -> memref<1x4096xi32, #tpu.memory_space<hbm>>
      %dma_start3A_123 = tpu.memref_squeeze %dma_start3A_122 : memref<1x4096xi32, #tpu.memory_space<hbm>> -> memref<4096xi32, #tpu.memory_space<hbm>>
      %dma_start3A_124 = arith.constant 32768 : i32
      %dma_start3A_125 = tpu.memref_slice %arg2[%run_scoped3A_83, %dma_start3A_124] : memref<2x49152xi32, #tpu.memory_space<hbm>> -> memref<1x4096xi32, #tpu.memory_space<hbm>>
      %dma_start3A_126 = tpu.memref_squeeze %dma_start3A_125 : memref<1x4096xi32, #tpu.memory_space<hbm>> -> memref<4096xi32, #tpu.memory_space<hbm>>
      tpu.enqueue_dma source(%dma_start3A_126 : memref<4096xi32, #tpu.memory_space<hbm>>) target(%arg5 : memref<4096xi32, #tpu.memory_space<vmem>>) target_semaphore(%run_scoped3A_121 : memref<!tpu.dma_semaphore, #tpu.memory_space<semaphore_mem>>)
      %dma_wait3A = arith.constant 32768 : i32
      %dma_wait3A_127 = tpu.memref_slice %arg2[%run_scoped3A_83, %dma_wait3A] : memref<2x49152xi32, #tpu.memory_space<hbm>> -> memref<1x4096xi32, #tpu.memory_space<hbm>>
      %dma_wait3A_128 = tpu.memref_squeeze %dma_wait3A_127 : memref<1x4096xi32, #tpu.memory_space<hbm>> -> memref<4096xi32, #tpu.memory_space<hbm>>
      %dma_wait3A_129 = arith.constant 32768 : i32
      %dma_wait3A_130 = tpu.memref_slice %arg2[%run_scoped3A_83, %dma_wait3A_129] : memref<2x49152xi32, #tpu.memory_space<hbm>> -> memref<1x4096xi32, #tpu.memory_space<hbm>>
      %dma_wait3A_131 = tpu.memref_squeeze %dma_wait3A_130 : memref<1x4096xi32, #tpu.memory_space<hbm>> -> memref<4096xi32, #tpu.memory_space<hbm>>
      tpu.wait_dma2 semaphore(%run_scoped3A_121 : memref<!tpu.dma_semaphore, #tpu.memory_space<semaphore_mem>>) src(%dma_wait3A_131 : memref<4096xi32, #tpu.memory_space<hbm>>) dst(%arg5 : memref<4096xi32, #tpu.memory_space<vmem>>)
      tpu.yield
    }) : () -> ()
    %run_scoped3A_84 = arith.constant 1 : i32
    "tpu.region"() ({
      %run_scoped3A_121 = tpu.sem_alloc : memref<!tpu.dma_semaphore, #tpu.memory_space<semaphore_mem>>
      %dma_start3A = arith.constant 32768 : i32
      %dma_start3A_122 = tpu.memref_slice %arg2[%run_scoped3A_84, %dma_start3A] : memref<2x49152xi32, #tpu.memory_space<hbm>> -> memref<1x4096xi32, #tpu.memory_space<hbm>>
      %dma_start3A_123 = tpu.memref_squeeze %dma_start3A_122 : memref<1x4096xi32, #tpu.memory_space<hbm>> -> memref<4096xi32, #tpu.memory_space<hbm>>
      %dma_start3A_124 = arith.constant 32768 : i32
      %dma_start3A_125 = tpu.memref_slice %arg2[%run_scoped3A_84, %dma_start3A_124] : memref<2x49152xi32, #tpu.memory_space<hbm>> -> memref<1x4096xi32, #tpu.memory_space<hbm>>
      %dma_start3A_126 = tpu.memref_squeeze %dma_start3A_125 : memref<1x4096xi32, #tpu.memory_space<hbm>> -> memref<4096xi32, #tpu.memory_space<hbm>>
      tpu.enqueue_dma source(%dma_start3A_126 : memref<4096xi32, #tpu.memory_space<hbm>>) target(%arg6 : memref<4096xi32, #tpu.memory_space<vmem>>) target_semaphore(%run_scoped3A_121 : memref<!tpu.dma_semaphore, #tpu.memory_space<semaphore_mem>>)
      %dma_wait3A = arith.constant 32768 : i32
      %dma_wait3A_127 = tpu.memref_slice %arg2[%run_scoped3A_84, %dma_wait3A] : memref<2x49152xi32, #tpu.memory_space<hbm>> -> memref<1x4096xi32, #tpu.memory_space<hbm>>
      %dma_wait3A_128 = tpu.memref_squeeze %dma_wait3A_127 : memref<1x4096xi32, #tpu.memory_space<hbm>> -> memref<4096xi32, #tpu.memory_space<hbm>>
      %dma_wait3A_129 = arith.constant 32768 : i32
      %dma_wait3A_130 = tpu.memref_slice %arg2[%run_scoped3A_84, %dma_wait3A_129] : memref<2x49152xi32, #tpu.memory_space<hbm>> -> memref<1x4096xi32, #tpu.memory_space<hbm>>
      %dma_wait3A_131 = tpu.memref_squeeze %dma_wait3A_130 : memref<1x4096xi32, #tpu.memory_space<hbm>> -> memref<4096xi32, #tpu.memory_space<hbm>>
      tpu.wait_dma2 semaphore(%run_scoped3A_121 : memref<!tpu.dma_semaphore, #tpu.memory_space<semaphore_mem>>) src(%dma_wait3A_131 : memref<4096xi32, #tpu.memory_space<hbm>>) dst(%arg6 : memref<4096xi32, #tpu.memory_space<vmem>>)
      tpu.yield
    }) : () -> ()
    %scan3A_85 = arith.constant 0 : i32
    %scan3A_86 = arith.constant 0 : i32
    %scan3A_87 = arith.constant 256 : i32
    %scan3A_88 = arith.addi %scan3A_86, %scan3A_87 : i32
    %scan3A_89 = arith.constant 1 : i32
    %scan3A_90 = scf.for %scan3A_121 = %scan3A_86 to %scan3A_88 step %scan3A_89 iter_args(%scan3A_122 = %scan3A_85) -> (i32)  : i32 {
      %mul3A_123 = arith.constant 16 : i32
      %mul3A_124 = arith.muli %scan3A_121, %mul3A_123 : i32
      %get3A = arith.index_cast %mul3A_124 : i32 to index
      %get3A_125 = tpu.vector_load %arg5[%get3A] {strides = array<i32>} : memref<4096xi32, #tpu.memory_space<vmem>>, vector<16xi32>,
      %mul3A_126 = arith.constant 16 : i32
      %mul3A_127 = arith.muli %scan3A_121, %mul3A_126 : i32
      %get3A_128 = arith.index_cast %mul3A_127 : i32 to index
      %get3A_129 = tpu.vector_load %arg6[%get3A_128] {strides = array<i32>} : memref<4096xi32, #tpu.memory_space<vmem>>, vector<16xi32>,
      %sub3A = vector.broadcast %mul3A_2 : i32 to vector<16xi32>
      %sub3A_130 = arith.subi %get3A_125, %sub3A : vector<16xi32>
      %mul3A_131 = arith.constant 1024 : i32
      %mul3A_132 = vector.broadcast %mul3A_131 : i32 to vector<16xi32>
      %mul3A_133 = arith.muli %sub3A_130, %mul3A_132 : vector<16xi32>
      %add3A_134 = arith.addi %mul3A_133, %get3A_129 : vector<16xi32>
      %ge3A = vector.broadcast %mul3A_2 : i32 to vector<16xi32>
      %ge3A_135 = arith.cmpi sge, %get3A_125, %ge3A : vector<16xi32>
      %add3A_136 = arith.constant 32 : i32
      %add3A_137 = arith.addi %mul3A_2, %add3A_136 : i32
      %lt3A = vector.broadcast %add3A_137 : i32 to vector<16xi32>
      %lt3A_138 = arith.cmpi slt, %get3A_125, %lt3A : vector<16xi32>
      %and3A = arith.andi %ge3A_135, %lt3A_138 : vector<16xi1>
      tpu.vector_store_idx %arg4[%add3A_134], %broadcast_in_dim3A_3 masked %and3A : memref<32768xf32, #tpu.memory_space<vmem>>[vector<16xi32>], vector<16xf32>, vector<16xi1>
      %scan3A_139 = arith.constant 0 : i32
      scf.yield %scan3A_139 : i32
    }
    %scan3A_91 = arith.constant 256 : i32
    %run_scoped3A_92 = arith.constant 0 : i32
    "tpu.region"() ({
      %run_scoped3A_121 = tpu.sem_alloc : memref<!tpu.dma_semaphore, #tpu.memory_space<semaphore_mem>>
      %dma_start3A = arith.constant 36864 : i32
      %dma_start3A_122 = tpu.memref_slice %arg2[%run_scoped3A_92, %dma_start3A] : memref<2x49152xi32, #tpu.memory_space<hbm>> -> memref<1x4096xi32, #tpu.memory_space<hbm>>
      %dma_start3A_123 = tpu.memref_squeeze %dma_start3A_122 : memref<1x4096xi32, #tpu.memory_space<hbm>> -> memref<4096xi32, #tpu.memory_space<hbm>>
      %dma_start3A_124 = arith.constant 36864 : i32
      %dma_start3A_125 = tpu.memref_slice %arg2[%run_scoped3A_92, %dma_start3A_124] : memref<2x49152xi32, #tpu.memory_space<hbm>> -> memref<1x4096xi32, #tpu.memory_space<hbm>>
      %dma_start3A_126 = tpu.memref_squeeze %dma_start3A_125 : memref<1x4096xi32, #tpu.memory_space<hbm>> -> memref<4096xi32, #tpu.memory_space<hbm>>
      tpu.enqueue_dma source(%dma_start3A_126 : memref<4096xi32, #tpu.memory_space<hbm>>) target(%arg5 : memref<4096xi32, #tpu.memory_space<vmem>>) target_semaphore(%run_scoped3A_121 : memref<!tpu.dma_semaphore, #tpu.memory_space<semaphore_mem>>)
      %dma_wait3A = arith.constant 36864 : i32
      %dma_wait3A_127 = tpu.memref_slice %arg2[%run_scoped3A_92, %dma_wait3A] : memref<2x49152xi32, #tpu.memory_space<hbm>> -> memref<1x4096xi32, #tpu.memory_space<hbm>>
      %dma_wait3A_128 = tpu.memref_squeeze %dma_wait3A_127 : memref<1x4096xi32, #tpu.memory_space<hbm>> -> memref<4096xi32, #tpu.memory_space<hbm>>
      %dma_wait3A_129 = arith.constant 36864 : i32
      %dma_wait3A_130 = tpu.memref_slice %arg2[%run_scoped3A_92, %dma_wait3A_129] : memref<2x49152xi32, #tpu.memory_space<hbm>> -> memref<1x4096xi32, #tpu.memory_space<hbm>>
      %dma_wait3A_131 = tpu.memref_squeeze %dma_wait3A_130 : memref<1x4096xi32, #tpu.memory_space<hbm>> -> memref<4096xi32, #tpu.memory_space<hbm>>
      tpu.wait_dma2 semaphore(%run_scoped3A_121 : memref<!tpu.dma_semaphore, #tpu.memory_space<semaphore_mem>>) src(%dma_wait3A_131 : memref<4096xi32, #tpu.memory_space<hbm>>) dst(%arg5 : memref<4096xi32, #tpu.memory_space<vmem>>)
      tpu.yield
    }) : () -> ()
    %run_scoped3A_93 = arith.constant 1 : i32
    "tpu.region"() ({
      %run_scoped3A_121 = tpu.sem_alloc : memref<!tpu.dma_semaphore, #tpu.memory_space<semaphore_mem>>
      %dma_start3A = arith.constant 36864 : i32
      %dma_start3A_122 = tpu.memref_slice %arg2[%run_scoped3A_93, %dma_start3A] : memref<2x49152xi32, #tpu.memory_space<hbm>> -> memref<1x4096xi32, #tpu.memory_space<hbm>>
      %dma_start3A_123 = tpu.memref_squeeze %dma_start3A_122 : memref<1x4096xi32, #tpu.memory_space<hbm>> -> memref<4096xi32, #tpu.memory_space<hbm>>
      %dma_start3A_124 = arith.constant 36864 : i32
      %dma_start3A_125 = tpu.memref_slice %arg2[%run_scoped3A_93, %dma_start3A_124] : memref<2x49152xi32, #tpu.memory_space<hbm>> -> memref<1x4096xi32, #tpu.memory_space<hbm>>
      %dma_start3A_126 = tpu.memref_squeeze %dma_start3A_125 : memref<1x4096xi32, #tpu.memory_space<hbm>> -> memref<4096xi32, #tpu.memory_space<hbm>>
      tpu.enqueue_dma source(%dma_start3A_126 : memref<4096xi32, #tpu.memory_space<hbm>>) target(%arg6 : memref<4096xi32, #tpu.memory_space<vmem>>) target_semaphore(%run_scoped3A_121 : memref<!tpu.dma_semaphore, #tpu.memory_space<semaphore_mem>>)
      %dma_wait3A = arith.constant 36864 : i32
      %dma_wait3A_127 = tpu.memref_slice %arg2[%run_scoped3A_93, %dma_wait3A] : memref<2x49152xi32, #tpu.memory_space<hbm>> -> memref<1x4096xi32, #tpu.memory_space<hbm>>
      %dma_wait3A_128 = tpu.memref_squeeze %dma_wait3A_127 : memref<1x4096xi32, #tpu.memory_space<hbm>> -> memref<4096xi32, #tpu.memory_space<hbm>>
      %dma_wait3A_129 = arith.constant 36864 : i32
      %dma_wait3A_130 = tpu.memref_slice %arg2[%run_scoped3A_93, %dma_wait3A_129] : memref<2x49152xi32, #tpu.memory_space<hbm>> -> memref<1x4096xi32, #tpu.memory_space<hbm>>
      %dma_wait3A_131 = tpu.memref_squeeze %dma_wait3A_130 : memref<1x4096xi32, #tpu.memory_space<hbm>> -> memref<4096xi32, #tpu.memory_space<hbm>>
      tpu.wait_dma2 semaphore(%run_scoped3A_121 : memref<!tpu.dma_semaphore, #tpu.memory_space<semaphore_mem>>) src(%dma_wait3A_131 : memref<4096xi32, #tpu.memory_space<hbm>>) dst(%arg6 : memref<4096xi32, #tpu.memory_space<vmem>>)
      tpu.yield
    }) : () -> ()
    %scan3A_94 = arith.constant 0 : i32
    %scan3A_95 = arith.constant 0 : i32
    %scan3A_96 = arith.constant 256 : i32
    %scan3A_97 = arith.addi %scan3A_95, %scan3A_96 : i32
    %scan3A_98 = arith.constant 1 : i32
    %scan3A_99 = scf.for %scan3A_121 = %scan3A_95 to %scan3A_97 step %scan3A_98 iter_args(%scan3A_122 = %scan3A_94) -> (i32)  : i32 {
      %mul3A_123 = arith.constant 16 : i32
      %mul3A_124 = arith.muli %scan3A_121, %mul3A_123 : i32
      %get3A = arith.index_cast %mul3A_124 : i32 to index
      %get3A_125 = tpu.vector_load %arg5[%get3A] {strides = array<i32>} : memref<4096xi32, #tpu.memory_space<vmem>>, vector<16xi32>,
      %mul3A_126 = arith.constant 16 : i32
      %mul3A_127 = arith.muli %scan3A_121, %mul3A_126 : i32
      %get3A_128 = arith.index_cast %mul3A_127 : i32 to index
      %get3A_129 = tpu.vector_load %arg6[%get3A_128] {strides = array<i32>} : memref<4096xi32, #tpu.memory_space<vmem>>, vector<16xi32>,
      %sub3A = vector.broadcast %mul3A_2 : i32 to vector<16xi32>
      %sub3A_130 = arith.subi %get3A_125, %sub3A : vector<16xi32>
      %mul3A_131 = arith.constant 1024 : i32
      %mul3A_132 = vector.broadcast %mul3A_131 : i32 to vector<16xi32>
      %mul3A_133 = arith.muli %sub3A_130, %mul3A_132 : vector<16xi32>
      %add3A_134 = arith.addi %mul3A_133, %get3A_129 : vector<16xi32>
      %ge3A = vector.broadcast %mul3A_2 : i32 to vector<16xi32>
      %ge3A_135 = arith.cmpi sge, %get3A_125, %ge3A : vector<16xi32>
      %add3A_136 = arith.constant 32 : i32
      %add3A_137 = arith.addi %mul3A_2, %add3A_136 : i32
      %lt3A = vector.broadcast %add3A_137 : i32 to vector<16xi32>
      %lt3A_138 = arith.cmpi slt, %get3A_125, %lt3A : vector<16xi32>
      %and3A = arith.andi %ge3A_135, %lt3A_138 : vector<16xi1>
      tpu.vector_store_idx %arg4[%add3A_134], %broadcast_in_dim3A_3 masked %and3A : memref<32768xf32, #tpu.memory_space<vmem>>[vector<16xi32>], vector<16xf32>, vector<16xi1>
      %scan3A_139 = arith.constant 0 : i32
      scf.yield %scan3A_139 : i32
    }
    %scan3A_100 = arith.constant 256 : i32
    %run_scoped3A_101 = arith.constant 0 : i32
    "tpu.region"() ({
      %run_scoped3A_121 = tpu.sem_alloc : memref<!tpu.dma_semaphore, #tpu.memory_space<semaphore_mem>>
      %dma_start3A = arith.constant 40960 : i32
      %dma_start3A_122 = tpu.memref_slice %arg2[%run_scoped3A_101, %dma_start3A] : memref<2x49152xi32, #tpu.memory_space<hbm>> -> memref<1x4096xi32, #tpu.memory_space<hbm>>
      %dma_start3A_123 = tpu.memref_squeeze %dma_start3A_122 : memref<1x4096xi32, #tpu.memory_space<hbm>> -> memref<4096xi32, #tpu.memory_space<hbm>>
      %dma_start3A_124 = arith.constant 40960 : i32
      %dma_start3A_125 = tpu.memref_slice %arg2[%run_scoped3A_101, %dma_start3A_124] : memref<2x49152xi32, #tpu.memory_space<hbm>> -> memref<1x4096xi32, #tpu.memory_space<hbm>>
      %dma_start3A_126 = tpu.memref_squeeze %dma_start3A_125 : memref<1x4096xi32, #tpu.memory_space<hbm>> -> memref<4096xi32, #tpu.memory_space<hbm>>
      tpu.enqueue_dma source(%dma_start3A_126 : memref<4096xi32, #tpu.memory_space<hbm>>) target(%arg5 : memref<4096xi32, #tpu.memory_space<vmem>>) target_semaphore(%run_scoped3A_121 : memref<!tpu.dma_semaphore, #tpu.memory_space<semaphore_mem>>)
      %dma_wait3A = arith.constant 40960 : i32
      %dma_wait3A_127 = tpu.memref_slice %arg2[%run_scoped3A_101, %dma_wait3A] : memref<2x49152xi32, #tpu.memory_space<hbm>> -> memref<1x4096xi32, #tpu.memory_space<hbm>>
      %dma_wait3A_128 = tpu.memref_squeeze %dma_wait3A_127 : memref<1x4096xi32, #tpu.memory_space<hbm>> -> memref<4096xi32, #tpu.memory_space<hbm>>
      %dma_wait3A_129 = arith.constant 40960 : i32
      %dma_wait3A_130 = tpu.memref_slice %arg2[%run_scoped3A_101, %dma_wait3A_129] : memref<2x49152xi32, #tpu.memory_space<hbm>> -> memref<1x4096xi32, #tpu.memory_space<hbm>>
      %dma_wait3A_131 = tpu.memref_squeeze %dma_wait3A_130 : memref<1x4096xi32, #tpu.memory_space<hbm>> -> memref<4096xi32, #tpu.memory_space<hbm>>
      tpu.wait_dma2 semaphore(%run_scoped3A_121 : memref<!tpu.dma_semaphore, #tpu.memory_space<semaphore_mem>>) src(%dma_wait3A_131 : memref<4096xi32, #tpu.memory_space<hbm>>) dst(%arg5 : memref<4096xi32, #tpu.memory_space<vmem>>)
      tpu.yield
    }) : () -> ()
    %run_scoped3A_102 = arith.constant 1 : i32
    "tpu.region"() ({
      %run_scoped3A_121 = tpu.sem_alloc : memref<!tpu.dma_semaphore, #tpu.memory_space<semaphore_mem>>
      %dma_start3A = arith.constant 40960 : i32
      %dma_start3A_122 = tpu.memref_slice %arg2[%run_scoped3A_102, %dma_start3A] : memref<2x49152xi32, #tpu.memory_space<hbm>> -> memref<1x4096xi32, #tpu.memory_space<hbm>>
      %dma_start3A_123 = tpu.memref_squeeze %dma_start3A_122 : memref<1x4096xi32, #tpu.memory_space<hbm>> -> memref<4096xi32, #tpu.memory_space<hbm>>
      %dma_start3A_124 = arith.constant 40960 : i32
      %dma_start3A_125 = tpu.memref_slice %arg2[%run_scoped3A_102, %dma_start3A_124] : memref<2x49152xi32, #tpu.memory_space<hbm>> -> memref<1x4096xi32, #tpu.memory_space<hbm>>
      %dma_start3A_126 = tpu.memref_squeeze %dma_start3A_125 : memref<1x4096xi32, #tpu.memory_space<hbm>> -> memref<4096xi32, #tpu.memory_space<hbm>>
      tpu.enqueue_dma source(%dma_start3A_126 : memref<4096xi32, #tpu.memory_space<hbm>>) target(%arg6 : memref<4096xi32, #tpu.memory_space<vmem>>) target_semaphore(%run_scoped3A_121 : memref<!tpu.dma_semaphore, #tpu.memory_space<semaphore_mem>>)
      %dma_wait3A = arith.constant 40960 : i32
      %dma_wait3A_127 = tpu.memref_slice %arg2[%run_scoped3A_102, %dma_wait3A] : memref<2x49152xi32, #tpu.memory_space<hbm>> -> memref<1x4096xi32, #tpu.memory_space<hbm>>
      %dma_wait3A_128 = tpu.memref_squeeze %dma_wait3A_127 : memref<1x4096xi32, #tpu.memory_space<hbm>> -> memref<4096xi32, #tpu.memory_space<hbm>>
      %dma_wait3A_129 = arith.constant 40960 : i32
      %dma_wait3A_130 = tpu.memref_slice %arg2[%run_scoped3A_102, %dma_wait3A_129] : memref<2x49152xi32, #tpu.memory_space<hbm>> -> memref<1x4096xi32, #tpu.memory_space<hbm>>
      %dma_wait3A_131 = tpu.memref_squeeze %dma_wait3A_130 : memref<1x4096xi32, #tpu.memory_space<hbm>> -> memref<4096xi32, #tpu.memory_space<hbm>>
      tpu.wait_dma2 semaphore(%run_scoped3A_121 : memref<!tpu.dma_semaphore, #tpu.memory_space<semaphore_mem>>) src(%dma_wait3A_131 : memref<4096xi32, #tpu.memory_space<hbm>>) dst(%arg6 : memref<4096xi32, #tpu.memory_space<vmem>>)
      tpu.yield
    }) : () -> ()
    %scan3A_103 = arith.constant 0 : i32
    %scan3A_104 = arith.constant 0 : i32
    %scan3A_105 = arith.constant 256 : i32
    %scan3A_106 = arith.addi %scan3A_104, %scan3A_105 : i32
    %scan3A_107 = arith.constant 1 : i32
    %scan3A_108 = scf.for %scan3A_121 = %scan3A_104 to %scan3A_106 step %scan3A_107 iter_args(%scan3A_122 = %scan3A_103) -> (i32)  : i32 {
      %mul3A_123 = arith.constant 16 : i32
      %mul3A_124 = arith.muli %scan3A_121, %mul3A_123 : i32
      %get3A = arith.index_cast %mul3A_124 : i32 to index
      %get3A_125 = tpu.vector_load %arg5[%get3A] {strides = array<i32>} : memref<4096xi32, #tpu.memory_space<vmem>>, vector<16xi32>,
      %mul3A_126 = arith.constant 16 : i32
      %mul3A_127 = arith.muli %scan3A_121, %mul3A_126 : i32
      %get3A_128 = arith.index_cast %mul3A_127 : i32 to index
      %get3A_129 = tpu.vector_load %arg6[%get3A_128] {strides = array<i32>} : memref<4096xi32, #tpu.memory_space<vmem>>, vector<16xi32>,
      %sub3A = vector.broadcast %mul3A_2 : i32 to vector<16xi32>
      %sub3A_130 = arith.subi %get3A_125, %sub3A : vector<16xi32>
      %mul3A_131 = arith.constant 1024 : i32
      %mul3A_132 = vector.broadcast %mul3A_131 : i32 to vector<16xi32>
      %mul3A_133 = arith.muli %sub3A_130, %mul3A_132 : vector<16xi32>
      %add3A_134 = arith.addi %mul3A_133, %get3A_129 : vector<16xi32>
      %ge3A = vector.broadcast %mul3A_2 : i32 to vector<16xi32>
      %ge3A_135 = arith.cmpi sge, %get3A_125, %ge3A : vector<16xi32>
      %add3A_136 = arith.constant 32 : i32
      %add3A_137 = arith.addi %mul3A_2, %add3A_136 : i32
      %lt3A = vector.broadcast %add3A_137 : i32 to vector<16xi32>
      %lt3A_138 = arith.cmpi slt, %get3A_125, %lt3A : vector<16xi32>
      %and3A = arith.andi %ge3A_135, %lt3A_138 : vector<16xi1>
      tpu.vector_store_idx %arg4[%add3A_134], %broadcast_in_dim3A_3 masked %and3A : memref<32768xf32, #tpu.memory_space<vmem>>[vector<16xi32>], vector<16xf32>, vector<16xi1>
      %scan3A_139 = arith.constant 0 : i32
      scf.yield %scan3A_139 : i32
    }
    %scan3A_109 = arith.constant 256 : i32
    %run_scoped3A_110 = arith.constant 0 : i32
    "tpu.region"() ({
      %run_scoped3A_121 = tpu.sem_alloc : memref<!tpu.dma_semaphore, #tpu.memory_space<semaphore_mem>>
      %dma_start3A = arith.constant 45056 : i32
      %dma_start3A_122 = tpu.memref_slice %arg2[%run_scoped3A_110, %dma_start3A] : memref<2x49152xi32, #tpu.memory_space<hbm>> -> memref<1x4096xi32, #tpu.memory_space<hbm>>
      %dma_start3A_123 = tpu.memref_squeeze %dma_start3A_122 : memref<1x4096xi32, #tpu.memory_space<hbm>> -> memref<4096xi32, #tpu.memory_space<hbm>>
      %dma_start3A_124 = arith.constant 45056 : i32
      %dma_start3A_125 = tpu.memref_slice %arg2[%run_scoped3A_110, %dma_start3A_124] : memref<2x49152xi32, #tpu.memory_space<hbm>> -> memref<1x4096xi32, #tpu.memory_space<hbm>>
      %dma_start3A_126 = tpu.memref_squeeze %dma_start3A_125 : memref<1x4096xi32, #tpu.memory_space<hbm>> -> memref<4096xi32, #tpu.memory_space<hbm>>
      tpu.enqueue_dma source(%dma_start3A_126 : memref<4096xi32, #tpu.memory_space<hbm>>) target(%arg5 : memref<4096xi32, #tpu.memory_space<vmem>>) target_semaphore(%run_scoped3A_121 : memref<!tpu.dma_semaphore, #tpu.memory_space<semaphore_mem>>)
      %dma_wait3A = arith.constant 45056 : i32
      %dma_wait3A_127 = tpu.memref_slice %arg2[%run_scoped3A_110, %dma_wait3A] : memref<2x49152xi32, #tpu.memory_space<hbm>> -> memref<1x4096xi32, #tpu.memory_space<hbm>>
      %dma_wait3A_128 = tpu.memref_squeeze %dma_wait3A_127 : memref<1x4096xi32, #tpu.memory_space<hbm>> -> memref<4096xi32, #tpu.memory_space<hbm>>
      %dma_wait3A_129 = arith.constant 45056 : i32
      %dma_wait3A_130 = tpu.memref_slice %arg2[%run_scoped3A_110, %dma_wait3A_129] : memref<2x49152xi32, #tpu.memory_space<hbm>> -> memref<1x4096xi32, #tpu.memory_space<hbm>>
      %dma_wait3A_131 = tpu.memref_squeeze %dma_wait3A_130 : memref<1x4096xi32, #tpu.memory_space<hbm>> -> memref<4096xi32, #tpu.memory_space<hbm>>
      tpu.wait_dma2 semaphore(%run_scoped3A_121 : memref<!tpu.dma_semaphore, #tpu.memory_space<semaphore_mem>>) src(%dma_wait3A_131 : memref<4096xi32, #tpu.memory_space<hbm>>) dst(%arg5 : memref<4096xi32, #tpu.memory_space<vmem>>)
      tpu.yield
    }) : () -> ()
    %run_scoped3A_111 = arith.constant 1 : i32
    "tpu.region"() ({
      %run_scoped3A_121 = tpu.sem_alloc : memref<!tpu.dma_semaphore, #tpu.memory_space<semaphore_mem>>
      %dma_start3A = arith.constant 45056 : i32
      %dma_start3A_122 = tpu.memref_slice %arg2[%run_scoped3A_111, %dma_start3A] : memref<2x49152xi32, #tpu.memory_space<hbm>> -> memref<1x4096xi32, #tpu.memory_space<hbm>>
      %dma_start3A_123 = tpu.memref_squeeze %dma_start3A_122 : memref<1x4096xi32, #tpu.memory_space<hbm>> -> memref<4096xi32, #tpu.memory_space<hbm>>
      %dma_start3A_124 = arith.constant 45056 : i32
      %dma_start3A_125 = tpu.memref_slice %arg2[%run_scoped3A_111, %dma_start3A_124] : memref<2x49152xi32, #tpu.memory_space<hbm>> -> memref<1x4096xi32, #tpu.memory_space<hbm>>
      %dma_start3A_126 = tpu.memref_squeeze %dma_start3A_125 : memref<1x4096xi32, #tpu.memory_space<hbm>> -> memref<4096xi32, #tpu.memory_space<hbm>>
      tpu.enqueue_dma source(%dma_start3A_126 : memref<4096xi32, #tpu.memory_space<hbm>>) target(%arg6 : memref<4096xi32, #tpu.memory_space<vmem>>) target_semaphore(%run_scoped3A_121 : memref<!tpu.dma_semaphore, #tpu.memory_space<semaphore_mem>>)
      %dma_wait3A = arith.constant 45056 : i32
      %dma_wait3A_127 = tpu.memref_slice %arg2[%run_scoped3A_111, %dma_wait3A] : memref<2x49152xi32, #tpu.memory_space<hbm>> -> memref<1x4096xi32, #tpu.memory_space<hbm>>
      %dma_wait3A_128 = tpu.memref_squeeze %dma_wait3A_127 : memref<1x4096xi32, #tpu.memory_space<hbm>> -> memref<4096xi32, #tpu.memory_space<hbm>>
      %dma_wait3A_129 = arith.constant 45056 : i32
      %dma_wait3A_130 = tpu.memref_slice %arg2[%run_scoped3A_111, %dma_wait3A_129] : memref<2x49152xi32, #tpu.memory_space<hbm>> -> memref<1x4096xi32, #tpu.memory_space<hbm>>
      %dma_wait3A_131 = tpu.memref_squeeze %dma_wait3A_130 : memref<1x4096xi32, #tpu.memory_space<hbm>> -> memref<4096xi32, #tpu.memory_space<hbm>>
      tpu.wait_dma2 semaphore(%run_scoped3A_121 : memref<!tpu.dma_semaphore, #tpu.memory_space<semaphore_mem>>) src(%dma_wait3A_131 : memref<4096xi32, #tpu.memory_space<hbm>>) dst(%arg6 : memref<4096xi32, #tpu.memory_space<vmem>>)
      tpu.yield
    }) : () -> ()
    %scan3A_112 = arith.constant 0 : i32
    %scan3A_113 = arith.constant 0 : i32
    %scan3A_114 = arith.constant 256 : i32
    %scan3A_115 = arith.addi %scan3A_113, %scan3A_114 : i32
    %scan3A_116 = arith.constant 1 : i32
    %scan3A_117 = scf.for %scan3A_121 = %scan3A_113 to %scan3A_115 step %scan3A_116 iter_args(%scan3A_122 = %scan3A_112) -> (i32)  : i32 {
      %mul3A_123 = arith.constant 16 : i32
      %mul3A_124 = arith.muli %scan3A_121, %mul3A_123 : i32
      %get3A = arith.index_cast %mul3A_124 : i32 to index
      %get3A_125 = tpu.vector_load %arg5[%get3A] {strides = array<i32>} : memref<4096xi32, #tpu.memory_space<vmem>>, vector<16xi32>,
      %mul3A_126 = arith.constant 16 : i32
      %mul3A_127 = arith.muli %scan3A_121, %mul3A_126 : i32
      %get3A_128 = arith.index_cast %mul3A_127 : i32 to index
      %get3A_129 = tpu.vector_load %arg6[%get3A_128] {strides = array<i32>} : memref<4096xi32, #tpu.memory_space<vmem>>, vector<16xi32>,
      %sub3A = vector.broadcast %mul3A_2 : i32 to vector<16xi32>
      %sub3A_130 = arith.subi %get3A_125, %sub3A : vector<16xi32>
      %mul3A_131 = arith.constant 1024 : i32
      %mul3A_132 = vector.broadcast %mul3A_131 : i32 to vector<16xi32>
      %mul3A_133 = arith.muli %sub3A_130, %mul3A_132 : vector<16xi32>
      %add3A_134 = arith.addi %mul3A_133, %get3A_129 : vector<16xi32>
      %ge3A = vector.broadcast %mul3A_2 : i32 to vector<16xi32>
      %ge3A_135 = arith.cmpi sge, %get3A_125, %ge3A : vector<16xi32>
      %add3A_136 = arith.constant 32 : i32
      %add3A_137 = arith.addi %mul3A_2, %add3A_136 : i32
      %lt3A = vector.broadcast %add3A_137 : i32 to vector<16xi32>
      %lt3A_138 = arith.cmpi slt, %get3A_125, %lt3A : vector<16xi32>
      %and3A = arith.andi %ge3A_135, %lt3A_138 : vector<16xi1>
      tpu.vector_store_idx %arg4[%add3A_134], %broadcast_in_dim3A_3 masked %and3A : memref<32768xf32, #tpu.memory_space<vmem>>[vector<16xi32>], vector<16xf32>, vector<16xi1>
      %scan3A_139 = arith.constant 0 : i32
      scf.yield %scan3A_139 : i32
    }
    %scan3A_118 = arith.constant 256 : i32
    %mul3A_119 = arith.constant 32768 : i32
    %mul3A_120 = arith.muli %add3A, %mul3A_119 : i32
    "tpu.region"() ({
      %run_scoped3A_121 = tpu.sem_alloc : memref<!tpu.dma_semaphore, #tpu.memory_space<semaphore_mem>>
      %dma_start3A = tpu.memref_slice %arg3[%mul3A_120] : memref<1048576xf32, #tpu.memory_space<hbm>> -> memref<32768xf32, #tpu.memory_space<hbm>>
      %dma_start3A_122 = tpu.memref_slice %arg3[%mul3A_120] : memref<1048576xf32, #tpu.memory_space<hbm>> -> memref<32768xf32, #tpu.memory_space<hbm>>
      tpu.enqueue_dma source(%arg4 : memref<32768xf32, #tpu.memory_space<vmem>>) target(%dma_start3A_122 : memref<32768xf32, #tpu.memory_space<hbm>>) target_semaphore(%run_scoped3A_121 : memref<!tpu.dma_semaphore, #tpu.memory_space<semaphore_mem>>)
      %dma_wait3A = tpu.memref_slice %arg3[%mul3A_120] : memref<1048576xf32, #tpu.memory_space<hbm>> -> memref<32768xf32, #tpu.memory_space<hbm>>
      %dma_wait3A_123 = tpu.memref_slice %arg3[%mul3A_120] : memref<1048576xf32, #tpu.memory_space<hbm>> -> memref<32768xf32, #tpu.memory_space<hbm>>
      tpu.wait_dma2 semaphore(%run_scoped3A_121 : memref<!tpu.dma_semaphore, #tpu.memory_space<semaphore_mem>>) src(%arg4 : memref<32768xf32, #tpu.memory_space<vmem>>) dst(%dma_wait3A_123 : memref<32768xf32, #tpu.memory_space<hbm>>)
      tpu.yield
    }) : () -> ()
    return
  }
}

module attributes {stable_mosaic.version = 14 : i64} {
  func.func @_encoder_body(%arg0: memref<1024x2xf32, #tpu.memory_space<vmem>>, %arg1: memref<1024x512xf32, #tpu.memory_space<vmem>>, %arg2: memref<1x512xf32, #tpu.memory_space<vmem>>, %arg3: memref<1x512xf32, #tpu.memory_space<vmem>>, %arg4: memref<512x512xf32, #tpu.memory_space<vmem>>, %arg5: memref<1x512xf32, #tpu.memory_space<vmem>>, %arg6: memref<512x128xf32, #tpu.memory_space<vmem>>, %arg7: memref<1x128xf32, #tpu.memory_space<vmem>>, %arg8: memref<4x2304xf32, #tpu.memory_space<vmem>>, %arg9: memref<2304x512xf32, #tpu.memory_space<vmem>>, %arg10: memref<1x512xf32, #tpu.memory_space<vmem>>, %arg11: memref<512x128xf32, #tpu.memory_space<vmem>>, %arg12: memref<1x128xf32, #tpu.memory_space<vmem>>, %arg13: memref<1x128xf32, #tpu.memory_space<vmem>>, %arg14: memref<1x128xf32, #tpu.memory_space<vmem>>, %arg15: memref<2x1024x128xf32, #tpu.memory_space<vmem>>, %arg16: memref<4x1024x256xf32, #tpu.memory_space<vmem>>) attributes {dimension_semantics = [], scalar_prefetch = 0 : i64, scratch_operands = 0 : i64, tpu.core_type = #tpu.core_type<tc>} {
    %iota3A = tpu.iota {dimensions = array<i32: 0>} : vector<1024x1xi32>
    %lt3A = arith.constant 978 : i32
    %lt3A_0 = vector.broadcast %lt3A : i32 to vector<1024x1xi32>
    %lt3A_1 = arith.cmpi slt, %iota3A, %lt3A_0 : vector<1024x1xi32>
    %convert_element_type3A = arith.extui %lt3A_1 : vector<1024x1xi1> to vector<1024x1xi32>
    %convert_element_type3A_2 = arith.sitofp %convert_element_type3A : vector<1024x1xi32> to vector<1024x1xf32>
    %get3A = arith.constant 0 : index
    %get3A_3 = arith.constant 0 : index
    %get3A_4 = vector.load %arg8[%get3A, %get3A_3] : memref<4x2304xf32, #tpu.memory_space<vmem>>, vector<4x2304xf32>
    %get3A_5 = arith.constant 0 : index
    %get3A_6 = arith.constant 0 : index
    %get3A_7 = vector.load %arg9[%get3A_5, %get3A_6] : memref<2304x512xf32, #tpu.memory_space<vmem>>, vector<2304x512xf32>
    %dot_general3A = arith.constant dense<0.000000e+00> : vector<4x512xf32>
    %dot_general3A_8 = tpu.matmul %get3A_4, %get3A_7, %dot_general3A {dimension_numbers = #tpu.dot_dimension_numbers<[1], [0], [0], [1], [0, 0, 1, 1], [], []>, transpose_lhs_hint = false} : vector<4x2304xf32>, vector<2304x512xf32>, vector<4x512xf32> -> vector<4x512xf32>
    %get3A_9 = arith.constant 0 : index
    %get3A_10 = arith.constant 0 : index
    %get3A_11 = vector.load %arg10[%get3A_9, %get3A_10] : memref<1x512xf32, #tpu.memory_space<vmem>>, vector<1x512xf32>
    %add3A = vector.broadcast %get3A_11 : vector<1x512xf32> to vector<4x512xf32>
    %add3A_12 = arith.addf %dot_general3A_8, %add3A : vector<4x512xf32>
    %max3A = arith.constant 0.000000e+00 : f32
    %max3A_13 = vector.broadcast %max3A : f32 to vector<4x512xf32>
    %max3A_14 = arith.maximumf %add3A_12, %max3A_13 : vector<4x512xf32>
    %get3A_15 = arith.constant 0 : index
    %get3A_16 = arith.constant 0 : index
    %get3A_17 = vector.load %arg11[%get3A_15, %get3A_16] : memref<512x128xf32, #tpu.memory_space<vmem>>, vector<512x128xf32>
    %dot_general3A_18 = arith.constant dense<0.000000e+00> : vector<4x128xf32>
    %dot_general3A_19 = tpu.matmul %max3A_14, %get3A_17, %dot_general3A_18 {dimension_numbers = #tpu.dot_dimension_numbers<[1], [0], [0], [1], [0, 0, 1, 1], [], []>, transpose_lhs_hint = false} : vector<4x512xf32>, vector<512x128xf32>, vector<4x128xf32> -> vector<4x128xf32>
    %get3A_20 = arith.constant 0 : index
    %get3A_21 = arith.constant 0 : index
    %get3A_22 = vector.load %arg12[%get3A_20, %get3A_21] : memref<1x128xf32, #tpu.memory_space<vmem>>, vector<1x128xf32>
    %add3A_23 = vector.broadcast %get3A_22 : vector<1x128xf32> to vector<4x128xf32>
    %add3A_24 = arith.addf %dot_general3A_19, %add3A_23 : vector<4x128xf32>
    %reduce_sum3A = arith.constant dense<0.000000e+00> : vector<4xf32>
    %reduce_sum3A_25 = vector.multi_reduction <add>, %add3A_24, %reduce_sum3A [1] : vector<4x128xf32> to vector<4xf32>
    %broadcast_in_dim3A = vector.shape_cast %reduce_sum3A_25 : vector<4xf32> to vector<4x1xf32>
    %div3A = arith.constant 1.280000e+02 : f32
    %div3A_26 = vector.broadcast %div3A : f32 to vector<4x1xf32>
    %div3A_27 = arith.divf %broadcast_in_dim3A, %div3A_26 : vector<4x1xf32>
    %sub3A = vector.broadcast %div3A_27 : vector<4x1xf32> to vector<4x128xf32>
    %sub3A_28 = arith.subf %add3A_24, %sub3A : vector<4x128xf32>
    %mul3A = arith.mulf %sub3A_28, %sub3A_28 : vector<4x128xf32>
    %reduce_sum3A_29 = arith.constant dense<0.000000e+00> : vector<4xf32>
    %reduce_sum3A_30 = vector.multi_reduction <add>, %mul3A, %reduce_sum3A_29 [1] : vector<4x128xf32> to vector<4xf32>
    %broadcast_in_dim3A_31 = vector.shape_cast %reduce_sum3A_30 : vector<4xf32> to vector<4x1xf32>
    %div3A_32 = arith.constant 1.280000e+02 : f32
    %div3A_33 = vector.broadcast %div3A_32 : f32 to vector<4x1xf32>
    %div3A_34 = arith.divf %broadcast_in_dim3A_31, %div3A_33 : vector<4x1xf32>
    %add3A_35 = arith.constant 9.99999974E-6 : f32
    %add3A_36 = vector.broadcast %add3A_35 : f32 to vector<4x1xf32>
    %add3A_37 = arith.addf %div3A_34, %add3A_36 : vector<4x1xf32>
    %sqrt3A = math.sqrt %add3A_37 : vector<4x1xf32>
    %div3A_38 = vector.broadcast %sqrt3A : vector<4x1xf32> to vector<4x128xf32>
    %div3A_39 = arith.divf %sub3A_28, %div3A_38 : vector<4x128xf32>
    %get3A_40 = arith.constant 0 : index
    %get3A_41 = arith.constant 0 : index
    %get3A_42 = vector.load %arg13[%get3A_40, %get3A_41] : memref<1x128xf32, #tpu.memory_space<vmem>>, vector<1x128xf32>
    %mul3A_43 = vector.broadcast %get3A_42 : vector<1x128xf32> to vector<4x128xf32>
    %mul3A_44 = arith.mulf %div3A_39, %mul3A_43 : vector<4x128xf32>
    %get3A_45 = arith.constant 0 : index
    %get3A_46 = arith.constant 0 : index
    %get3A_47 = vector.load %arg14[%get3A_45, %get3A_46] : memref<1x128xf32, #tpu.memory_space<vmem>>, vector<1x128xf32>
    %add3A_48 = vector.broadcast %get3A_47 : vector<1x128xf32> to vector<4x128xf32>
    %add3A_49 = arith.addf %mul3A_44, %add3A_48 : vector<4x128xf32>
    %get3A_50 = arith.constant 0 : index
    %get3A_51 = arith.constant 0 : index
    %get3A_52 = vector.load %arg0[%get3A_50, %get3A_51] : memref<1024x2xf32, #tpu.memory_space<vmem>>, vector<1024x1xf32>
    %get3A_53 = arith.constant 0 : index
    %get3A_54 = arith.constant 0 : index
    %get3A_55 = vector.load %arg2[%get3A_53, %get3A_54] : memref<1x512xf32, #tpu.memory_space<vmem>>, vector<1x512xf32>
    %mul3A_56 = vector.broadcast %get3A_52 : vector<1024x1xf32> to vector<1024x512xf32>
    %mul3A_57 = vector.broadcast %get3A_55 : vector<1x512xf32> to vector<1024x512xf32>
    %mul3A_58 = arith.mulf %mul3A_56, %mul3A_57 : vector<1024x512xf32>
    %get3A_59 = arith.constant 0 : index
    %get3A_60 = arith.constant 0 : index
    %get3A_61 = vector.load %arg3[%get3A_59, %get3A_60] : memref<1x512xf32, #tpu.memory_space<vmem>>, vector<1x512xf32>
    %add3A_62 = vector.broadcast %get3A_61 : vector<1x512xf32> to vector<1024x512xf32>
    %add3A_63 = arith.addf %mul3A_58, %add3A_62 : vector<1024x512xf32>
    %logistic3A = arith.negf %add3A_63 : vector<1024x512xf32>
    %logistic3A_64 = math.exp %logistic3A : vector<1024x512xf32>
    %logistic3A_65 = arith.constant 1.000000e+00 : f32
    %logistic3A_66 = vector.broadcast %logistic3A_65 : f32 to vector<1024x512xf32>
    %logistic3A_67 = arith.addf %logistic3A_66, %logistic3A_64 : vector<1024x512xf32>
    %logistic3A_68 = arith.divf %logistic3A_66, %logistic3A_67 : vector<1024x512xf32>
    %get3A_69 = arith.constant 0 : index
    %get3A_70 = arith.constant 0 : index
    %get3A_71 = vector.load %arg1[%get3A_69, %get3A_70] : memref<1024x512xf32, #tpu.memory_space<vmem>>, vector<1024x512xf32>
    %mul3A_72 = arith.mulf %logistic3A_68, %get3A_71 : vector<1024x512xf32>
    %get3A_73 = arith.constant 0 : index
    %get3A_74 = arith.constant 0 : index
    %get3A_75 = vector.load %arg4[%get3A_73, %get3A_74] : memref<512x512xf32, #tpu.memory_space<vmem>>, vector<512x512xf32>
    %dot_general3A_76 = arith.constant dense<0.000000e+00> : vector<1024x512xf32>
    %dot_general3A_77 = tpu.matmul %mul3A_72, %get3A_75, %dot_general3A_76 {dimension_numbers = #tpu.dot_dimension_numbers<[1], [0], [0], [1], [0, 0, 1, 1], [], []>, transpose_lhs_hint = false} : vector<1024x512xf32>, vector<512x512xf32>, vector<1024x512xf32> -> vector<1024x512xf32>
    %get3A_78 = arith.constant 0 : index
    %get3A_79 = arith.constant 0 : index
    %get3A_80 = vector.load %arg5[%get3A_78, %get3A_79] : memref<1x512xf32, #tpu.memory_space<vmem>>, vector<1x512xf32>
    %add3A_81 = vector.broadcast %get3A_80 : vector<1x512xf32> to vector<1024x512xf32>
    %add3A_82 = arith.addf %dot_general3A_77, %add3A_81 : vector<1024x512xf32>
    %integer_pow3A = arith.mulf %add3A_82, %add3A_82 : vector<1024x512xf32>
    %integer_pow3A_83 = arith.mulf %add3A_82, %integer_pow3A : vector<1024x512xf32>
    %mul3A_84 = arith.constant 4.471500e-02 : f32
    %mul3A_85 = vector.broadcast %mul3A_84 : f32 to vector<1024x512xf32>
    %mul3A_86 = arith.mulf %mul3A_85, %integer_pow3A_83 : vector<1024x512xf32>
    %add3A_87 = arith.addf %add3A_82, %mul3A_86 : vector<1024x512xf32>
    %mul3A_88 = arith.constant 0.797884583 : f32
    %mul3A_89 = vector.broadcast %mul3A_88 : f32 to vector<1024x512xf32>
    %mul3A_90 = arith.mulf %mul3A_89, %add3A_87 : vector<1024x512xf32>
    %tanh3A = math.tanh %mul3A_90 : vector<1024x512xf32>
    %add3A_91 = arith.constant 1.000000e+00 : f32
    %add3A_92 = vector.broadcast %add3A_91 : f32 to vector<1024x512xf32>
    %add3A_93 = arith.addf %add3A_92, %tanh3A : vector<1024x512xf32>
    %mul3A_94 = arith.constant 5.000000e-01 : f32
    %mul3A_95 = vector.broadcast %mul3A_94 : f32 to vector<1024x512xf32>
    %mul3A_96 = arith.mulf %mul3A_95, %add3A_93 : vector<1024x512xf32>
    %mul3A_97 = arith.mulf %add3A_82, %mul3A_96 : vector<1024x512xf32>
    %get3A_98 = arith.constant 0 : index
    %get3A_99 = arith.constant 0 : index
    %get3A_100 = vector.load %arg6[%get3A_98, %get3A_99] : memref<512x128xf32, #tpu.memory_space<vmem>>, vector<512x128xf32>
    %dot_general3A_101 = arith.constant dense<0.000000e+00> : vector<1024x128xf32>
    %dot_general3A_102 = tpu.matmul %mul3A_97, %get3A_100, %dot_general3A_101 {dimension_numbers = #tpu.dot_dimension_numbers<[1], [0], [0], [1], [0, 0, 1, 1], [], []>, transpose_lhs_hint = false} : vector<1024x512xf32>, vector<512x128xf32>, vector<1024x128xf32> -> vector<1024x128xf32>
    %get3A_103 = arith.constant 0 : index
    %get3A_104 = arith.constant 0 : index
    %get3A_105 = vector.load %arg7[%get3A_103, %get3A_104] : memref<1x128xf32, #tpu.memory_space<vmem>>, vector<1x128xf32>
    %add3A_106 = vector.broadcast %get3A_105 : vector<1x128xf32> to vector<1024x128xf32>
    %add3A_107 = arith.addf %dot_general3A_102, %add3A_106 : vector<1024x128xf32>
    %mul3A_108 = vector.broadcast %convert_element_type3A_2 : vector<1024x1xf32> to vector<1024x128xf32>
    %mul3A_109 = arith.mulf %add3A_107, %mul3A_108 : vector<1024x128xf32>
    %swap3A = arith.constant 0 : index
    %swap3A_110 = arith.constant 0 : index
    %swap3A_111 = arith.constant 0 : index
    %swap3A_112 = vector.load %arg15[%swap3A, %swap3A_110, %swap3A_111] : memref<2x1024x128xf32, #tpu.memory_space<vmem>>, vector<1x1024x128xf32>
    %swap3A_113 = vector.shape_cast %swap3A_112 : vector<1x1024x128xf32> to vector<1024x128xf32>
    %swap3A_114 = vector.shape_cast %mul3A_109 : vector<1024x128xf32> to vector<1x1024x128xf32>
    tpu.vector_store %arg15[%swap3A, %swap3A_110, %swap3A_111], %swap3A_114 {strides = array<i32>} : memref<2x1024x128xf32, #tpu.memory_space<vmem>>, vector<1x1024x128xf32>,
    %slice3A = vector.extract_strided_slice %add3A_49 {offsets = [0, 0], sizes = [1, 128], strides = [1, 1]} : vector<4x128xf32> to vector<1x128xf32>
    %broadcast_in_dim3A_115 = vector.shape_cast %slice3A : vector<1x128xf32> to vector<1x128xf32>
    %broadcast_in_dim3A_116 = vector.broadcast %broadcast_in_dim3A_115 : vector<1x128xf32> to vector<1024x128xf32>
    %mul3A_117 = vector.broadcast %convert_element_type3A_2 : vector<1024x1xf32> to vector<1024x128xf32>
    %mul3A_118 = arith.mulf %broadcast_in_dim3A_116, %mul3A_117 : vector<1024x128xf32>
    %slice3A_119 = vector.extract_strided_slice %add3A_49 {offsets = [2, 0], sizes = [1, 128], strides = [1, 1]} : vector<4x128xf32> to vector<1x128xf32>
    %broadcast_in_dim3A_120 = vector.shape_cast %slice3A_119 : vector<1x128xf32> to vector<1x128xf32>
    %broadcast_in_dim3A_121 = vector.broadcast %broadcast_in_dim3A_120 : vector<1x128xf32> to vector<1024x128xf32>
    %mul3A_122 = vector.broadcast %convert_element_type3A_2 : vector<1024x1xf32> to vector<1024x128xf32>
    %mul3A_123 = arith.mulf %broadcast_in_dim3A_121, %mul3A_122 : vector<1024x128xf32>
    %concatenate3A = tpu.concatenate %mul3A_109, %mul3A_118 in 1 : vector<1024x128xf32>, vector<1024x128xf32> -> vector<1024x256xf32>
    %swap3A_124 = arith.constant 0 : index
    %swap3A_125 = arith.constant 0 : index
    %swap3A_126 = arith.constant 0 : index
    %swap3A_127 = vector.load %arg16[%swap3A_124, %swap3A_125, %swap3A_126] : memref<4x1024x256xf32, #tpu.memory_space<vmem>>, vector<1x1024x256xf32>
    %swap3A_128 = vector.shape_cast %swap3A_127 : vector<1x1024x256xf32> to vector<1024x256xf32>
    %swap3A_129 = vector.shape_cast %concatenate3A : vector<1024x256xf32> to vector<1x1024x256xf32>
    tpu.vector_store %arg16[%swap3A_124, %swap3A_125, %swap3A_126], %swap3A_129 {strides = array<i32>} : memref<4x1024x256xf32, #tpu.memory_space<vmem>>, vector<1x1024x256xf32>,
    %concatenate3A_130 = tpu.concatenate %mul3A_109, %mul3A_123 in 1 : vector<1024x128xf32>, vector<1024x128xf32> -> vector<1024x256xf32>
    %swap3A_131 = arith.constant 2 : index
    %swap3A_132 = arith.constant 0 : index
    %swap3A_133 = arith.constant 0 : index
    %swap3A_134 = vector.load %arg16[%swap3A_131, %swap3A_132, %swap3A_133] : memref<4x1024x256xf32, #tpu.memory_space<vmem>>, vector<1x1024x256xf32>
    %swap3A_135 = vector.shape_cast %swap3A_134 : vector<1x1024x256xf32> to vector<1024x256xf32>
    %swap3A_136 = vector.shape_cast %concatenate3A_130 : vector<1024x256xf32> to vector<1x1024x256xf32>
    tpu.vector_store %arg16[%swap3A_131, %swap3A_132, %swap3A_133], %swap3A_136 {strides = array<i32>} : memref<4x1024x256xf32, #tpu.memory_space<vmem>>, vector<1x1024x256xf32>,
    %get3A_137 = arith.constant 0 : index
    %get3A_138 = arith.constant 1 : index
    %get3A_139 = vector.load %arg0[%get3A_137, %get3A_138] : memref<1024x2xf32, #tpu.memory_space<vmem>>, vector<1024x1xf32>
    %get3A_140 = arith.constant 0 : index
    %get3A_141 = arith.constant 0 : index
    %get3A_142 = vector.load %arg2[%get3A_140, %get3A_141] : memref<1x512xf32, #tpu.memory_space<vmem>>, vector<1x512xf32>
    %mul3A_143 = vector.broadcast %get3A_139 : vector<1024x1xf32> to vector<1024x512xf32>
    %mul3A_144 = vector.broadcast %get3A_142 : vector<1x512xf32> to vector<1024x512xf32>
    %mul3A_145 = arith.mulf %mul3A_143, %mul3A_144 : vector<1024x512xf32>
    %get3A_146 = arith.constant 0 : index
    %get3A_147 = arith.constant 0 : index
    %get3A_148 = vector.load %arg3[%get3A_146, %get3A_147] : memref<1x512xf32, #tpu.memory_space<vmem>>, vector<1x512xf32>
    %add3A_149 = vector.broadcast %get3A_148 : vector<1x512xf32> to vector<1024x512xf32>
    %add3A_150 = arith.addf %mul3A_145, %add3A_149 : vector<1024x512xf32>
    %logistic3A_151 = arith.negf %add3A_150 : vector<1024x512xf32>
    %logistic3A_152 = math.exp %logistic3A_151 : vector<1024x512xf32>
    %logistic3A_153 = arith.constant 1.000000e+00 : f32
    %logistic3A_154 = vector.broadcast %logistic3A_153 : f32 to vector<1024x512xf32>
    %logistic3A_155 = arith.addf %logistic3A_154, %logistic3A_152 : vector<1024x512xf32>
    %logistic3A_156 = arith.divf %logistic3A_154, %logistic3A_155 : vector<1024x512xf32>
    %get3A_157 = arith.constant 0 : index
    %get3A_158 = arith.constant 0 : index
    %get3A_159 = vector.load %arg1[%get3A_157, %get3A_158] : memref<1024x512xf32, #tpu.memory_space<vmem>>, vector<1024x512xf32>
    %mul3A_160 = arith.mulf %logistic3A_156, %get3A_159 : vector<1024x512xf32>
    %get3A_161 = arith.constant 0 : index
    %get3A_162 = arith.constant 0 : index
    %get3A_163 = vector.load %arg4[%get3A_161, %get3A_162] : memref<512x512xf32, #tpu.memory_space<vmem>>, vector<512x512xf32>
    %dot_general3A_164 = arith.constant dense<0.000000e+00> : vector<1024x512xf32>
    %dot_general3A_165 = tpu.matmul %mul3A_160, %get3A_163, %dot_general3A_164 {dimension_numbers = #tpu.dot_dimension_numbers<[1], [0], [0], [1], [0, 0, 1, 1], [], []>, transpose_lhs_hint = false} : vector<1024x512xf32>, vector<512x512xf32>, vector<1024x512xf32> -> vector<1024x512xf32>
    %get3A_166 = arith.constant 0 : index
    %get3A_167 = arith.constant 0 : index
    %get3A_168 = vector.load %arg5[%get3A_166, %get3A_167] : memref<1x512xf32, #tpu.memory_space<vmem>>, vector<1x512xf32>
    %add3A_169 = vector.broadcast %get3A_168 : vector<1x512xf32> to vector<1024x512xf32>
    %add3A_170 = arith.addf %dot_general3A_165, %add3A_169 : vector<1024x512xf32>
    %integer_pow3A_171 = arith.mulf %add3A_170, %add3A_170 : vector<1024x512xf32>
    %integer_pow3A_172 = arith.mulf %add3A_170, %integer_pow3A_171 : vector<1024x512xf32>
    %mul3A_173 = arith.constant 4.471500e-02 : f32
    %mul3A_174 = vector.broadcast %mul3A_173 : f32 to vector<1024x512xf32>
    %mul3A_175 = arith.mulf %mul3A_174, %integer_pow3A_172 : vector<1024x512xf32>
    %add3A_176 = arith.addf %add3A_170, %mul3A_175 : vector<1024x512xf32>
    %mul3A_177 = arith.constant 0.797884583 : f32
    %mul3A_178 = vector.broadcast %mul3A_177 : f32 to vector<1024x512xf32>
    %mul3A_179 = arith.mulf %mul3A_178, %add3A_176 : vector<1024x512xf32>
    %tanh3A_180 = math.tanh %mul3A_179 : vector<1024x512xf32>
    %add3A_181 = arith.constant 1.000000e+00 : f32
    %add3A_182 = vector.broadcast %add3A_181 : f32 to vector<1024x512xf32>
    %add3A_183 = arith.addf %add3A_182, %tanh3A_180 : vector<1024x512xf32>
    %mul3A_184 = arith.constant 5.000000e-01 : f32
    %mul3A_185 = vector.broadcast %mul3A_184 : f32 to vector<1024x512xf32>
    %mul3A_186 = arith.mulf %mul3A_185, %add3A_183 : vector<1024x512xf32>
    %mul3A_187 = arith.mulf %add3A_170, %mul3A_186 : vector<1024x512xf32>
    %get3A_188 = arith.constant 0 : index
    %get3A_189 = arith.constant 0 : index
    %get3A_190 = vector.load %arg6[%get3A_188, %get3A_189] : memref<512x128xf32, #tpu.memory_space<vmem>>, vector<512x128xf32>
    %dot_general3A_191 = arith.constant dense<0.000000e+00> : vector<1024x128xf32>
    %dot_general3A_192 = tpu.matmul %mul3A_187, %get3A_190, %dot_general3A_191 {dimension_numbers = #tpu.dot_dimension_numbers<[1], [0], [0], [1], [0, 0, 1, 1], [], []>, transpose_lhs_hint = false} : vector<1024x512xf32>, vector<512x128xf32>, vector<1024x128xf32> -> vector<1024x128xf32>
    %get3A_193 = arith.constant 0 : index
    %get3A_194 = arith.constant 0 : index
    %get3A_195 = vector.load %arg7[%get3A_193, %get3A_194] : memref<1x128xf32, #tpu.memory_space<vmem>>, vector<1x128xf32>
    %add3A_196 = vector.broadcast %get3A_195 : vector<1x128xf32> to vector<1024x128xf32>
    %add3A_197 = arith.addf %dot_general3A_192, %add3A_196 : vector<1024x128xf32>
    %mul3A_198 = vector.broadcast %convert_element_type3A_2 : vector<1024x1xf32> to vector<1024x128xf32>
    %mul3A_199 = arith.mulf %add3A_197, %mul3A_198 : vector<1024x128xf32>
    %swap3A_200 = arith.constant 1 : index
    %swap3A_201 = arith.constant 0 : index
    %swap3A_202 = arith.constant 0 : index
    %swap3A_203 = vector.load %arg15[%swap3A_200, %swap3A_201, %swap3A_202] : memref<2x1024x128xf32, #tpu.memory_space<vmem>>, vector<1x1024x128xf32>
    %swap3A_204 = vector.shape_cast %swap3A_203 : vector<1x1024x128xf32> to vector<1024x128xf32>
    %swap3A_205 = vector.shape_cast %mul3A_199 : vector<1024x128xf32> to vector<1x1024x128xf32>
    tpu.vector_store %arg15[%swap3A_200, %swap3A_201, %swap3A_202], %swap3A_205 {strides = array<i32>} : memref<2x1024x128xf32, #tpu.memory_space<vmem>>, vector<1x1024x128xf32>,
    %slice3A_206 = vector.extract_strided_slice %add3A_49 {offsets = [1, 0], sizes = [1, 128], strides = [1, 1]} : vector<4x128xf32> to vector<1x128xf32>
    %broadcast_in_dim3A_207 = vector.shape_cast %slice3A_206 : vector<1x128xf32> to vector<1x128xf32>
    %broadcast_in_dim3A_208 = vector.broadcast %broadcast_in_dim3A_207 : vector<1x128xf32> to vector<1024x128xf32>
    %mul3A_209 = vector.broadcast %convert_element_type3A_2 : vector<1024x1xf32> to vector<1024x128xf32>
    %mul3A_210 = arith.mulf %broadcast_in_dim3A_208, %mul3A_209 : vector<1024x128xf32>
    %slice3A_211 = vector.extract_strided_slice %add3A_49 {offsets = [3, 0], sizes = [1, 128], strides = [1, 1]} : vector<4x128xf32> to vector<1x128xf32>
    %broadcast_in_dim3A_212 = vector.shape_cast %slice3A_211 : vector<1x128xf32> to vector<1x128xf32>
    %broadcast_in_dim3A_213 = vector.broadcast %broadcast_in_dim3A_212 : vector<1x128xf32> to vector<1024x128xf32>
    %mul3A_214 = vector.broadcast %convert_element_type3A_2 : vector<1024x1xf32> to vector<1024x128xf32>
    %mul3A_215 = arith.mulf %broadcast_in_dim3A_213, %mul3A_214 : vector<1024x128xf32>
    %concatenate3A_216 = tpu.concatenate %mul3A_199, %mul3A_210 in 1 : vector<1024x128xf32>, vector<1024x128xf32> -> vector<1024x256xf32>
    %swap3A_217 = arith.constant 1 : index
    %swap3A_218 = arith.constant 0 : index
    %swap3A_219 = arith.constant 0 : index
    %swap3A_220 = vector.load %arg16[%swap3A_217, %swap3A_218, %swap3A_219] : memref<4x1024x256xf32, #tpu.memory_space<vmem>>, vector<1x1024x256xf32>
    %swap3A_221 = vector.shape_cast %swap3A_220 : vector<1x1024x256xf32> to vector<1024x256xf32>
    %swap3A_222 = vector.shape_cast %concatenate3A_216 : vector<1024x256xf32> to vector<1x1024x256xf32>
    tpu.vector_store %arg16[%swap3A_217, %swap3A_218, %swap3A_219], %swap3A_222 {strides = array<i32>} : memref<4x1024x256xf32, #tpu.memory_space<vmem>>, vector<1x1024x256xf32>,
    %concatenate3A_223 = tpu.concatenate %mul3A_199, %mul3A_215 in 1 : vector<1024x128xf32>, vector<1024x128xf32> -> vector<1024x256xf32>
    %swap3A_224 = arith.constant 3 : index
    %swap3A_225 = arith.constant 0 : index
    %swap3A_226 = arith.constant 0 : index
    %swap3A_227 = vector.load %arg16[%swap3A_224, %swap3A_225, %swap3A_226] : memref<4x1024x256xf32, #tpu.memory_space<vmem>>, vector<1x1024x256xf32>
    %swap3A_228 = vector.shape_cast %swap3A_227 : vector<1x1024x256xf32> to vector<1024x256xf32>
    %swap3A_229 = vector.shape_cast %concatenate3A_223 : vector<1024x256xf32> to vector<1x1024x256xf32>
    tpu.vector_store %arg16[%swap3A_224, %swap3A_225, %swap3A_226], %swap3A_229 {strides = array<i32>} : memref<4x1024x256xf32, #tpu.memory_space<vmem>>, vector<1x1024x256xf32>,
    return
  }
}

module attributes {stable_mosaic.version = 14 : i64} {
  func.func @_adj_body(%arg0: i32, %arg1: memref<1x1024x256xf32, #tpu.memory_space<vmem>>, %arg2: memref<1024x1024xf32, #tpu.memory_space<vmem>>, %arg3: memref<8x256xf32, #tpu.memory_space<vmem>>, %arg4: memref<1x256xf32, #tpu.memory_space<vmem>>, %arg5: memref<1x1024x1024xf32, #tpu.memory_space<vmem>>) attributes {dimension_semantics = [#tpu.dimension_semantics<arbitrary>], iteration_bounds = array<i64: 4>, scalar_prefetch = 0 : i64, scratch_operands = 0 : i64, tpu.core_type = #tpu.core_type<tc>, window_params = [{transform_indices = @transform_0, window_bounds = array<i64: 1, 1024, 256>}, {pipeline_mode = #tpu.pipeline_mode<synchronous>, transform_indices = @transform_1, window_bounds = array<i64: 1024, 1024>}, {pipeline_mode = #tpu.pipeline_mode<synchronous>, transform_indices = @transform_2, window_bounds = array<i64: 8, 256>}, {pipeline_mode = #tpu.pipeline_mode<synchronous>, transform_indices = @transform_3, window_bounds = array<i64: 1, 256>}, {transform_indices = @transform_4, window_bounds = array<i64: 1, 1024, 1024>}]} {
    %get3A = arith.constant 0 : index
    %get3A_0 = arith.constant 0 : index
    %get3A_1 = arith.constant 0 : index
    %get3A_2 = vector.load %arg1[%get3A, %get3A_0, %get3A_1] : memref<1x1024x256xf32, #tpu.memory_space<vmem>>, vector<1x1024x256xf32>
    %get3A_3 = vector.shape_cast %get3A_2 : vector<1x1024x256xf32> to vector<1024x256xf32>
    %get3A_4 = arith.constant 0 : index
    %get3A_5 = arith.constant 0 : index
    %get3A_6 = vector.load %arg4[%get3A_4, %get3A_5] : memref<1x256xf32, #tpu.memory_space<vmem>>, vector<1x256xf32>
    %logistic3A = arith.negf %get3A_6 : vector<1x256xf32>
    %logistic3A_7 = math.exp %logistic3A : vector<1x256xf32>
    %logistic3A_8 = arith.constant 1.000000e+00 : f32
    %logistic3A_9 = vector.broadcast %logistic3A_8 : f32 to vector<1x256xf32>
    %logistic3A_10 = arith.addf %logistic3A_9, %logistic3A_7 : vector<1x256xf32>
    %logistic3A_11 = arith.divf %logistic3A_9, %logistic3A_10 : vector<1x256xf32>
    %mul3A = vector.broadcast %logistic3A_11 : vector<1x256xf32> to vector<1024x256xf32>
    %mul3A_12 = arith.mulf %get3A_3, %mul3A : vector<1024x256xf32>
    %get3A_13 = arith.constant 0 : index
    %get3A_14 = arith.constant 0 : index
    %get3A_15 = vector.load %arg3[%get3A_13, %get3A_14] : memref<8x256xf32, #tpu.memory_space<vmem>>, vector<1x256xf32>
    %mul3A_16 = vector.broadcast %get3A_15 : vector<1x256xf32> to vector<1024x256xf32>
    %mul3A_17 = arith.mulf %mul3A_12, %mul3A_16 : vector<1024x256xf32>
    %mul3A_18 = arith.mulf %mul3A_17, %mul3A_17 : vector<1024x256xf32>
    %slice3A = vector.extract_strided_slice %mul3A_18 {offsets = [0, 0], sizes = [1024, 128], strides = [1, 1]} : vector<1024x256xf32> to vector<1024x128xf32>
    %slice3A_19 = vector.extract_strided_slice %mul3A_18 {offsets = [0, 128], sizes = [1024, 128], strides = [1, 1]} : vector<1024x256xf32> to vector<1024x128xf32>
    %add3A = arith.addf %slice3A, %slice3A_19 : vector<1024x128xf32>
    %slice3A_20 = vector.extract_strided_slice %add3A {offsets = [0, 0], sizes = [1024, 64], strides = [1, 1]} : vector<1024x128xf32> to vector<1024x64xf32>
    %slice3A_21 = vector.extract_strided_slice %add3A {offsets = [0, 64], sizes = [1024, 64], strides = [1, 1]} : vector<1024x128xf32> to vector<1024x64xf32>
    %add3A_22 = arith.addf %slice3A_20, %slice3A_21 : vector<1024x64xf32>
    %slice3A_23 = vector.extract_strided_slice %add3A_22 {offsets = [0, 0], sizes = [1024, 32], strides = [1, 1]} : vector<1024x64xf32> to vector<1024x32xf32>
    %slice3A_24 = vector.extract_strided_slice %add3A_22 {offsets = [0, 32], sizes = [1024, 32], strides = [1, 1]} : vector<1024x64xf32> to vector<1024x32xf32>
    %add3A_25 = arith.addf %slice3A_23, %slice3A_24 : vector<1024x32xf32>
    %slice3A_26 = vector.extract_strided_slice %add3A_25 {offsets = [0, 0], sizes = [1024, 16], strides = [1, 1]} : vector<1024x32xf32> to vector<1024x16xf32>
    %slice3A_27 = vector.extract_strided_slice %add3A_25 {offsets = [0, 16], sizes = [1024, 16], strides = [1, 1]} : vector<1024x32xf32> to vector<1024x16xf32>
    %add3A_28 = arith.addf %slice3A_26, %slice3A_27 : vector<1024x16xf32>
    %slice3A_29 = vector.extract_strided_slice %add3A_28 {offsets = [0, 0], sizes = [1024, 8], strides = [1, 1]} : vector<1024x16xf32> to vector<1024x8xf32>
    %slice3A_30 = vector.extract_strided_slice %add3A_28 {offsets = [0, 8], sizes = [1024, 8], strides = [1, 1]} : vector<1024x16xf32> to vector<1024x8xf32>
    %add3A_31 = arith.addf %slice3A_29, %slice3A_30 : vector<1024x8xf32>
    %slice3A_32 = vector.extract_strided_slice %add3A_31 {offsets = [0, 0], sizes = [1024, 4], strides = [1, 1]} : vector<1024x8xf32> to vector<1024x4xf32>
    %slice3A_33 = vector.extract_strided_slice %add3A_31 {offsets = [0, 4], sizes = [1024, 4], strides = [1, 1]} : vector<1024x8xf32> to vector<1024x4xf32>
    %add3A_34 = arith.addf %slice3A_32, %slice3A_33 : vector<1024x4xf32>
    %slice3A_35 = vector.extract_strided_slice %add3A_34 {offsets = [0, 0], sizes = [1024, 2], strides = [1, 1]} : vector<1024x4xf32> to vector<1024x2xf32>
    %slice3A_36 = vector.extract_strided_slice %add3A_34 {offsets = [0, 2], sizes = [1024, 2], strides = [1, 1]} : vector<1024x4xf32> to vector<1024x2xf32>
    %add3A_37 = arith.addf %slice3A_35, %slice3A_36 : vector<1024x2xf32>
    %slice3A_38 = vector.extract_strided_slice %add3A_37 {offsets = [0, 0], sizes = [1024, 1], strides = [1, 1]} : vector<1024x2xf32> to vector<1024x1xf32>
    %slice3A_39 = vector.extract_strided_slice %add3A_37 {offsets = [0, 1], sizes = [1024, 1], strides = [1, 1]} : vector<1024x2xf32> to vector<1024x1xf32>
    %add3A_40 = arith.addf %slice3A_38, %slice3A_39 : vector<1024x1xf32>
    %sqrt3A = math.sqrt %add3A_40 : vector<1024x1xf32>
    %add3A_41 = arith.constant 9.99999993E-9 : f32
    %add3A_42 = vector.broadcast %add3A_41 : f32 to vector<1024x1xf32>
    %add3A_43 = arith.addf %sqrt3A, %add3A_42 : vector<1024x1xf32>
    %div3A = vector.broadcast %add3A_43 : vector<1024x1xf32> to vector<1024x256xf32>
    %div3A_44 = arith.divf %mul3A_17, %div3A : vector<1024x256xf32>
    %get3A_45 = arith.constant 1 : index
    %get3A_46 = arith.constant 0 : index
    %get3A_47 = vector.load %arg3[%get3A_45, %get3A_46] : memref<8x256xf32, #tpu.memory_space<vmem>>, vector<1x256xf32>
    %mul3A_48 = vector.broadcast %get3A_47 : vector<1x256xf32> to vector<1024x256xf32>
    %mul3A_49 = arith.mulf %mul3A_12, %mul3A_48 : vector<1024x256xf32>
    %mul3A_50 = arith.mulf %mul3A_49, %mul3A_49 : vector<1024x256xf32>
    %slice3A_51 = vector.extract_strided_slice %mul3A_50 {offsets = [0, 0], sizes = [1024, 128], strides = [1, 1]} : vector<1024x256xf32> to vector<1024x128xf32>
    %slice3A_52 = vector.extract_strided_slice %mul3A_50 {offsets = [0, 128], sizes = [1024, 128], strides = [1, 1]} : vector<1024x256xf32> to vector<1024x128xf32>
    %add3A_53 = arith.addf %slice3A_51, %slice3A_52 : vector<1024x128xf32>
    %slice3A_54 = vector.extract_strided_slice %add3A_53 {offsets = [0, 0], sizes = [1024, 64], strides = [1, 1]} : vector<1024x128xf32> to vector<1024x64xf32>
    %slice3A_55 = vector.extract_strided_slice %add3A_53 {offsets = [0, 64], sizes = [1024, 64], strides = [1, 1]} : vector<1024x128xf32> to vector<1024x64xf32>
    %add3A_56 = arith.addf %slice3A_54, %slice3A_55 : vector<1024x64xf32>
    %slice3A_57 = vector.extract_strided_slice %add3A_56 {offsets = [0, 0], sizes = [1024, 32], strides = [1, 1]} : vector<1024x64xf32> to vector<1024x32xf32>
    %slice3A_58 = vector.extract_strided_slice %add3A_56 {offsets = [0, 32], sizes = [1024, 32], strides = [1, 1]} : vector<1024x64xf32> to vector<1024x32xf32>
    %add3A_59 = arith.addf %slice3A_57, %slice3A_58 : vector<1024x32xf32>
    %slice3A_60 = vector.extract_strided_slice %add3A_59 {offsets = [0, 0], sizes = [1024, 16], strides = [1, 1]} : vector<1024x32xf32> to vector<1024x16xf32>
    %slice3A_61 = vector.extract_strided_slice %add3A_59 {offsets = [0, 16], sizes = [1024, 16], strides = [1, 1]} : vector<1024x32xf32> to vector<1024x16xf32>
    %add3A_62 = arith.addf %slice3A_60, %slice3A_61 : vector<1024x16xf32>
    %slice3A_63 = vector.extract_strided_slice %add3A_62 {offsets = [0, 0], sizes = [1024, 8], strides = [1, 1]} : vector<1024x16xf32> to vector<1024x8xf32>
    %slice3A_64 = vector.extract_strided_slice %add3A_62 {offsets = [0, 8], sizes = [1024, 8], strides = [1, 1]} : vector<1024x16xf32> to vector<1024x8xf32>
    %add3A_65 = arith.addf %slice3A_63, %slice3A_64 : vector<1024x8xf32>
    %slice3A_66 = vector.extract_strided_slice %add3A_65 {offsets = [0, 0], sizes = [1024, 4], strides = [1, 1]} : vector<1024x8xf32> to vector<1024x4xf32>
    %slice3A_67 = vector.extract_strided_slice %add3A_65 {offsets = [0, 4], sizes = [1024, 4], strides = [1, 1]} : vector<1024x8xf32> to vector<1024x4xf32>
    %add3A_68 = arith.addf %slice3A_66, %slice3A_67 : vector<1024x4xf32>
    %slice3A_69 = vector.extract_strided_slice %add3A_68 {offsets = [0, 0], sizes = [1024, 2], strides = [1, 1]} : vector<1024x4xf32> to vector<1024x2xf32>
    %slice3A_70 = vector.extract_strided_slice %add3A_68 {offsets = [0, 2], sizes = [1024, 2], strides = [1, 1]} : vector<1024x4xf32> to vector<1024x2xf32>
    %add3A_71 = arith.addf %slice3A_69, %slice3A_70 : vector<1024x2xf32>
    %slice3A_72 = vector.extract_strided_slice %add3A_71 {offsets = [0, 0], sizes = [1024, 1], strides = [1, 1]} : vector<1024x2xf32> to vector<1024x1xf32>
    %slice3A_73 = vector.extract_strided_slice %add3A_71 {offsets = [0, 1], sizes = [1024, 1], strides = [1, 1]} : vector<1024x2xf32> to vector<1024x1xf32>
    %add3A_74 = arith.addf %slice3A_72, %slice3A_73 : vector<1024x1xf32>
    %sqrt3A_75 = math.sqrt %add3A_74 : vector<1024x1xf32>
    %add3A_76 = arith.constant 9.99999993E-9 : f32
    %add3A_77 = vector.broadcast %add3A_76 : f32 to vector<1024x1xf32>
    %add3A_78 = arith.addf %sqrt3A_75, %add3A_77 : vector<1024x1xf32>
    %div3A_79 = vector.broadcast %add3A_78 : vector<1024x1xf32> to vector<1024x256xf32>
    %div3A_80 = arith.divf %mul3A_49, %div3A_79 : vector<1024x256xf32>
    %get3A_81 = arith.constant 2 : index
    %get3A_82 = arith.constant 0 : index
    %get3A_83 = vector.load %arg3[%get3A_81, %get3A_82] : memref<8x256xf32, #tpu.memory_space<vmem>>, vector<1x256xf32>
    %mul3A_84 = vector.broadcast %get3A_83 : vector<1x256xf32> to vector<1024x256xf32>
    %mul3A_85 = arith.mulf %mul3A_12, %mul3A_84 : vector<1024x256xf32>
    %mul3A_86 = arith.mulf %mul3A_85, %mul3A_85 : vector<1024x256xf32>
    %slice3A_87 = vector.extract_strided_slice %mul3A_86 {offsets = [0, 0], sizes = [1024, 128], strides = [1, 1]} : vector<1024x256xf32> to vector<1024x128xf32>
    %slice3A_88 = vector.extract_strided_slice %mul3A_86 {offsets = [0, 128], sizes = [1024, 128], strides = [1, 1]} : vector<1024x256xf32> to vector<1024x128xf32>
    %add3A_89 = arith.addf %slice3A_87, %slice3A_88 : vector<1024x128xf32>
    %slice3A_90 = vector.extract_strided_slice %add3A_89 {offsets = [0, 0], sizes = [1024, 64], strides = [1, 1]} : vector<1024x128xf32> to vector<1024x64xf32>
    %slice3A_91 = vector.extract_strided_slice %add3A_89 {offsets = [0, 64], sizes = [1024, 64], strides = [1, 1]} : vector<1024x128xf32> to vector<1024x64xf32>
    %add3A_92 = arith.addf %slice3A_90, %slice3A_91 : vector<1024x64xf32>
    %slice3A_93 = vector.extract_strided_slice %add3A_92 {offsets = [0, 0], sizes = [1024, 32], strides = [1, 1]} : vector<1024x64xf32> to vector<1024x32xf32>
    %slice3A_94 = vector.extract_strided_slice %add3A_92 {offsets = [0, 32], sizes = [1024, 32], strides = [1, 1]} : vector<1024x64xf32> to vector<1024x32xf32>
    %add3A_95 = arith.addf %slice3A_93, %slice3A_94 : vector<1024x32xf32>
    %slice3A_96 = vector.extract_strided_slice %add3A_95 {offsets = [0, 0], sizes = [1024, 16], strides = [1, 1]} : vector<1024x32xf32> to vector<1024x16xf32>
    %slice3A_97 = vector.extract_strided_slice %add3A_95 {offsets = [0, 16], sizes = [1024, 16], strides = [1, 1]} : vector<1024x32xf32> to vector<1024x16xf32>
    %add3A_98 = arith.addf %slice3A_96, %slice3A_97 : vector<1024x16xf32>
    %slice3A_99 = vector.extract_strided_slice %add3A_98 {offsets = [0, 0], sizes = [1024, 8], strides = [1, 1]} : vector<1024x16xf32> to vector<1024x8xf32>
    %slice3A_100 = vector.extract_strided_slice %add3A_98 {offsets = [0, 8], sizes = [1024, 8], strides = [1, 1]} : vector<1024x16xf32> to vector<1024x8xf32>
    %add3A_101 = arith.addf %slice3A_99, %slice3A_100 : vector<1024x8xf32>
    %slice3A_102 = vector.extract_strided_slice %add3A_101 {offsets = [0, 0], sizes = [1024, 4], strides = [1, 1]} : vector<1024x8xf32> to vector<1024x4xf32>
    %slice3A_103 = vector.extract_strided_slice %add3A_101 {offsets = [0, 4], sizes = [1024, 4], strides = [1, 1]} : vector<1024x8xf32> to vector<1024x4xf32>
    %add3A_104 = arith.addf %slice3A_102, %slice3A_103 : vector<1024x4xf32>
    %slice3A_105 = vector.extract_strided_slice %add3A_104 {offsets = [0, 0], sizes = [1024, 2], strides = [1, 1]} : vector<1024x4xf32> to vector<1024x2xf32>
    %slice3A_106 = vector.extract_strided_slice %add3A_104 {offsets = [0, 2], sizes = [1024, 2], strides = [1, 1]} : vector<1024x4xf32> to vector<1024x2xf32>
    %add3A_107 = arith.addf %slice3A_105, %slice3A_106 : vector<1024x2xf32>
    %slice3A_108 = vector.extract_strided_slice %add3A_107 {offsets = [0, 0], sizes = [1024, 1], strides = [1, 1]} : vector<1024x2xf32> to vector<1024x1xf32>
    %slice3A_109 = vector.extract_strided_slice %add3A_107 {offsets = [0, 1], sizes = [1024, 1], strides = [1, 1]} : vector<1024x2xf32> to vector<1024x1xf32>
    %add3A_110 = arith.addf %slice3A_108, %slice3A_109 : vector<1024x1xf32>
    %sqrt3A_111 = math.sqrt %add3A_110 : vector<1024x1xf32>
    %add3A_112 = arith.constant 9.99999993E-9 : f32
    %add3A_113 = vector.broadcast %add3A_112 : f32 to vector<1024x1xf32>
    %add3A_114 = arith.addf %sqrt3A_111, %add3A_113 : vector<1024x1xf32>
    %div3A_115 = vector.broadcast %add3A_114 : vector<1024x1xf32> to vector<1024x256xf32>
    %div3A_116 = arith.divf %mul3A_85, %div3A_115 : vector<1024x256xf32>
    %get3A_117 = arith.constant 3 : index
    %get3A_118 = arith.constant 0 : index
    %get3A_119 = vector.load %arg3[%get3A_117, %get3A_118] : memref<8x256xf32, #tpu.memory_space<vmem>>, vector<1x256xf32>
    %mul3A_120 = vector.broadcast %get3A_119 : vector<1x256xf32> to vector<1024x256xf32>
    %mul3A_121 = arith.mulf %mul3A_12, %mul3A_120 : vector<1024x256xf32>
    %mul3A_122 = arith.mulf %mul3A_121, %mul3A_121 : vector<1024x256xf32>
    %slice3A_123 = vector.extract_strided_slice %mul3A_122 {offsets = [0, 0], sizes = [1024, 128], strides = [1, 1]} : vector<1024x256xf32> to vector<1024x128xf32>
    %slice3A_124 = vector.extract_strided_slice %mul3A_122 {offsets = [0, 128], sizes = [1024, 128], strides = [1, 1]} : vector<1024x256xf32> to vector<1024x128xf32>
    %add3A_125 = arith.addf %slice3A_123, %slice3A_124 : vector<1024x128xf32>
    %slice3A_126 = vector.extract_strided_slice %add3A_125 {offsets = [0, 0], sizes = [1024, 64], strides = [1, 1]} : vector<1024x128xf32> to vector<1024x64xf32>
    %slice3A_127 = vector.extract_strided_slice %add3A_125 {offsets = [0, 64], sizes = [1024, 64], strides = [1, 1]} : vector<1024x128xf32> to vector<1024x64xf32>
    %add3A_128 = arith.addf %slice3A_126, %slice3A_127 : vector<1024x64xf32>
    %slice3A_129 = vector.extract_strided_slice %add3A_128 {offsets = [0, 0], sizes = [1024, 32], strides = [1, 1]} : vector<1024x64xf32> to vector<1024x32xf32>
    %slice3A_130 = vector.extract_strided_slice %add3A_128 {offsets = [0, 32], sizes = [1024, 32], strides = [1, 1]} : vector<1024x64xf32> to vector<1024x32xf32>
    %add3A_131 = arith.addf %slice3A_129, %slice3A_130 : vector<1024x32xf32>
    %slice3A_132 = vector.extract_strided_slice %add3A_131 {offsets = [0, 0], sizes = [1024, 16], strides = [1, 1]} : vector<1024x32xf32> to vector<1024x16xf32>
    %slice3A_133 = vector.extract_strided_slice %add3A_131 {offsets = [0, 16], sizes = [1024, 16], strides = [1, 1]} : vector<1024x32xf32> to vector<1024x16xf32>
    %add3A_134 = arith.addf %slice3A_132, %slice3A_133 : vector<1024x16xf32>
    %slice3A_135 = vector.extract_strided_slice %add3A_134 {offsets = [0, 0], sizes = [1024, 8], strides = [1, 1]} : vector<1024x16xf32> to vector<1024x8xf32>
    %slice3A_136 = vector.extract_strided_slice %add3A_134 {offsets = [0, 8], sizes = [1024, 8], strides = [1, 1]} : vector<1024x16xf32> to vector<1024x8xf32>
    %add3A_137 = arith.addf %slice3A_135, %slice3A_136 : vector<1024x8xf32>
    %slice3A_138 = vector.extract_strided_slice %add3A_137 {offsets = [0, 0], sizes = [1024, 4], strides = [1, 1]} : vector<1024x8xf32> to vector<1024x4xf32>
    %slice3A_139 = vector.extract_strided_slice %add3A_137 {offsets = [0, 4], sizes = [1024, 4], strides = [1, 1]} : vector<1024x8xf32> to vector<1024x4xf32>
    %add3A_140 = arith.addf %slice3A_138, %slice3A_139 : vector<1024x4xf32>
    %slice3A_141 = vector.extract_strided_slice %add3A_140 {offsets = [0, 0], sizes = [1024, 2], strides = [1, 1]} : vector<1024x4xf32> to vector<1024x2xf32>
    %slice3A_142 = vector.extract_strided_slice %add3A_140 {offsets = [0, 2], sizes = [1024, 2], strides = [1, 1]} : vector<1024x4xf32> to vector<1024x2xf32>
    %add3A_143 = arith.addf %slice3A_141, %slice3A_142 : vector<1024x2xf32>
    %slice3A_144 = vector.extract_strided_slice %add3A_143 {offsets = [0, 0], sizes = [1024, 1], strides = [1, 1]} : vector<1024x2xf32> to vector<1024x1xf32>
    %slice3A_145 = vector.extract_strided_slice %add3A_143 {offsets = [0, 1], sizes = [1024, 1], strides = [1, 1]} : vector<1024x2xf32> to vector<1024x1xf32>
    %add3A_146 = arith.addf %slice3A_144, %slice3A_145 : vector<1024x1xf32>
    %sqrt3A_147 = math.sqrt %add3A_146 : vector<1024x1xf32>
    %add3A_148 = arith.constant 9.99999993E-9 : f32
    %add3A_149 = vector.broadcast %add3A_148 : f32 to vector<1024x1xf32>
    %add3A_150 = arith.addf %sqrt3A_147, %add3A_149 : vector<1024x1xf32>
    %div3A_151 = vector.broadcast %add3A_150 : vector<1024x1xf32> to vector<1024x256xf32>
    %div3A_152 = arith.divf %mul3A_121, %div3A_151 : vector<1024x256xf32>
    %get3A_153 = arith.constant 4 : index
    %get3A_154 = arith.constant 0 : index
    %get3A_155 = vector.load %arg3[%get3A_153, %get3A_154] : memref<8x256xf32, #tpu.memory_space<vmem>>, vector<1x256xf32>
    %mul3A_156 = vector.broadcast %get3A_155 : vector<1x256xf32> to vector<1024x256xf32>
    %mul3A_157 = arith.mulf %mul3A_12, %mul3A_156 : vector<1024x256xf32>
    %mul3A_158 = arith.mulf %mul3A_157, %mul3A_157 : vector<1024x256xf32>
    %slice3A_159 = vector.extract_strided_slice %mul3A_158 {offsets = [0, 0], sizes = [1024, 128], strides = [1, 1]} : vector<1024x256xf32> to vector<1024x128xf32>
    %slice3A_160 = vector.extract_strided_slice %mul3A_158 {offsets = [0, 128], sizes = [1024, 128], strides = [1, 1]} : vector<1024x256xf32> to vector<1024x128xf32>
    %add3A_161 = arith.addf %slice3A_159, %slice3A_160 : vector<1024x128xf32>
    %slice3A_162 = vector.extract_strided_slice %add3A_161 {offsets = [0, 0], sizes = [1024, 64], strides = [1, 1]} : vector<1024x128xf32> to vector<1024x64xf32>
    %slice3A_163 = vector.extract_strided_slice %add3A_161 {offsets = [0, 64], sizes = [1024, 64], strides = [1, 1]} : vector<1024x128xf32> to vector<1024x64xf32>
    %add3A_164 = arith.addf %slice3A_162, %slice3A_163 : vector<1024x64xf32>
    %slice3A_165 = vector.extract_strided_slice %add3A_164 {offsets = [0, 0], sizes = [1024, 32], strides = [1, 1]} : vector<1024x64xf32> to vector<1024x32xf32>
    %slice3A_166 = vector.extract_strided_slice %add3A_164 {offsets = [0, 32], sizes = [1024, 32], strides = [1, 1]} : vector<1024x64xf32> to vector<1024x32xf32>
    %add3A_167 = arith.addf %slice3A_165, %slice3A_166 : vector<1024x32xf32>
    %slice3A_168 = vector.extract_strided_slice %add3A_167 {offsets = [0, 0], sizes = [1024, 16], strides = [1, 1]} : vector<1024x32xf32> to vector<1024x16xf32>
    %slice3A_169 = vector.extract_strided_slice %add3A_167 {offsets = [0, 16], sizes = [1024, 16], strides = [1, 1]} : vector<1024x32xf32> to vector<1024x16xf32>
    %add3A_170 = arith.addf %slice3A_168, %slice3A_169 : vector<1024x16xf32>
    %slice3A_171 = vector.extract_strided_slice %add3A_170 {offsets = [0, 0], sizes = [1024, 8], strides = [1, 1]} : vector<1024x16xf32> to vector<1024x8xf32>
    %slice3A_172 = vector.extract_strided_slice %add3A_170 {offsets = [0, 8], sizes = [1024, 8], strides = [1, 1]} : vector<1024x16xf32> to vector<1024x8xf32>
    %add3A_173 = arith.addf %slice3A_171, %slice3A_172 : vector<1024x8xf32>
    %slice3A_174 = vector.extract_strided_slice %add3A_173 {offsets = [0, 0], sizes = [1024, 4], strides = [1, 1]} : vector<1024x8xf32> to vector<1024x4xf32>
    %slice3A_175 = vector.extract_strided_slice %add3A_173 {offsets = [0, 4], sizes = [1024, 4], strides = [1, 1]} : vector<1024x8xf32> to vector<1024x4xf32>
    %add3A_176 = arith.addf %slice3A_174, %slice3A_175 : vector<1024x4xf32>
    %slice3A_177 = vector.extract_strided_slice %add3A_176 {offsets = [0, 0], sizes = [1024, 2], strides = [1, 1]} : vector<1024x4xf32> to vector<1024x2xf32>
    %slice3A_178 = vector.extract_strided_slice %add3A_176 {offsets = [0, 2], sizes = [1024, 2], strides = [1, 1]} : vector<1024x4xf32> to vector<1024x2xf32>
    %add3A_179 = arith.addf %slice3A_177, %slice3A_178 : vector<1024x2xf32>
    %slice3A_180 = vector.extract_strided_slice %add3A_179 {offsets = [0, 0], sizes = [1024, 1], strides = [1, 1]} : vector<1024x2xf32> to vector<1024x1xf32>
    %slice3A_181 = vector.extract_strided_slice %add3A_179 {offsets = [0, 1], sizes = [1024, 1], strides = [1, 1]} : vector<1024x2xf32> to vector<1024x1xf32>
    %add3A_182 = arith.addf %slice3A_180, %slice3A_181 : vector<1024x1xf32>
    %sqrt3A_183 = math.sqrt %add3A_182 : vector<1024x1xf32>
    %add3A_184 = arith.constant 9.99999993E-9 : f32
    %add3A_185 = vector.broadcast %add3A_184 : f32 to vector<1024x1xf32>
    %add3A_186 = arith.addf %sqrt3A_183, %add3A_185 : vector<1024x1xf32>
    %div3A_187 = vector.broadcast %add3A_186 : vector<1024x1xf32> to vector<1024x256xf32>
    %div3A_188 = arith.divf %mul3A_157, %div3A_187 : vector<1024x256xf32>
    %get3A_189 = arith.constant 5 : index
    %get3A_190 = arith.constant 0 : index
    %get3A_191 = vector.load %arg3[%get3A_189, %get3A_190] : memref<8x256xf32, #tpu.memory_space<vmem>>, vector<1x256xf32>
    %mul3A_192 = vector.broadcast %get3A_191 : vector<1x256xf32> to vector<1024x256xf32>
    %mul3A_193 = arith.mulf %mul3A_12, %mul3A_192 : vector<1024x256xf32>
    %mul3A_194 = arith.mulf %mul3A_193, %mul3A_193 : vector<1024x256xf32>
    %slice3A_195 = vector.extract_strided_slice %mul3A_194 {offsets = [0, 0], sizes = [1024, 128], strides = [1, 1]} : vector<1024x256xf32> to vector<1024x128xf32>
    %slice3A_196 = vector.extract_strided_slice %mul3A_194 {offsets = [0, 128], sizes = [1024, 128], strides = [1, 1]} : vector<1024x256xf32> to vector<1024x128xf32>
    %add3A_197 = arith.addf %slice3A_195, %slice3A_196 : vector<1024x128xf32>
    %slice3A_198 = vector.extract_strided_slice %add3A_197 {offsets = [0, 0], sizes = [1024, 64], strides = [1, 1]} : vector<1024x128xf32> to vector<1024x64xf32>
    %slice3A_199 = vector.extract_strided_slice %add3A_197 {offsets = [0, 64], sizes = [1024, 64], strides = [1, 1]} : vector<1024x128xf32> to vector<1024x64xf32>
    %add3A_200 = arith.addf %slice3A_198, %slice3A_199 : vector<1024x64xf32>
    %slice3A_201 = vector.extract_strided_slice %add3A_200 {offsets = [0, 0], sizes = [1024, 32], strides = [1, 1]} : vector<1024x64xf32> to vector<1024x32xf32>
    %slice3A_202 = vector.extract_strided_slice %add3A_200 {offsets = [0, 32], sizes = [1024, 32], strides = [1, 1]} : vector<1024x64xf32> to vector<1024x32xf32>
    %add3A_203 = arith.addf %slice3A_201, %slice3A_202 : vector<1024x32xf32>
    %slice3A_204 = vector.extract_strided_slice %add3A_203 {offsets = [0, 0], sizes = [1024, 16], strides = [1, 1]} : vector<1024x32xf32> to vector<1024x16xf32>
    %slice3A_205 = vector.extract_strided_slice %add3A_203 {offsets = [0, 16], sizes = [1024, 16], strides = [1, 1]} : vector<1024x32xf32> to vector<1024x16xf32>
    %add3A_206 = arith.addf %slice3A_204, %slice3A_205 : vector<1024x16xf32>
    %slice3A_207 = vector.extract_strided_slice %add3A_206 {offsets = [0, 0], sizes = [1024, 8], strides = [1, 1]} : vector<1024x16xf32> to vector<1024x8xf32>
    %slice3A_208 = vector.extract_strided_slice %add3A_206 {offsets = [0, 8], sizes = [1024, 8], strides = [1, 1]} : vector<1024x16xf32> to vector<1024x8xf32>
    %add3A_209 = arith.addf %slice3A_207, %slice3A_208 : vector<1024x8xf32>
    %slice3A_210 = vector.extract_strided_slice %add3A_209 {offsets = [0, 0], sizes = [1024, 4], strides = [1, 1]} : vector<1024x8xf32> to vector<1024x4xf32>
    %slice3A_211 = vector.extract_strided_slice %add3A_209 {offsets = [0, 4], sizes = [1024, 4], strides = [1, 1]} : vector<1024x8xf32> to vector<1024x4xf32>
    %add3A_212 = arith.addf %slice3A_210, %slice3A_211 : vector<1024x4xf32>
    %slice3A_213 = vector.extract_strided_slice %add3A_212 {offsets = [0, 0], sizes = [1024, 2], strides = [1, 1]} : vector<1024x4xf32> to vector<1024x2xf32>
    %slice3A_214 = vector.extract_strided_slice %add3A_212 {offsets = [0, 2], sizes = [1024, 2], strides = [1, 1]} : vector<1024x4xf32> to vector<1024x2xf32>
    %add3A_215 = arith.addf %slice3A_213, %slice3A_214 : vector<1024x2xf32>
    %slice3A_216 = vector.extract_strided_slice %add3A_215 {offsets = [0, 0], sizes = [1024, 1], strides = [1, 1]} : vector<1024x2xf32> to vector<1024x1xf32>
    %slice3A_217 = vector.extract_strided_slice %add3A_215 {offsets = [0, 1], sizes = [1024, 1], strides = [1, 1]} : vector<1024x2xf32> to vector<1024x1xf32>
    %add3A_218 = arith.addf %slice3A_216, %slice3A_217 : vector<1024x1xf32>
    %sqrt3A_219 = math.sqrt %add3A_218 : vector<1024x1xf32>
    %add3A_220 = arith.constant 9.99999993E-9 : f32
    %add3A_221 = vector.broadcast %add3A_220 : f32 to vector<1024x1xf32>
    %add3A_222 = arith.addf %sqrt3A_219, %add3A_221 : vector<1024x1xf32>
    %div3A_223 = vector.broadcast %add3A_222 : vector<1024x1xf32> to vector<1024x256xf32>
    %div3A_224 = arith.divf %mul3A_193, %div3A_223 : vector<1024x256xf32>
    %get3A_225 = arith.constant 6 : index
    %get3A_226 = arith.constant 0 : index
    %get3A_227 = vector.load %arg3[%get3A_225, %get3A_226] : memref<8x256xf32, #tpu.memory_space<vmem>>, vector<1x256xf32>
    %mul3A_228 = vector.broadcast %get3A_227 : vector<1x256xf32> to vector<1024x256xf32>
    %mul3A_229 = arith.mulf %mul3A_12, %mul3A_228 : vector<1024x256xf32>
    %mul3A_230 = arith.mulf %mul3A_229, %mul3A_229 : vector<1024x256xf32>
    %slice3A_231 = vector.extract_strided_slice %mul3A_230 {offsets = [0, 0], sizes = [1024, 128], strides = [1, 1]} : vector<1024x256xf32> to vector<1024x128xf32>
    %slice3A_232 = vector.extract_strided_slice %mul3A_230 {offsets = [0, 128], sizes = [1024, 128], strides = [1, 1]} : vector<1024x256xf32> to vector<1024x128xf32>
    %add3A_233 = arith.addf %slice3A_231, %slice3A_232 : vector<1024x128xf32>
    %slice3A_234 = vector.extract_strided_slice %add3A_233 {offsets = [0, 0], sizes = [1024, 64], strides = [1, 1]} : vector<1024x128xf32> to vector<1024x64xf32>
    %slice3A_235 = vector.extract_strided_slice %add3A_233 {offsets = [0, 64], sizes = [1024, 64], strides = [1, 1]} : vector<1024x128xf32> to vector<1024x64xf32>
    %add3A_236 = arith.addf %slice3A_234, %slice3A_235 : vector<1024x64xf32>
    %slice3A_237 = vector.extract_strided_slice %add3A_236 {offsets = [0, 0], sizes = [1024, 32], strides = [1, 1]} : vector<1024x64xf32> to vector<1024x32xf32>
    %slice3A_238 = vector.extract_strided_slice %add3A_236 {offsets = [0, 32], sizes = [1024, 32], strides = [1, 1]} : vector<1024x64xf32> to vector<1024x32xf32>
    %add3A_239 = arith.addf %slice3A_237, %slice3A_238 : vector<1024x32xf32>
    %slice3A_240 = vector.extract_strided_slice %add3A_239 {offsets = [0, 0], sizes = [1024, 16], strides = [1, 1]} : vector<1024x32xf32> to vector<1024x16xf32>
    %slice3A_241 = vector.extract_strided_slice %add3A_239 {offsets = [0, 16], sizes = [1024, 16], strides = [1, 1]} : vector<1024x32xf32> to vector<1024x16xf32>
    %add3A_242 = arith.addf %slice3A_240, %slice3A_241 : vector<1024x16xf32>
    %slice3A_243 = vector.extract_strided_slice %add3A_242 {offsets = [0, 0], sizes = [1024, 8], strides = [1, 1]} : vector<1024x16xf32> to vector<1024x8xf32>
    %slice3A_244 = vector.extract_strided_slice %add3A_242 {offsets = [0, 8], sizes = [1024, 8], strides = [1, 1]} : vector<1024x16xf32> to vector<1024x8xf32>
    %add3A_245 = arith.addf %slice3A_243, %slice3A_244 : vector<1024x8xf32>
    %slice3A_246 = vector.extract_strided_slice %add3A_245 {offsets = [0, 0], sizes = [1024, 4], strides = [1, 1]} : vector<1024x8xf32> to vector<1024x4xf32>
    %slice3A_247 = vector.extract_strided_slice %add3A_245 {offsets = [0, 4], sizes = [1024, 4], strides = [1, 1]} : vector<1024x8xf32> to vector<1024x4xf32>
    %add3A_248 = arith.addf %slice3A_246, %slice3A_247 : vector<1024x4xf32>
    %slice3A_249 = vector.extract_strided_slice %add3A_248 {offsets = [0, 0], sizes = [1024, 2], strides = [1, 1]} : vector<1024x4xf32> to vector<1024x2xf32>
    %slice3A_250 = vector.extract_strided_slice %add3A_248 {offsets = [0, 2], sizes = [1024, 2], strides = [1, 1]} : vector<1024x4xf32> to vector<1024x2xf32>
    %add3A_251 = arith.addf %slice3A_249, %slice3A_250 : vector<1024x2xf32>
    %slice3A_252 = vector.extract_strided_slice %add3A_251 {offsets = [0, 0], sizes = [1024, 1], strides = [1, 1]} : vector<1024x2xf32> to vector<1024x1xf32>
    %slice3A_253 = vector.extract_strided_slice %add3A_251 {offsets = [0, 1], sizes = [1024, 1], strides = [1, 1]} : vector<1024x2xf32> to vector<1024x1xf32>
    %add3A_254 = arith.addf %slice3A_252, %slice3A_253 : vector<1024x1xf32>
    %sqrt3A_255 = math.sqrt %add3A_254 : vector<1024x1xf32>
    %add3A_256 = arith.constant 9.99999993E-9 : f32
    %add3A_257 = vector.broadcast %add3A_256 : f32 to vector<1024x1xf32>
    %add3A_258 = arith.addf %sqrt3A_255, %add3A_257 : vector<1024x1xf32>
    %div3A_259 = vector.broadcast %add3A_258 : vector<1024x1xf32> to vector<1024x256xf32>
    %div3A_260 = arith.divf %mul3A_229, %div3A_259 : vector<1024x256xf32>
    %get3A_261 = arith.constant 7 : index
    %get3A_262 = arith.constant 0 : index
    %get3A_263 = vector.load %arg3[%get3A_261, %get3A_262] : memref<8x256xf32, #tpu.memory_space<vmem>>, vector<1x256xf32>
    %mul3A_264 = vector.broadcast %get3A_263 : vector<1x256xf32> to vector<1024x256xf32>
    %mul3A_265 = arith.mulf %mul3A_12, %mul3A_264 : vector<1024x256xf32>
    %mul3A_266 = arith.mulf %mul3A_265, %mul3A_265 : vector<1024x256xf32>
    %slice3A_267 = vector.extract_strided_slice %mul3A_266 {offsets = [0, 0], sizes = [1024, 128], strides = [1, 1]} : vector<1024x256xf32> to vector<1024x128xf32>
    %slice3A_268 = vector.extract_strided_slice %mul3A_266 {offsets = [0, 128], sizes = [1024, 128], strides = [1, 1]} : vector<1024x256xf32> to vector<1024x128xf32>
    %add3A_269 = arith.addf %slice3A_267, %slice3A_268 : vector<1024x128xf32>
    %slice3A_270 = vector.extract_strided_slice %add3A_269 {offsets = [0, 0], sizes = [1024, 64], strides = [1, 1]} : vector<1024x128xf32> to vector<1024x64xf32>
    %slice3A_271 = vector.extract_strided_slice %add3A_269 {offsets = [0, 64], sizes = [1024, 64], strides = [1, 1]} : vector<1024x128xf32> to vector<1024x64xf32>
    %add3A_272 = arith.addf %slice3A_270, %slice3A_271 : vector<1024x64xf32>
    %slice3A_273 = vector.extract_strided_slice %add3A_272 {offsets = [0, 0], sizes = [1024, 32], strides = [1, 1]} : vector<1024x64xf32> to vector<1024x32xf32>
    %slice3A_274 = vector.extract_strided_slice %add3A_272 {offsets = [0, 32], sizes = [1024, 32], strides = [1, 1]} : vector<1024x64xf32> to vector<1024x32xf32>
    %add3A_275 = arith.addf %slice3A_273, %slice3A_274 : vector<1024x32xf32>
    %slice3A_276 = vector.extract_strided_slice %add3A_275 {offsets = [0, 0], sizes = [1024, 16], strides = [1, 1]} : vector<1024x32xf32> to vector<1024x16xf32>
    %slice3A_277 = vector.extract_strided_slice %add3A_275 {offsets = [0, 16], sizes = [1024, 16], strides = [1, 1]} : vector<1024x32xf32> to vector<1024x16xf32>
    %add3A_278 = arith.addf %slice3A_276, %slice3A_277 : vector<1024x16xf32>
    %slice3A_279 = vector.extract_strided_slice %add3A_278 {offsets = [0, 0], sizes = [1024, 8], strides = [1, 1]} : vector<1024x16xf32> to vector<1024x8xf32>
    %slice3A_280 = vector.extract_strided_slice %add3A_278 {offsets = [0, 8], sizes = [1024, 8], strides = [1, 1]} : vector<1024x16xf32> to vector<1024x8xf32>
    %add3A_281 = arith.addf %slice3A_279, %slice3A_280 : vector<1024x8xf32>
    %slice3A_282 = vector.extract_strided_slice %add3A_281 {offsets = [0, 0], sizes = [1024, 4], strides = [1, 1]} : vector<1024x8xf32> to vector<1024x4xf32>
    %slice3A_283 = vector.extract_strided_slice %add3A_281 {offsets = [0, 4], sizes = [1024, 4], strides = [1, 1]} : vector<1024x8xf32> to vector<1024x4xf32>
    %add3A_284 = arith.addf %slice3A_282, %slice3A_283 : vector<1024x4xf32>
    %slice3A_285 = vector.extract_strided_slice %add3A_284 {offsets = [0, 0], sizes = [1024, 2], strides = [1, 1]} : vector<1024x4xf32> to vector<1024x2xf32>
    %slice3A_286 = vector.extract_strided_slice %add3A_284 {offsets = [0, 2], sizes = [1024, 2], strides = [1, 1]} : vector<1024x4xf32> to vector<1024x2xf32>
    %add3A_287 = arith.addf %slice3A_285, %slice3A_286 : vector<1024x2xf32>
    %slice3A_288 = vector.extract_strided_slice %add3A_287 {offsets = [0, 0], sizes = [1024, 1], strides = [1, 1]} : vector<1024x2xf32> to vector<1024x1xf32>
    %slice3A_289 = vector.extract_strided_slice %add3A_287 {offsets = [0, 1], sizes = [1024, 1], strides = [1, 1]} : vector<1024x2xf32> to vector<1024x1xf32>
    %add3A_290 = arith.addf %slice3A_288, %slice3A_289 : vector<1024x1xf32>
    %sqrt3A_291 = math.sqrt %add3A_290 : vector<1024x1xf32>
    %add3A_292 = arith.constant 9.99999993E-9 : f32
    %add3A_293 = vector.broadcast %add3A_292 : f32 to vector<1024x1xf32>
    %add3A_294 = arith.addf %sqrt3A_291, %add3A_293 : vector<1024x1xf32>
    %div3A_295 = vector.broadcast %add3A_294 : vector<1024x1xf32> to vector<1024x256xf32>
    %div3A_296 = arith.divf %mul3A_265, %div3A_295 : vector<1024x256xf32>
    %concatenate3A = tpu.concatenate %div3A_44, %div3A_80, %div3A_116, %div3A_152, %div3A_188, %div3A_224, %div3A_260, %div3A_296 in 1 : vector<1024x256xf32>, vector<1024x256xf32>, vector<1024x256xf32>, vector<1024x256xf32>, vector<1024x256xf32>, vector<1024x256xf32>, vector<1024x256xf32>, vector<1024x256xf32> -> vector<1024x2048xf32>
    %dot_general3A = arith.constant dense<0.000000e+00> : vector<1024x1024xf32>
    %dot_general3A_297 = tpu.matmul %concatenate3A, %concatenate3A, %dot_general3A {dimension_numbers = #tpu.dot_dimension_numbers<[1], [1], [0], [0], [0, 0, 1, 0], [], []>, transpose_lhs_hint = false} : vector<1024x2048xf32>, vector<1024x2048xf32>, vector<1024x1024xf32> -> vector<1024x1024xf32>
    %mul3A_298 = arith.constant 1.250000e-01 : f32
    %mul3A_299 = vector.broadcast %mul3A_298 : f32 to vector<1024x1024xf32>
    %mul3A_300 = arith.mulf %dot_general3A_297, %mul3A_299 : vector<1024x1024xf32>
    %max3A = arith.constant 0.000000e+00 : f32
    %max3A_301 = vector.broadcast %max3A : f32 to vector<1024x1024xf32>
    %max3A_302 = arith.maximumf %mul3A_300, %max3A_301 : vector<1024x1024xf32>
    %reduce_max3A = arith.constant dense<0xFF800000> : vector<1024xf32>
    %reduce_max3A_303 = vector.multi_reduction <maximumf>, %max3A_302, %reduce_max3A [1] : vector<1024x1024xf32> to vector<1024xf32>
    %broadcast_in_dim3A = vector.shape_cast %reduce_max3A_303 : vector<1024xf32> to vector<1024x1xf32>
    %broadcast_in_dim3A_304 = arith.constant 0 : i32
    %broadcast_in_dim3A_305 = vector.broadcast %broadcast_in_dim3A_304 : i32 to vector<1024x1xi32>
    %bitcast_convert_type3A = tpu.bitcast %broadcast_in_dim3A : vector<1024x1xf32> -> vector<1024x1xi32>
    %scan3A = arith.constant 0 : i32
    %scan3A_306 = arith.constant 31 : i32
    %scan3A_307 = arith.addi %scan3A, %scan3A_306 : i32
    %scan3A_308 = arith.constant 1 : i32
    %scan3A_309:2 = scf.for %scan3A_335 = %scan3A to %scan3A_307 step %scan3A_308 iter_args(%scan3A_336 = %broadcast_in_dim3A_305, %scan3A_337 = %bitcast_convert_type3A) -> (vector<1024x1xi32>, vector<1024x1xi32>)  : i32 {
      %sub3A = arith.subi %scan3A_337, %scan3A_336 : vector<1024x1xi32>
      %add3A_338 = arith.constant 1 : i32
      %add3A_339 = vector.broadcast %add3A_338 : i32 to vector<1024x1xi32>
      %add3A_340 = arith.addi %sub3A, %add3A_339 : vector<1024x1xi32>
      %shift_right_logical3A = arith.constant 1 : i32
      %shift_right_logical3A_341 = vector.broadcast %shift_right_logical3A : i32 to vector<1024x1xi32>
      %shift_right_logical3A_342 = arith.shrui %add3A_340, %shift_right_logical3A_341 : vector<1024x1xi32>
      %add3A_343 = arith.addi %scan3A_336, %shift_right_logical3A_342 : vector<1024x1xi32>
      %bitcast_convert_type3A_344 = tpu.bitcast %add3A_343 : vector<1024x1xi32> -> vector<1024x1xf32>
      %ge3A_345 = vector.broadcast %bitcast_convert_type3A_344 : vector<1024x1xf32> to vector<1024x1024xf32>
      %ge3A_346 = arith.cmpf oge, %max3A_302, %ge3A_345 : vector<1024x1024xf32>
      %convert_element_type3A = arith.extui %ge3A_346 : vector<1024x1024xi1> to vector<1024x1024xi32>
      %convert_element_type3A_347 = arith.sitofp %convert_element_type3A : vector<1024x1024xi32> to vector<1024x1024xf32>
      %reduce_sum3A_348 = arith.constant dense<0.000000e+00> : vector<1024xf32>
      %reduce_sum3A_349 = vector.multi_reduction <add>, %convert_element_type3A_347, %reduce_sum3A_348 [1] : vector<1024x1024xf32> to vector<1024xf32>
      %broadcast_in_dim3A_350 = vector.shape_cast %reduce_sum3A_349 : vector<1024xf32> to vector<1024x1xf32>
      %ge3A_351 = arith.constant 5.000000e+01 : f32
      %ge3A_352 = vector.broadcast %ge3A_351 : f32 to vector<1024x1xf32>
      %ge3A_353 = arith.cmpf oge, %broadcast_in_dim3A_350, %ge3A_352 : vector<1024x1xf32>
      %select_n3A_354 = arith.select %ge3A_353, %add3A_343, %scan3A_336 : vector<1024x1xi1>, vector<1024x1xi32>
      %sub3A_355 = arith.constant 1 : i32
      %sub3A_356 = vector.broadcast %sub3A_355 : i32 to vector<1024x1xi32>
      %sub3A_357 = arith.subi %add3A_343, %sub3A_356 : vector<1024x1xi32>
      %select_n3A_358 = arith.select %ge3A_353, %scan3A_337, %sub3A_357 : vector<1024x1xi1>, vector<1024x1xi32>
      scf.yield %select_n3A_354, %select_n3A_358 : vector<1024x1xi32>, vector<1024x1xi32>
    }
    %bitcast_convert_type3A_310 = tpu.bitcast %scan3A_309#0 : vector<1024x1xi32> -> vector<1024x1xf32>
    %ge3A = vector.broadcast %bitcast_convert_type3A_310 : vector<1024x1xf32> to vector<1024x1024xf32>
    %ge3A_311 = arith.cmpf oge, %max3A_302, %ge3A : vector<1024x1024xf32>
    %jit3A = arith.constant 0.000000e+00 : f32
    %broadcast_in_dim3A_312 = vector.broadcast %jit3A : f32 to vector<1024x1024xf32>
    %select_n3A = arith.select %ge3A_311, %max3A_302, %broadcast_in_dim3A_312 : vector<1024x1024xi1>, vector<1024x1024xf32>
    %reduce_sum3A = arith.constant dense<0.000000e+00> : vector<1024xf32>
    %reduce_sum3A_313 = vector.multi_reduction <add>, %select_n3A, %reduce_sum3A [1] : vector<1024x1024xf32> to vector<1024xf32>
    %broadcast_in_dim3A_314 = vector.shape_cast %reduce_sum3A_313 : vector<1024xf32> to vector<1024x1xf32>
    %add3A_315 = arith.constant 9.99999993E-9 : f32
    %add3A_316 = vector.broadcast %add3A_315 : f32 to vector<1024x1xf32>
    %add3A_317 = arith.addf %broadcast_in_dim3A_314, %add3A_316 : vector<1024x1xf32>
    %div3A_318 = vector.broadcast %add3A_317 : vector<1024x1xf32> to vector<1024x1024xf32>
    %div3A_319 = arith.divf %select_n3A, %div3A_318 : vector<1024x1024xf32>
    %get3A_320 = arith.constant 0 : index
    %get3A_321 = arith.constant 0 : index
    %get3A_322 = vector.load %arg2[%get3A_320, %get3A_321] : memref<1024x1024xf32, #tpu.memory_space<vmem>>, vector<1024x1024xf32>
    %mul3A_323 = arith.constant 2.000000e-01 : f32
    %mul3A_324 = vector.broadcast %mul3A_323 : f32 to vector<1024x1024xf32>
    %mul3A_325 = arith.mulf %mul3A_324, %get3A_322 : vector<1024x1024xf32>
    %mul3A_326 = arith.constant 8.000000e-01 : f32
    %mul3A_327 = vector.broadcast %mul3A_326 : f32 to vector<1024x1024xf32>
    %mul3A_328 = arith.mulf %mul3A_327, %div3A_319 : vector<1024x1024xf32>
    %add3A_329 = arith.addf %mul3A_325, %mul3A_328 : vector<1024x1024xf32>
    %swap3A = arith.constant 0 : index
    %swap3A_330 = arith.constant 0 : index
    %swap3A_331 = arith.constant 0 : index
    %swap3A_332 = vector.load %arg5[%swap3A, %swap3A_330, %swap3A_331] : memref<1x1024x1024xf32, #tpu.memory_space<vmem>>, vector<1x1024x1024xf32>
    %swap3A_333 = vector.shape_cast %swap3A_332 : vector<1x1024x1024xf32> to vector<1024x1024xf32>
    %swap3A_334 = vector.shape_cast %add3A_329 : vector<1024x1024xf32> to vector<1x1024x1024xf32>
    tpu.vector_store %arg5[%swap3A, %swap3A_330, %swap3A_331], %swap3A_334 {strides = array<i32>} : memref<1x1024x1024xf32, #tpu.memory_space<vmem>>, vector<1x1024x1024xf32>,
    return
  }
  func.func @transform_0(%arg0: i32) -> (i32, i32, i32) {
    %c0_i32 = arith.constant 0 : i32
    %c0_i32_0 = arith.constant 0 : i32
    %c0_i32_1 = arith.constant 0 : i32
    return %arg0, %c0_i32, %c0_i32_0 : i32, i32, i32
  }
  func.func @transform_1(%arg0: i32) -> (i32, i32) {
    %c0_i32 = arith.constant 0 : i32
    %c0_i32_0 = arith.constant 0 : i32
    %c0_i32_1 = arith.constant 0 : i32
    return %c0_i32, %c0_i32_0 : i32, i32
  }
  func.func @transform_2(%arg0: i32) -> (i32, i32) {
    %c0_i32 = arith.constant 0 : i32
    %c0_i32_0 = arith.constant 0 : i32
    %c0_i32_1 = arith.constant 0 : i32
    return %c0_i32, %c0_i32_0 : i32, i32
  }
  func.func @transform_3(%arg0: i32) -> (i32, i32) {
    %c0_i32 = arith.constant 0 : i32
    %c0_i32_0 = arith.constant 0 : i32
    %c0_i32_1 = arith.constant 0 : i32
    return %c0_i32, %c0_i32_0 : i32, i32
  }
  func.func @transform_4(%arg0: i32) -> (i32, i32, i32) {
    %c0_i32 = arith.constant 0 : i32
    %c0_i32_0 = arith.constant 0 : i32
    %c0_i32_1 = arith.constant 0 : i32
    return %arg0, %c0_i32, %c0_i32_0 : i32, i32, i32
  }
}

module attributes {stable_mosaic.version = 14 : i64} {
  func.func @_gcn_body(%arg0: i32, %arg1: memref<1x1024x1024xf32, #tpu.memory_space<vmem>>, %arg2: memref<1x1024x128xf32, #tpu.memory_space<vmem>>, %arg3: memref<128x512xf32, #tpu.memory_space<vmem>>, %arg4: memref<512x512xf32, #tpu.memory_space<vmem>>, %arg5: memref<512x128xf32, #tpu.memory_space<vmem>>, %arg6: memref<1x1x128xf32, #tpu.memory_space<vmem>>) attributes {dimension_semantics = [#tpu.dimension_semantics<arbitrary>], iteration_bounds = array<i64: 4>, scalar_prefetch = 0 : i64, scratch_operands = 0 : i64, tpu.core_type = #tpu.core_type<tc>, window_params = [{transform_indices = @transform_0, window_bounds = array<i64: 1, 1024, 1024>}, {transform_indices = @transform_1, window_bounds = array<i64: 1, 1024, 128>}, {pipeline_mode = #tpu.pipeline_mode<synchronous>, transform_indices = @transform_2, window_bounds = array<i64: 128, 512>}, {pipeline_mode = #tpu.pipeline_mode<synchronous>, transform_indices = @transform_3, window_bounds = array<i64: 512, 512>}, {pipeline_mode = #tpu.pipeline_mode<synchronous>, transform_indices = @transform_4, window_bounds = array<i64: 512, 128>}, {transform_indices = @transform_5, window_bounds = array<i64: 1, 1, 128>}]} {
    %iota3A = tpu.iota {dimensions = array<i32: 0>} : vector<1024x1024xi32>
    %iota3A_0 = tpu.iota {dimensions = array<i32: 1>} : vector<1024x1024xi32>
    %get3A = arith.constant 0 : index
    %get3A_1 = arith.constant 0 : index
    %get3A_2 = arith.constant 0 : index
    %get3A_3 = vector.load %arg1[%get3A, %get3A_1, %get3A_2] : memref<1x1024x1024xf32, #tpu.memory_space<vmem>>, vector<1x1024x1024xf32>
    %get3A_4 = vector.shape_cast %get3A_3 : vector<1x1024x1024xf32> to vector<1024x1024xf32>
    %eq3A = arith.cmpi eq, %iota3A, %iota3A_0 : vector<1024x1024xi32>
    %lt3A = arith.constant 978 : i32
    %lt3A_5 = vector.broadcast %lt3A : i32 to vector<1024x1024xi32>
    %lt3A_6 = arith.cmpi slt, %iota3A, %lt3A_5 : vector<1024x1024xi32>
    %and3A = arith.andi %eq3A, %lt3A_6 : vector<1024x1024xi1>
    %jit3A = arith.constant 1.000000e+00 : f32
    %jit3A_7 = arith.constant 0.000000e+00 : f32
    %broadcast_in_dim3A = vector.broadcast %jit3A : f32 to vector<1024x1024xf32>
    %broadcast_in_dim3A_8 = vector.broadcast %jit3A_7 : f32 to vector<1024x1024xf32>
    %select_n3A = arith.select %and3A, %broadcast_in_dim3A, %broadcast_in_dim3A_8 : vector<1024x1024xi1>, vector<1024x1024xf32>
    %add3A = arith.addf %get3A_4, %select_n3A : vector<1024x1024xf32>
    %reduce_sum3A = arith.constant dense<0.000000e+00> : vector<1024xf32>
    %reduce_sum3A_9 = vector.multi_reduction <add>, %add3A, %reduce_sum3A [1] : vector<1024x1024xf32> to vector<1024xf32>
    %broadcast_in_dim3A_10 = vector.shape_cast %reduce_sum3A_9 : vector<1024xf32> to vector<1024x1xf32>
    %add3A_11 = arith.constant 9.99999993E-9 : f32
    %add3A_12 = vector.broadcast %add3A_11 : f32 to vector<1024x1xf32>
    %add3A_13 = arith.addf %broadcast_in_dim3A_10, %add3A_12 : vector<1024x1xf32>
    %rsqrt3A = math.rsqrt %add3A_13 : vector<1024x1xf32>
    %mul3A = vector.broadcast %rsqrt3A : vector<1024x1xf32> to vector<1024x1024xf32>
    %mul3A_14 = arith.mulf %add3A, %mul3A : vector<1024x1024xf32>
    %transpose3A = tpu.transpose %rsqrt3A, [1, 0] : vector<1024x1xf32> -> vector<1x1024xf32>
    %mul3A_15 = vector.broadcast %transpose3A : vector<1x1024xf32> to vector<1024x1024xf32>
    %mul3A_16 = arith.mulf %mul3A_14, %mul3A_15 : vector<1024x1024xf32>
    %get3A_17 = arith.constant 0 : index
    %get3A_18 = arith.constant 0 : index
    %get3A_19 = arith.constant 0 : index
    %get3A_20 = vector.load %arg2[%get3A_17, %get3A_18, %get3A_19] : memref<1x1024x128xf32, #tpu.memory_space<vmem>>, vector<1x1024x128xf32>
    %get3A_21 = vector.shape_cast %get3A_20 : vector<1x1024x128xf32> to vector<1024x128xf32>
    %get3A_22 = arith.constant 0 : index
    %get3A_23 = arith.constant 0 : index
    %get3A_24 = vector.load %arg3[%get3A_22, %get3A_23] : memref<128x512xf32, #tpu.memory_space<vmem>>, vector<128x512xf32>
    %dot_general3A = arith.constant dense<0.000000e+00> : vector<1024x512xf32>
    %dot_general3A_25 = tpu.matmul %get3A_21, %get3A_24, %dot_general3A {dimension_numbers = #tpu.dot_dimension_numbers<[1], [0], [0], [1], [0, 0, 1, 1], [], []>, transpose_lhs_hint = false} : vector<1024x128xf32>, vector<128x512xf32>, vector<1024x512xf32> -> vector<1024x512xf32>
    %dot_general3A_26 = arith.constant dense<0.000000e+00> : vector<1024x512xf32>
    %dot_general3A_27 = tpu.matmul %mul3A_16, %dot_general3A_25, %dot_general3A_26 {dimension_numbers = #tpu.dot_dimension_numbers<[1], [0], [0], [1], [0, 0, 1, 1], [], []>, transpose_lhs_hint = false} : vector<1024x1024xf32>, vector<1024x512xf32>, vector<1024x512xf32> -> vector<1024x512xf32>
    %max3A = arith.constant 0.000000e+00 : f32
    %max3A_28 = vector.broadcast %max3A : f32 to vector<1024x512xf32>
    %max3A_29 = arith.maximumf %dot_general3A_27, %max3A_28 : vector<1024x512xf32>
    %get3A_30 = arith.constant 0 : index
    %get3A_31 = arith.constant 0 : index
    %get3A_32 = vector.load %arg4[%get3A_30, %get3A_31] : memref<512x512xf32, #tpu.memory_space<vmem>>, vector<512x512xf32>
    %dot_general3A_33 = arith.constant dense<0.000000e+00> : vector<1024x512xf32>
    %dot_general3A_34 = tpu.matmul %max3A_29, %get3A_32, %dot_general3A_33 {dimension_numbers = #tpu.dot_dimension_numbers<[1], [0], [0], [1], [0, 0, 1, 1], [], []>, transpose_lhs_hint = false} : vector<1024x512xf32>, vector<512x512xf32>, vector<1024x512xf32> -> vector<1024x512xf32>
    %dot_general3A_35 = arith.constant dense<0.000000e+00> : vector<1024x512xf32>
    %dot_general3A_36 = tpu.matmul %mul3A_16, %dot_general3A_34, %dot_general3A_35 {dimension_numbers = #tpu.dot_dimension_numbers<[1], [0], [0], [1], [0, 0, 1, 1], [], []>, transpose_lhs_hint = false} : vector<1024x1024xf32>, vector<1024x512xf32>, vector<1024x512xf32> -> vector<1024x512xf32>
    %max3A_37 = arith.constant 0.000000e+00 : f32
    %max3A_38 = vector.broadcast %max3A_37 : f32 to vector<1024x512xf32>
    %max3A_39 = arith.maximumf %dot_general3A_36, %max3A_38 : vector<1024x512xf32>
    %get3A_40 = arith.constant 0 : index
    %get3A_41 = arith.constant 0 : index
    %get3A_42 = vector.load %arg5[%get3A_40, %get3A_41] : memref<512x128xf32, #tpu.memory_space<vmem>>, vector<512x128xf32>
    %dot_general3A_43 = arith.constant dense<0.000000e+00> : vector<1024x128xf32>
    %dot_general3A_44 = tpu.matmul %max3A_39, %get3A_42, %dot_general3A_43 {dimension_numbers = #tpu.dot_dimension_numbers<[1], [0], [0], [1], [0, 0, 1, 1], [], []>, transpose_lhs_hint = false} : vector<1024x512xf32>, vector<512x128xf32>, vector<1024x128xf32> -> vector<1024x128xf32>
    %dot_general3A_45 = arith.constant dense<0.000000e+00> : vector<1024x128xf32>
    %dot_general3A_46 = tpu.matmul %mul3A_16, %dot_general3A_44, %dot_general3A_45 {dimension_numbers = #tpu.dot_dimension_numbers<[1], [0], [0], [1], [0, 0, 1, 1], [], []>, transpose_lhs_hint = false} : vector<1024x1024xf32>, vector<1024x128xf32>, vector<1024x128xf32> -> vector<1024x128xf32>
    %reduce_sum3A_47 = arith.constant dense<0.000000e+00> : vector<128xf32>
    %reduce_sum3A_48 = vector.multi_reduction <add>, %dot_general3A_46, %reduce_sum3A_47 [0] : vector<1024x128xf32> to vector<128xf32>
    %broadcast_in_dim3A_49 = vector.shape_cast %reduce_sum3A_48 : vector<128xf32> to vector<1x128xf32>
    %div3A = arith.constant 9.780000e+02 : f32
    %div3A_50 = vector.broadcast %div3A : f32 to vector<1x128xf32>
    %div3A_51 = arith.divf %broadcast_in_dim3A_49, %div3A_50 : vector<1x128xf32>
    %swap3A = arith.constant 0 : index
    %swap3A_52 = arith.constant 0 : index
    %swap3A_53 = arith.constant 0 : index
    %swap3A_54 = vector.load %arg6[%swap3A, %swap3A_52, %swap3A_53] : memref<1x1x128xf32, #tpu.memory_space<vmem>>, vector<1x1x128xf32>
    %swap3A_55 = vector.shape_cast %swap3A_54 : vector<1x1x128xf32> to vector<1x128xf32>
    %swap3A_56 = vector.shape_cast %div3A_51 : vector<1x128xf32> to vector<1x1x128xf32>
    tpu.vector_store %arg6[%swap3A, %swap3A_52, %swap3A_53], %swap3A_56 {strides = array<i32>} : memref<1x1x128xf32, #tpu.memory_space<vmem>>, vector<1x1x128xf32>,
    return
  }
  func.func @transform_0(%arg0: i32) -> (i32, i32, i32) {
    %c0_i32 = arith.constant 0 : i32
    %c0_i32_0 = arith.constant 0 : i32
    %c0_i32_1 = arith.constant 0 : i32
    return %arg0, %c0_i32, %c0_i32_0 : i32, i32, i32
  }
  func.func @transform_1(%arg0: i32) -> (i32, i32, i32) {
    %jit3A = arith.constant 2 : i32
    %eq3A = arith.constant 0 : i32
    %eq3A_0 = arith.cmpi eq, %jit3A, %eq3A : i32
    %jit3A_1 = arith.constant 1 : i32
    %select_n3A = arith.select %eq3A_0, %jit3A_1, %jit3A : i32
    %rem3A = arith.remsi %arg0, %select_n3A : i32
    %ne3A = arith.constant 0 : i32
    %ne3A_2 = arith.cmpi ne, %rem3A, %ne3A : i32
    %lt3A = arith.constant 0 : i32
    %lt3A_3 = arith.cmpi slt, %rem3A, %lt3A : i32
    %lt3A_4 = arith.constant 0 : i32
    %lt3A_5 = arith.cmpi slt, %select_n3A, %lt3A_4 : i32
    %ne3A_6 = arith.xori %lt3A_3, %lt3A_5 : i1
    %and3A = arith.andi %ne3A_6, %ne3A_2 : i1
    %add3A = arith.addi %rem3A, %select_n3A : i32
    %select_n3A_7 = arith.select %and3A, %add3A, %rem3A : i32
    %c0_i32 = arith.constant 0 : i32
    %c0_i32_8 = arith.constant 0 : i32
    %c0_i32_9 = arith.constant 0 : i32
    return %select_n3A_7, %c0_i32, %c0_i32_8 : i32, i32, i32
  }
  func.func @transform_2(%arg0: i32) -> (i32, i32) {
    %c0_i32 = arith.constant 0 : i32
    %c0_i32_0 = arith.constant 0 : i32
    %c0_i32_1 = arith.constant 0 : i32
    return %c0_i32, %c0_i32_0 : i32, i32
  }
  func.func @transform_3(%arg0: i32) -> (i32, i32) {
    %c0_i32 = arith.constant 0 : i32
    %c0_i32_0 = arith.constant 0 : i32
    %c0_i32_1 = arith.constant 0 : i32
    return %c0_i32, %c0_i32_0 : i32, i32
  }
  func.func @transform_4(%arg0: i32) -> (i32, i32) {
    %c0_i32 = arith.constant 0 : i32
    %c0_i32_0 = arith.constant 0 : i32
    %c0_i32_1 = arith.constant 0 : i32
    return %c0_i32, %c0_i32_0 : i32, i32
  }
  func.func @transform_5(%arg0: i32) -> (i32, i32, i32) {
    %c0_i32 = arith.constant 0 : i32
    %c0_i32_0 = arith.constant 0 : i32
    %c0_i32_1 = arith.constant 0 : i32
    return %arg0, %c0_i32, %c0_i32_0 : i32, i32, i32
  }
}

module attributes {stable_mosaic.version = 14 : i64} {
  func.func @_head_body(%arg0: memref<4x128xf32, #tpu.memory_space<vmem>>, %arg1: memref<2x64xf32, #tpu.memory_space<vmem>>, %arg2: memref<64x512xf32, #tpu.memory_space<vmem>>, %arg3: memref<1x512xf32, #tpu.memory_space<vmem>>, %arg4: memref<1x512xf32, #tpu.memory_space<vmem>>, %arg5: memref<1x512xf32, #tpu.memory_space<vmem>>, %arg6: memref<512x1024xf32, #tpu.memory_space<vmem>>, %arg7: memref<1x1024xf32, #tpu.memory_space<vmem>>, %arg8: memref<2x1024xf32, #tpu.memory_space<vmem>>, %arg9: memref<2x64xf32, #tpu.memory_space<vmem>>, %arg10: memref<2x64xf32, #tpu.memory_space<vmem>>) attributes {dimension_semantics = [], scalar_prefetch = 0 : i64, scratch_operands = 0 : i64, tpu.core_type = #tpu.core_type<tc>} {
    %get3A = arith.constant 0 : index
    %get3A_0 = arith.constant 0 : index
    %get3A_1 = vector.load %arg0[%get3A, %get3A_0] : memref<4x128xf32, #tpu.memory_space<vmem>>, vector<2x128xf32>
    %get3A_2 = arith.constant 2 : index
    %get3A_3 = arith.constant 0 : index
    %get3A_4 = vector.load %arg0[%get3A_2, %get3A_3] : memref<4x128xf32, #tpu.memory_space<vmem>>, vector<2x128xf32>
    %add3A = arith.addf %get3A_1, %get3A_4 : vector<2x128xf32>
    %mul3A = arith.constant 5.000000e-01 : f32
    %mul3A_5 = vector.broadcast %mul3A : f32 to vector<2x128xf32>
    %mul3A_6 = arith.mulf %mul3A_5, %add3A : vector<2x128xf32>
    %slice3A = vector.extract_strided_slice %mul3A_6 {offsets = [0, 0], sizes = [2, 64], strides = [1, 1]} : vector<2x128xf32> to vector<2x64xf32>
    %slice3A_7 = vector.extract_strided_slice %mul3A_6 {offsets = [0, 64], sizes = [2, 64], strides = [1, 1]} : vector<2x128xf32> to vector<2x64xf32>
    %sub3A = arith.constant 6.400000e+01 : f32
    %sub3A_8 = vector.broadcast %sub3A : f32 to vector<2x64xf32>
    %sub3A_9 = arith.subf %slice3A_7, %sub3A_8 : vector<2x64xf32>
    %abs3A = math.absf %sub3A_9 : vector<2x64xf32>
    %neg3A = arith.constant 0.000000e+00 : f32
    %neg3A_10 = vector.broadcast %neg3A : f32 to vector<2x64xf32>
    %neg3A_11 = arith.subf %neg3A_10, %abs3A : vector<2x64xf32>
    %exp3A = math.exp %neg3A_11 : vector<2x64xf32>
    %lt3A = arith.constant 9.99999974E-5 : f32
    %lt3A_12 = vector.broadcast %lt3A : f32 to vector<2x64xf32>
    %lt3A_13 = arith.cmpf olt, %exp3A, %lt3A_12 : vector<2x64xf32>
    %mul3A_14 = arith.constant 5.000000e-01 : f32
    %mul3A_15 = vector.broadcast %mul3A_14 : f32 to vector<2x64xf32>
    %mul3A_16 = arith.mulf %mul3A_15, %exp3A : vector<2x64xf32>
    %mul3A_17 = arith.mulf %mul3A_16, %exp3A : vector<2x64xf32>
    %sub3A_18 = arith.subf %exp3A, %mul3A_17 : vector<2x64xf32>
    %add3A_19 = arith.constant 1.000000e+00 : f32
    %add3A_20 = vector.broadcast %add3A_19 : f32 to vector<2x64xf32>
    %add3A_21 = arith.addf %add3A_20, %exp3A : vector<2x64xf32>
    %log3A = math.log %add3A_21 : vector<2x64xf32>
    %select_n3A = arith.select %lt3A_13, %sub3A_18, %log3A : vector<2x64xi1>, vector<2x64xf32>
    %max3A = arith.constant 0.000000e+00 : f32
    %max3A_22 = vector.broadcast %max3A : f32 to vector<2x64xf32>
    %max3A_23 = arith.maximumf %sub3A_9, %max3A_22 : vector<2x64xf32>
    %add3A_24 = arith.addf %max3A_23, %select_n3A : vector<2x64xf32>
    %get3A_25 = arith.constant 0 : index
    %get3A_26 = arith.constant 0 : index
    %get3A_27 = vector.load %arg1[%get3A_25, %get3A_26] : memref<2x64xf32, #tpu.memory_space<vmem>>, vector<2x64xf32>
    %mul3A_28 = arith.mulf %get3A_27, %add3A_24 : vector<2x64xf32>
    %add3A_29 = arith.addf %slice3A, %mul3A_28 : vector<2x64xf32>
    %get3A_30 = arith.constant 0 : index
    %get3A_31 = arith.constant 0 : index
    %get3A_32 = vector.load %arg2[%get3A_30, %get3A_31] : memref<64x512xf32, #tpu.memory_space<vmem>>, vector<64x512xf32>
    %dot_general3A = arith.constant dense<0.000000e+00> : vector<2x512xf32>
    %dot_general3A_33 = tpu.matmul %add3A_29, %get3A_32, %dot_general3A {dimension_numbers = #tpu.dot_dimension_numbers<[1], [0], [0], [1], [0, 0, 1, 1], [], []>, transpose_lhs_hint = false} : vector<2x64xf32>, vector<64x512xf32>, vector<2x512xf32> -> vector<2x512xf32>
    %get3A_34 = arith.constant 0 : index
    %get3A_35 = arith.constant 0 : index
    %get3A_36 = vector.load %arg3[%get3A_34, %get3A_35] : memref<1x512xf32, #tpu.memory_space<vmem>>, vector<1x512xf32>
    %add3A_37 = vector.broadcast %get3A_36 : vector<1x512xf32> to vector<2x512xf32>
    %add3A_38 = arith.addf %dot_general3A_33, %add3A_37 : vector<2x512xf32>
    %reduce_sum3A = arith.constant dense<0.000000e+00> : vector<512xf32>
    %reduce_sum3A_39 = vector.multi_reduction <add>, %add3A_38, %reduce_sum3A [0] : vector<2x512xf32> to vector<512xf32>
    %broadcast_in_dim3A = vector.shape_cast %reduce_sum3A_39 : vector<512xf32> to vector<1x512xf32>
    %div3A = arith.constant 2.000000e+00 : f32
    %div3A_40 = vector.broadcast %div3A : f32 to vector<1x512xf32>
    %div3A_41 = arith.divf %broadcast_in_dim3A, %div3A_40 : vector<1x512xf32>
    %sub3A_42 = vector.broadcast %div3A_41 : vector<1x512xf32> to vector<2x512xf32>
    %sub3A_43 = arith.subf %add3A_38, %sub3A_42 : vector<2x512xf32>
    %sub3A_44 = vector.broadcast %div3A_41 : vector<1x512xf32> to vector<2x512xf32>
    %sub3A_45 = arith.subf %add3A_38, %sub3A_44 : vector<2x512xf32>
    %mul3A_46 = arith.mulf %sub3A_43, %sub3A_45 : vector<2x512xf32>
    %reduce_sum3A_47 = arith.constant dense<0.000000e+00> : vector<512xf32>
    %reduce_sum3A_48 = vector.multi_reduction <add>, %mul3A_46, %reduce_sum3A_47 [0] : vector<2x512xf32> to vector<512xf32>
    %broadcast_in_dim3A_49 = vector.shape_cast %reduce_sum3A_48 : vector<512xf32> to vector<1x512xf32>
    %div3A_50 = arith.constant 2.000000e+00 : f32
    %div3A_51 = vector.broadcast %div3A_50 : f32 to vector<1x512xf32>
    %div3A_52 = arith.divf %broadcast_in_dim3A_49, %div3A_51 : vector<1x512xf32>
    %sub3A_53 = vector.broadcast %div3A_41 : vector<1x512xf32> to vector<2x512xf32>
    %sub3A_54 = arith.subf %add3A_38, %sub3A_53 : vector<2x512xf32>
    %add3A_55 = arith.constant 9.99999974E-6 : f32
    %add3A_56 = vector.broadcast %add3A_55 : f32 to vector<1x512xf32>
    %add3A_57 = arith.addf %div3A_52, %add3A_56 : vector<1x512xf32>
    %sqrt3A = math.sqrt %add3A_57 : vector<1x512xf32>
    %div3A_58 = vector.broadcast %sqrt3A : vector<1x512xf32> to vector<2x512xf32>
    %div3A_59 = arith.divf %sub3A_54, %div3A_58 : vector<2x512xf32>
    %get3A_60 = arith.constant 0 : index
    %get3A_61 = arith.constant 0 : index
    %get3A_62 = vector.load %arg4[%get3A_60, %get3A_61] : memref<1x512xf32, #tpu.memory_space<vmem>>, vector<1x512xf32>
    %mul3A_63 = vector.broadcast %get3A_62 : vector<1x512xf32> to vector<2x512xf32>
    %mul3A_64 = arith.mulf %div3A_59, %mul3A_63 : vector<2x512xf32>
    %get3A_65 = arith.constant 0 : index
    %get3A_66 = arith.constant 0 : index
    %get3A_67 = vector.load %arg5[%get3A_65, %get3A_66] : memref<1x512xf32, #tpu.memory_space<vmem>>, vector<1x512xf32>
    %add3A_68 = vector.broadcast %get3A_67 : vector<1x512xf32> to vector<2x512xf32>
    %add3A_69 = arith.addf %mul3A_64, %add3A_68 : vector<2x512xf32>
    %max3A_70 = arith.constant 0.000000e+00 : f32
    %max3A_71 = vector.broadcast %max3A_70 : f32 to vector<2x512xf32>
    %max3A_72 = arith.maximumf %add3A_69, %max3A_71 : vector<2x512xf32>
    %get3A_73 = arith.constant 0 : index
    %get3A_74 = arith.constant 0 : index
    %get3A_75 = vector.load %arg6[%get3A_73, %get3A_74] : memref<512x1024xf32, #tpu.memory_space<vmem>>, vector<512x1024xf32>
    %dot_general3A_76 = arith.constant dense<0.000000e+00> : vector<2x1024xf32>
    %dot_general3A_77 = tpu.matmul %max3A_72, %get3A_75, %dot_general3A_76 {dimension_numbers = #tpu.dot_dimension_numbers<[1], [0], [0], [1], [0, 0, 1, 1], [], []>, transpose_lhs_hint = false} : vector<2x512xf32>, vector<512x1024xf32>, vector<2x1024xf32> -> vector<2x1024xf32>
    %get3A_78 = arith.constant 0 : index
    %get3A_79 = arith.constant 0 : index
    %get3A_80 = vector.load %arg7[%get3A_78, %get3A_79] : memref<1x1024xf32, #tpu.memory_space<vmem>>, vector<1x1024xf32>
    %add3A_81 = vector.broadcast %get3A_80 : vector<1x1024xf32> to vector<2x1024xf32>
    %add3A_82 = arith.addf %dot_general3A_77, %add3A_81 : vector<2x1024xf32>
    %max3A_83 = arith.constant 0.000000e+00 : f32
    %max3A_84 = vector.broadcast %max3A_83 : f32 to vector<2x1024xf32>
    %max3A_85 = arith.maximumf %add3A_82, %max3A_84 : vector<2x1024xf32>
    %swap3A = arith.constant 0 : index
    %swap3A_86 = arith.constant 0 : index
    %swap3A_87 = vector.load %arg8[%swap3A, %swap3A_86] : memref<2x1024xf32, #tpu.memory_space<vmem>>, vector<2x1024xf32>
    tpu.vector_store %arg8[%swap3A, %swap3A_86], %max3A_85 {strides = array<i32>} : memref<2x1024xf32, #tpu.memory_space<vmem>>, vector<2x1024xf32>,
    %swap3A_88 = arith.constant 0 : index
    %swap3A_89 = arith.constant 0 : index
    %swap3A_90 = vector.load %arg9[%swap3A_88, %swap3A_89] : memref<2x64xf32, #tpu.memory_space<vmem>>, vector<2x64xf32>
    tpu.vector_store %arg9[%swap3A_88, %swap3A_89], %slice3A {strides = array<i32>} : memref<2x64xf32, #tpu.memory_space<vmem>>, vector<2x64xf32>,
    %swap3A_91 = arith.constant 0 : index
    %swap3A_92 = arith.constant 0 : index
    %swap3A_93 = vector.load %arg10[%swap3A_91, %swap3A_92] : memref<2x64xf32, #tpu.memory_space<vmem>>, vector<2x64xf32>
    tpu.vector_store %arg10[%swap3A_91, %swap3A_92], %add3A_24 {strides = array<i32>} : memref<2x64xf32, #tpu.memory_space<vmem>>, vector<2x64xf32>,
    return
  }
}

</mosaic_0001>

<sc_bundles>
// kernel: kernel.7.cloned.1.call-start
scs
__scs_entry_jumppad:
0x0: {  	(pc) =	sbr.rel $0x88, $3  }
0x1: {  	(tag) =	ssettag $0x0;
	lr =	simm.s32 $0x1  }
0x2: {  	[smem:$0x3F85] =	sst lr;
	_ =	strace $0xD0000000  }
0x3: {  	_ = 	snop  }
0x4: {  	_ = 	snop  }
0x5: {  	_ = 	snop  }
0x6: {  	_ = 	snop  }
0x7: {  	_ = 	snop  }
__scs_overlays_trampoline_lowered:
0x8: {  	[smem:$0x3F94] =	sst s0  }
0x9: {  	[smem:$0x3F95] =	sst s1  }
0xa: {  	[smem:$0x3F96] =	sst s2  }
0xb: {  	[smem:$0x3F97] =	sst s3  }
0xc: {  	[smem:$0x3F98] =	sst s4  }
0xd: {  	[smem:$0x3F99] =	sst s5  }
0xe: {  	[smem:$0x3F9A] =	sst s6  }
0xf: {  	[smem:$0x3F9B] =	sst s7  }
0x10: {  	[smem:$0x3F9C] =	sst s8  }
0x11: {  	[smem:$0x3F9D] =	sst s9;
	s0 =	simm.s32 @!p0 $0x0  }
0x12: {  	s1 =	sld [smem:$0x3F83];
	s0 =	simm.s32 @p0 $0x1  }
0x13: {  	[smem:$0x3F9E] =	sst s0;
	s0 =	simm.s32 @!p1 $0x0  }
0x14: {  	s2 =	sld [smem:$0x3F82];
	s0 =	simm.s32 @p1 $0x1  }
0x15: {  	[smem:$0x3F9F] =	sst s0;
	s0 =	simm.s32 @!p2 $0x0  }
0x16: {  	s3 =	sld [smem:$0x3FDB];
	s0 =	simm.s32 @p2 $0x1  }
0x17: {  	s4 =	simm.s32 $0x1BF5;
	[smem:$0x3FA1] =	sst s0  }
0x18: {  	s0 =	sld [smem:$0x3F84];
	_ =	swait.ge [sflag:s4], $0x0  }
0x19: {  	s7 =	sld [smem:$0x3F85]  }
0x1a: {  	s8 =	sadd.s32 $0xFFFFE003, lr  }
0x1b: {  	s9 =	sadd.s32 $0xFFFFFEF7, lr;
	s5 =	simm.s32 $0xFFFFFFFF;
	p2 =	slt.u32 s8, $0xFFFFF086  }
0x1c: {  	p1 =	slt.u32 s9, $0xF7A;
	s5 =	simm.s32 @!p2 $0x0  }
0x1d: {  	s5 =	simm.s32 @p1 $0x1;
	p0 =	seq.s32 s7, s2  }
0x1e: {  	s7 =	smul.u32 @!p0 $0xF7A, s2;
	p2 =	seq.s32 @!p0 s5, $0x0  }
0x1f: {  	s9 =	smul.u32 $0xF7A, s1;
	s8 =	simm.s32 @!p0 $0x1BF5;
	p2 =	por !p2, p0  }
0x20: {  	[sflag:s8] =	ssyncset.s32 @!p0 $0xFFFFF086;
	s6 =	sadd.s32 @!p0 s3, s7;
	s7 =	simm.s32 @!p0 $0x108  }
0x21: {  	s3 =	sadd.s32 s3, s9;
	s6 =	sadd.s32 @!p0 $0x88, s6;
	s7 =	simm.s32 @p2 $0x1082  }
0x22: {  	[simem:s7], [sflag:s8] =	dma.local @!p0 [hbm:s6], $0xF7A  }
0x23: {  	s9 =	sor.u32 $0xD0000000, s2;
	s6 =	simm.s32 $0x108;
	_ =	swait.ge @!p0 [sflag:s8], $0x0  }
0x24: {  	s3 =	sadd.s32 $0x88, s3;
	s6 =	simm.s32 @!p1 $0x1082;
	[sflag:s4] =	ssyncset.s32 $0xFFFFF086  }
0x25: {  	[simem:s6], [sflag:s4] =	dma.local [hbm:s3], $0xF7A  }
0x26: {  	[smem:$0x3F85] =	sst s1;
	(tag) =	ssettag s2;
	_ =	strace s9  }
0x27: {  	s1 =	sld [smem:$0x3F95]  }
0x28: {  	s2 =	sld [smem:$0x3F96]  }
0x29: {  	s4 =	sld [smem:$0x3F98]  }
0x2a: {  	p0 =	seq.s32 s5, $0x0;
	s5 =	sld [smem:$0x3F99]  }
0x2b: {  	s6 =	sld [smem:$0x3F9A]  }
0x2c: {  	s7 =	sld [smem:$0x3F9B]  }
0x2d: {  	s3 =	simm.s32 $0x108;
	s8 =	sld [smem:$0x3F9C]  }
0x2e: {  	s3 =	simm.s32 @!p0 $0x1082;
	s9 =	sld [smem:$0x3F9D]  }
0x2f: {  	lr =	sadd.s32 s0, s3;
	s0 =	sld [smem:$0x3F94]  }
0x30: {  	s3 =	sld [smem:$0x3F97]  }
0x31: {  	[smem:$0x3FA0] =	sst s10  }
0x32: {  	s10 =	sld [smem:$0x3F9E];
	_ =	sdelay $0x3  }
0x33: {  	p0 =	seq.s32 s10, $0x1;
	s10 =	sld [smem:$0x3FA0];
	_ =	sdelay $0x3  }
0x34: {  	[smem:$0x3FA0] =	sst s10  }
0x35: {  	s10 =	sld [smem:$0x3F9F];
	_ =	sdelay $0x3  }
0x36: {  	p1 =	seq.s32 s10, $0x1;
	s10 =	sld [smem:$0x3FA0];
	_ =	sdelay $0x3  }
0x37: {  	[smem:$0x3FA0] =	sst s10  }
0x38: {  	s10 =	sld [smem:$0x3FA1]  }
0x39: {  	_ = 	snop;
	(pc) =	sbr.ind lr, $3  }
0x3a: {  	_ = 	snop  }
0x3b: {  	_ = 	snop  }
0x3c: {  	p2 =	seq.s32 s10, $0x1;
	s10 =	sld [smem:$0x3FA0]  }
0x3d: {  	_ =	shalt  }
0x3e: {  	_ =	shalt  }
0x3f: {  	_ =	shalt  }
0x40: {  	_ =	shalt  }
0x41: {  	_ =	shalt  }
0x42: {  	_ =	shalt  }
0x43: {  	_ =	shalt  }
0x44: {  	_ =	shalt  }
0x45: {  	_ =	shalt  }
0x46: {  	_ =	shalt  }
0x47: {  	_ =	shalt  }
0x48: {  	_ =	shalt  }
0x49: {  	_ =	shalt  }
0x4a: {  	_ =	shalt  }
0x4b: {  	_ =	shalt  }
0x4c: {  	_ =	shalt  }
0x4d: {  	_ =	shalt  }
0x4e: {  	_ =	shalt  }
0x4f: {  	_ =	shalt  }
0x50: {  	_ =	shalt  }
0x51: {  	_ =	shalt  }
0x52: {  	_ =	shalt  }
0x53: {  	_ =	shalt  }
0x54: {  	_ =	shalt  }
0x55: {  	_ =	shalt  }
0x56: {  	_ =	shalt  }
0x57: {  	_ =	shalt  }
0x58: {  	_ =	shalt  }
0x59: {  	_ =	shalt  }
0x5a: {  	_ =	shalt  }
0x5b: {  	_ =	shalt  }
0x5c: {  	_ =	shalt  }
0x5d: {  	_ =	shalt  }
0x5e: {  	_ =	shalt  }
0x5f: {  	_ =	shalt  }
0x60: {  	_ =	shalt  }
0x61: {  	_ =	shalt  }
0x62: {  	_ =	shalt  }
0x63: {  	_ =	shalt  }
0x64: {  	_ =	shalt  }
0x65: {  	_ =	shalt  }
0x66: {  	_ =	shalt  }
0x67: {  	_ =	shalt  }
0x68: {  	_ =	shalt  }
0x69: {  	_ =	shalt  }
0x6a: {  	_ =	shalt  }
0x6b: {  	_ =	shalt  }
0x6c: {  	_ =	shalt  }
0x6d: {  	_ =	shalt  }
0x6e: {  	_ =	shalt  }
0x6f: {  	_ =	shalt  }
0x70: {  	_ =	shalt  }
0x71: {  	_ =	shalt  }
0x72: {  	_ =	shalt  }
0x73: {  	_ =	shalt  }
0x74: {  	_ =	shalt  }
0x75: {  	_ =	shalt  }
0x76: {  	_ =	shalt  }
0x77: {  	_ =	shalt  }
0x78: {  	_ =	shalt  }
0x79: {  	_ =	shalt  }
0x7a: {  	_ =	shalt  }
0x7b: {  	_ =	shalt  }
0x7c: {  	_ =	shalt  }
0x7d: {  	_ =	shalt  }
0x7e: {  	_ =	shalt  }
0x7f: {  	_ =	shalt  }
0x80: {  	_ =	shalt  }
0x81: {  	_ =	shalt  }
0x82: {  	_ =	shalt  }
0x83: {  	_ =	shalt  }
0x84: {  	_ =	shalt  }
0x85: {  	_ =	shalt  }
0x86: {  	_ =	shalt  }
0x87: {  	_ =	shalt  }
.Lfunc_end0:
.L_simem_size_0:
called_computation_lowered:
.L_overlay_start_0:
0x88: {  	s2 =	sld [smem:$0x3FD9]  }
0x89: {  	s3 =	sld [smem:$0x3FFE];
	_ =	sdelay $0x1  }
0x8a: {  	s1 =	srdreg.scid  }
0x8b: {  	s0 =	sand.u32 $0x1, s1  }
0x8c: {  	s14 =	sshll.u32 s0, $0xA;
	s2 =	sadd.s32 s3, s2  }
0x8d: {  	s2 =	sadd.s32 s2, s14  }
0x8e: {  	[smem:$0x3FAC] =	sst s2  }
0x8f: {  	_ = 	snop  }
0x90: {  	s2 =	sld [smem:$0x3FD0];
	_ =	sdelay $0x2  }
0x91: {  	s15 =	simm.s32 $0xA;
	s4 =	simm.s32 $0x10  }
0x92: {  	[smem:s4], [sflag:s15] =	dma.local [hbm:s2], $0x1  }
0x93: {  	_ =	swait.eq [sflag:s15], $0x1  }
0x94: {  	[sflag:s15] =	ssyncset.done $0x0  }
0x95: {  	[sflag:s15] =	ssyncadd.s32 $0xFFFFFFFF  }
0x96: {  	s16 =	sld [smem:$0x11];
	(tm) =	ssettm $0x1  }
0x97: {  	s17 =	sld [smem:$0x3FFB];
	_ =	sdelay $0x3  }
0x98: {  	_ =	strace s17  }
0x99: {  	s3 =	sld [smem:$0x3FFC];
	_ =	sdelay $0x3  }
0x9a: {  	_ =	strace s3  }
0x9b: {  	s3 =	sld [smem:$0x3FFD];
	_ =	sdelay $0x3  }
0x9c: {  	_ =	strace s3  }
0x9d: {  	_ =	strace $0x8FFFFFFF  }
0x9e: {  	s18 =	sld [smem:$0x3FDB];
	_ =	sdelay $0x1  }
0x9f: {  	s19 =	simm.s32 $_scs_section_size  }
0xa0: {  	s5 =	simm.s32 $_size__tile_overlayer_lowered;
	s6 =	simm.s32 $_tile_overlayer_lowered  }
0xa1: {  	s22 =	simm.s32 $0x1BFF;
	s21 =	sshll.u32 s6, $0x1;
	s3 =	sadd.s32 s19, s18  }
0xa2: {  	s7 =	simm.s32 $0x0;
	s20 =	sshll.u32 s5, $0x1;
	s5 =	sadd.s32 s21, s3  }
0xa3: {  	[timem:s7], [sflag:s22] =	dma.local [hbm:s5], s20  }
0xa4: {  	_ =	swait.ge [sflag:s22], s20  }
0xa5: {  	s4 =	ssub.s32 $0x0, s20;
	[sflag:s22] =	ssyncset.done $0x0  }
0xa6: {  	[sflag:s22] =	ssyncadd.s32 s4;
	_ =	sdelay $0x1  }
0xa7: {  	s23 =	simm.s32 $0x1B8B  }
0xa8: {  	_ =	swait.ge [sflag:s23], $0x1  }
0xa9: {  	[sflag:s23] =	ssyncset.done $0x0  }
0xaa: {  	s25 =	simm.s32 $0x1B8E;
	s24 =	sld [smem:$0x3FFE];
	[sflag:s23] =	ssyncadd.s32 $0xFFFFFFFF  }
0xab: {  	s26 =	simm.s32 $execute0_lowered;
	[smem:$0x3FD2] =	sst s25  }
0xac: {  	s5 =	sshll.u32 s26, $0x1;
	_ =	strace $0x80000046;
	[dreg:$0x1] =	wrdreg $0xFFFFFFFF  }
0xad: {  	s28 =	simm.s32 $_size_execute0_lowered;
	s3 =	sadd.s32 s3, s5;
	[dreg:$0x0] =	wrdreg $0x0  }
0xae: {  	s5 =	sshll.u32 s28, $0x1;
	[dreg:$0x2] =	wrdreg s3  }
0xaf: {  	[dreg:$0x3] =	wrdreg s5  }
0xb0: {  	[dreg:$0x4] =	wrdreg $0xC0  }
0xb1: {  	_ =	task [dreg:s7], $0x5FFFF  }
0xb2: {  	[dreg:$0x1] =	wrdreg $0xFFFFFFFF  }
0xb3: {  	[dreg:$0x0] =	wrdreg $0x60  }
0xb4: {  	[dreg:$0x2] =	wrdreg s24  }
0xb5: {  	[dreg:$0x3] =	wrdreg s16  }
0xb6: {  	[dreg:$0x4] =	wrdreg $0x9  }
0xb7: {  	_ =	task.clear_ibuf [dreg:s7], $0x5FFFF;
	_ =	strace $0x90000046  }
0xb8: {  	s29 =	simm.s32 $0x9;
	_ =	strace $0x80000048  }
0xb9: {  	_ =	swait.ge [sflag:s29], $0x1  }
0xba: {  	[sflag:s29] =	ssyncadd.s32 $0xFFFFFFFF  }
0xbb: {  	_ =	strace $0x90000048  }
0xbc: {  	_ =	sfence  }
0xbd: {  	s30 =	sld [smem:$0x0];
	_ =	sdelay $0x2  }
0xbe: {  	s31 =	sshll.u32 s1, $0xD;
	s1 =	sshrl.u32 s1, $0x2  }
0xbf: {  	s3 =	sand.u32 $0x4000, s31;
	s1 =	sadd.s32 s1, s30  }
0xc0: {  	s0 =	sor.u32 s3, s0;
	s1 =	sshll.u32 s1, $0x11  }
0xc1: {  	s0 =	sor.u32 s1, s0  }
0xc2: {  	s0 =	sadd.s32 $0x8F2B, s0  }
0xc3: {  	[sflag:s0] =	ssyncadd.remote.s32 $0x1  }
0xc4: {  	_ =	sfence.sel $0xFFFF  }
0xc5: {  	[dreg:$0x0] =	wrdreg $0xFFFFFFFF;
	(pc) =	sbr.abs _section_cstart, $3  }
0xc6: {  	[dreg:$0x1] =	wrdreg $0xFFFFFFFF  }
0xc7: {  	_ =	task.clear_ibuf [dreg:s7], $0x2FFFF;
	_ =	strace $0x9FFFFFFF  }
0xc8: {  	(tm) =	ssettm $0x7FFFFFFF  }
0xc9: {  	_ =	shalt  }
tec
execute0_lowered:
.L_overlay_start_1:
0x0: {  	(tag) =	ssettag $0x1  }
0x1: {  	s0 =	rddreg [dreg:$0x0]  }
0x2: {  	s1 =	rddreg [dreg:$0x1];
	s3 =	srdreg.scid;
	s2 =	simm.s32 $0x0  }
0x3: {  	s5 =	stileid.u32;
	s30 =	simm.s32 $0x80;
	s31 =	simm.s32 $0x100  }
0x4: {  	s3 =	sand.u32 $0x1, s3;
	[smem:$0x7FF] =	sst s2;
	s5 =	sshll.u32 s5, $0x1  }
0x5: {  	s23 =	sadd.s32 $0x5600, s0;
	s24 =	sadd.s32 $0x5610, s0;
	s25 =	sadd.s32 $0x5A00, s0  }
0x6: {  	s26 =	sadd.s32 $0x5A10, s0;
	s7 =	sadd.s32 $0x5E00, s0;
	s8 =	sadd.s32 $0x5E10, s0  }
0x7: {  	s9 =	sadd.s32 $0x6200, s0;
	s10 =	sadd.s32 $0x6210, s0;
	s11 =	sadd.s32 $0x6600, s0  }
0x8: {  	s12 =	sadd.s32 $0x6610, s0;
	s13 =	sadd.s32 $0x6A00, s0;
	s14 =	sadd.s32 $0x6A10, s0  }
0x9: {  	s15 =	sadd.s32 $0x6E00, s0;
	s16 =	sadd.s32 $0x6E10, s0;
	s17 =	sadd.s32 $0x7200, s0  }
0xa: {  	s18 =	sadd.s32 $0x7210, s0;
	_ =	strace $0x80000047;
	[dreg:$0x3] =	wrdreg s23  }
0xb: {  	s19 =	sadd.s32 $0x7600, s0;
	s20 =	sadd.s32 $0x7610, s0;
	[dreg:$0x4] =	wrdreg s24  }
0xc: {  	s22 =	sadd.s32 $0x7A00, s0;
	s28 =	sadd.s32 $0x8210, s0;
	[dreg:$0x5] =	wrdreg s25  }
0xd: {  	s4 =	ssub.s32 $0x2, s3;
	s3 =	sor.u32 s3, s5;
	[dreg:$0x6] =	wrdreg s26  }
0xe: {  	s23 =	sadd.s32 $0x7A10, s0;
	s24 =	sadd.s32 $0x7E00, s0;
	s25 =	sadd.s32 $0x7E10, s0  }
0xf: {  	s26 =	sadd.s32 $0x8200, s0;
	s0 =	simm.s32 $0x8000;
	s6 =	sshrl.u32 s4, $0x1  }
0x10: {  	s5 =	sshll.u32 s3, $0x5;
	s3 =	sshll.u32 s3, $0xC;
	s4 =	ssub.s32 s4, s6  }
0x11: {  	v2 =	vimm.f32 $0.0e+00;
	s21 =	sadd.s32 s1, s3;
	s6 =	sadd.s32 $0x20, s5;
	s1 =	simm.s32 $0x1  }
0x12: {  	v3 =	vimm.f32 $1.000000000e+00;
	v0 =	vmov s5;
	s3 =	simm.s32 $0x9000;
	s29 =	smax.u32 s4, $0x1;
	v1 =	vmov s6;
	s4 =	simm.s32 $0x0  }
.LBB2_1:
0x13: {  	s5 =	simm.s32 $0x40;
	s6 =	simm.s32 $0x0  }
.LBB2_2:
0x14: {  	p0 =	sne.s32 s5, $0x1FFC0;
	[tilespmem:s6+$0x0] =	vst v2;
	s6 =	smov.u32 s5;
	s5 =	sadd.s32 $0x40, s5  }
.Ltmp0:
0x15: {  	(pc) =	sbr.rel @p0 .LBB2_2-.Ltmp0, $2  }
0x16: {  	_ =	sdelay $0x2  }
0x17: {  	s6 =	sshra.s32 s6, $0x2  }
0x18: {  	[tilespmem:s6+$0x0] =	vst v2;
	s5 =	rddreg [dreg:$0x3]  }
0x19: {  	[tilespmem:s0], [sflag:$0x1] =	stream.strided.gather [hbm4b:s5+s30], $0x1000, s31, s30, $0x38;
	[tilespmem:$0xA000] =	vst v63  }
0x1a: {  	_ =	swait.ge [sflag:s1], $0x1000  }
0x1b: {  	[sflag:s1] =	ssyncset.done $0x0  }
0x1c: {  	s6 =	rddreg [dreg:$0x4];
	[sflag:s1] =	ssyncadd.s32 $0xFFFFF000  }
0x1d: {  	[tilespmem:s3], [sflag:$0x1] =	stream.strided.gather [hbm4b:s6+s30], $0x1000, s31, s30, $0x38;
	[tilespmem:$0xA000] =	vst v63  }
0x1e: {  	_ =	swait.ge [sflag:s1], $0x1000  }
0x1f: {  	[sflag:s1] =	ssyncset.done $0x0  }
0x20: {  	s5 =	simm.s32 $0x40;
	s6 =	simm.s32 $0x0;
	[sflag:s1] =	ssyncadd.s32 $0xFFFFF000  }
.LBB2_4:
0x21: {  	p0 =	sne.s32 s5, $0x3FC0;
	v4 =	vld [tilespmem:s6+$0x8000];
	_ =	sdelay $0x1  }
0x22: {  	v5 =	vld [tilespmem:s6+$0x9000];
	_ =	sdelay $0x2  }
0x23: {  	v6 =	vsub.s32 v4, v0;
	vm0 =	vge.s32 v4, v0;
	vm1 =	vlt.s32 v4, v1  }
0x24: {  	v4 =	vshll.u32 v6, $0xA;
	vm0 =	vmand vm0, vm1  }
0x25: {  	v4 =	vadd.s32 v5, v4  }
.Ltmp1:
0x26: {  	(pc) =	sbr.rel @p0 .LBB2_4-.Ltmp1, $2  }
0x27: {  	_ =	sdelay $0x2  }
0x28: {  	s6 =	sshra.s32 s5, $0x2;
	s5 =	sadd.s32 $0x40, s5;
	[tilespmem:v4+s2+$0x0] =	vst.idx.msk vm0, v3  }
0x29: {  	v4 =	vld [tilespmem:s6+$0x8000];
	_ =	sdelay $0x1  }
0x2a: {  	v5 =	vld [tilespmem:s6+$0x9000];
	_ =	sdelay $0x2  }
0x2b: {  	v6 =	vsub.s32 v4, v0;
	vm0 =	vge.s32 v4, v0;
	vm1 =	vlt.s32 v4, v1  }
0x2c: {  	v4 =	vshll.u32 v6, $0xA;
	vm0 =	vmand vm0, vm1  }
0x2d: {  	v4 =	vadd.s32 v5, v4;
	_ =	sdelay $0x4  }
0x2e: {  	s5 =	rddreg [dreg:$0x5];
	[tilespmem:v4+s2+$0x0] =	vst.idx.msk vm0, v3  }
0x2f: {  	[tilespmem:s0], [sflag:$0x1] =	stream.strided.gather [hbm4b:s5+s30], $0x1000, s31, s30, $0x38;
	[tilespmem:$0xA000] =	vst v63  }
0x30: {  	_ =	swait.ge [sflag:s1], $0x1000  }
0x31: {  	[sflag:s1] =	ssyncset.done $0x0  }
0x32: {  	s6 =	rddreg [dreg:$0x6];
	[sflag:s1] =	ssyncadd.s32 $0xFFFFF000  }
0x33: {  	[tilespmem:s3], [sflag:$0x1] =	stream.strided.gather [hbm4b:s6+s30], $0x1000, s31, s30, $0x38;
	[tilespmem:$0xA000] =	vst v63  }
0x34: {  	_ =	swait.ge [sflag:s1], $0x1000  }
0x35: {  	[sflag:s1] =	ssyncset.done $0x0  }
0x36: {  	s5 =	simm.s32 $0x40;
	s6 =	simm.s32 $0x0;
	[sflag:s1] =	ssyncadd.s32 $0xFFFFF000  }
.LBB2_6:
0x37: {  	p0 =	sne.s32 s5, $0x3FC0;
	v4 =	vld [tilespmem:s6+$0x8000];
	_ =	sdelay $0x1  }
0x38: {  	v5 =	vld [tilespmem:s6+$0x9000];
	_ =	sdelay $0x2  }
0x39: {  	v6 =	vsub.s32 v4, v0;
	vm0 =	vge.s32 v4, v0;
	vm1 =	vlt.s32 v4, v1  }
0x3a: {  	v4 =	vshll.u32 v6, $0xA;
	vm0 =	vmand vm0, vm1  }
0x3b: {  	v4 =	vadd.s32 v5, v4  }
.Ltmp2:
0x3c: {  	(pc) =	sbr.rel @p0 .LBB2_6-.Ltmp2, $2  }
0x3d: {  	_ =	sdelay $0x2  }
0x3e: {  	s6 =	sshra.s32 s5, $0x2;
	s5 =	sadd.s32 $0x40, s5;
	[tilespmem:v4+s2+$0x0] =	vst.idx.msk vm0, v3  }
0x3f: {  	v4 =	vld [tilespmem:s6+$0x8000];
	_ =	sdelay $0x1  }
0x40: {  	v5 =	vld [tilespmem:s6+$0x9000];
	_ =	sdelay $0x2  }
0x41: {  	v6 =	vsub.s32 v4, v0;
	vm0 =	vge.s32 v4, v0;
	vm1 =	vlt.s32 v4, v1  }
0x42: {  	v4 =	vshll.u32 v6, $0xA;
	vm0 =	vmand vm0, vm1  }
0x43: {  	v4 =	vadd.s32 v5, v4;
	_ =	sdelay $0x4  }
0x44: {  	[tilespmem:v4+s2+$0x0] =	vst.idx.msk vm0, v3  }
0x45: {  	[tilespmem:s0], [sflag:$0x1] =	stream.strided.gather [hbm4b:s7+s30], $0x1000, s31, s30, $0x38;
	[tilespmem:$0xA000] =	vst v63  }
0x46: {  	_ =	swait.ge [sflag:s1], $0x1000  }
0x47: {  	[sflag:s1] =	ssyncset.done $0x0  }
0x48: {  	[sflag:s1] =	ssyncadd.s32 $0xFFFFF000  }
0x49: {  	[tilespmem:s3], [sflag:$0x1] =	stream.strided.gather [hbm4b:s8+s30], $0x1000, s31, s30, $0x38;
	[tilespmem:$0xA000] =	vst v63  }
0x4a: {  	_ =	swait.ge [sflag:s1], $0x1000  }
0x4b: {  	[sflag:s1] =	ssyncset.done $0x0  }
0x4c: {  	s6 =	simm.s32 $0x0;
	s5 =	simm.s32 $0x40;
	[sflag:s1] =	ssyncadd.s32 $0xFFFFF000  }
.LBB2_8:
0x4d: {  	p0 =	sne.s32 s5, $0x3FC0;
	v4 =	vld [tilespmem:s6+$0x8000];
	_ =	sdelay $0x1  }
0x4e: {  	v5 =	vld [tilespmem:s6+$0x9000];
	_ =	sdelay $0x2  }
0x4f: {  	v6 =	vsub.s32 v4, v0;
	vm0 =	vge.s32 v4, v0;
	vm1 =	vlt.s32 v4, v1  }
0x50: {  	v4 =	vshll.u32 v6, $0xA;
	vm0 =	vmand vm0, vm1  }
0x51: {  	v4 =	vadd.s32 v5, v4  }
.Ltmp3:
0x52: {  	(pc) =	sbr.rel @p0 .LBB2_8-.Ltmp3, $2  }
0x53: {  	_ =	sdelay $0x2  }
0x54: {  	s6 =	sshra.s32 s5, $0x2;
	s5 =	sadd.s32 $0x40, s5;
	[tilespmem:v4+s2+$0x0] =	vst.idx.msk vm0, v3  }
0x55: {  	v4 =	vld [tilespmem:s6+$0x8000];
	_ =	sdelay $0x1  }
0x56: {  	v5 =	vld [tilespmem:s6+$0x9000];
	_ =	sdelay $0x2  }
0x57: {  	v6 =	vsub.s32 v4, v0;
	vm0 =	vge.s32 v4, v0;
	vm1 =	vlt.s32 v4, v1  }
0x58: {  	v4 =	vshll.u32 v6, $0xA;
	vm0 =	vmand vm0, vm1  }
0x59: {  	v4 =	vadd.s32 v5, v4;
	_ =	sdelay $0x4  }
0x5a: {  	[tilespmem:v4+s2+$0x0] =	vst.idx.msk vm0, v3  }
0x5b: {  	[tilespmem:s0], [sflag:$0x1] =	stream.strided.gather [hbm4b:s9+s30], $0x1000, s31, s30, $0x38;
	[tilespmem:$0xA000] =	vst v63  }
0x5c: {  	_ =	swait.ge [sflag:s1], $0x1000  }
0x5d: {  	[sflag:s1] =	ssyncset.done $0x0  }
0x5e: {  	[sflag:s1] =	ssyncadd.s32 $0xFFFFF000  }
0x5f: {  	[tilespmem:s3], [sflag:$0x1] =	stream.strided.gather [hbm4b:s10+s30], $0x1000, s31, s30, $0x38;
	[tilespmem:$0xA000] =	vst v63  }
0x60: {  	_ =	swait.ge [sflag:s1], $0x1000  }
0x61: {  	[sflag:s1] =	ssyncset.done $0x0  }
0x62: {  	s6 =	simm.s32 $0x0;
	s5 =	simm.s32 $0x40;
	[sflag:s1] =	ssyncadd.s32 $0xFFFFF000  }
.LBB2_10:
0x63: {  	p0 =	sne.s32 s5, $0x3FC0;
	v4 =	vld [tilespmem:s6+$0x8000];
	_ =	sdelay $0x1  }
0x64: {  	v5 =	vld [tilespmem:s6+$0x9000];
	_ =	sdelay $0x2  }
0x65: {  	v6 =	vsub.s32 v4, v0;
	vm0 =	vge.s32 v4, v0;
	vm1 =	vlt.s32 v4, v1  }
0x66: {  	v4 =	vshll.u32 v6, $0xA;
	vm0 =	vmand vm0, vm1  }
0x67: {  	v4 =	vadd.s32 v5, v4  }
.Ltmp4:
0x68: {  	(pc) =	sbr.rel @p0 .LBB2_10-.Ltmp4, $2  }
0x69: {  	_ =	sdelay $0x2  }
0x6a: {  	s6 =	sshra.s32 s5, $0x2;
	s5 =	sadd.s32 $0x40, s5;
	[tilespmem:v4+s2+$0x0] =	vst.idx.msk vm0, v3  }
0x6b: {  	v4 =	vld [tilespmem:s6+$0x8000];
	_ =	sdelay $0x1  }
0x6c: {  	v5 =	vld [tilespmem:s6+$0x9000];
	_ =	sdelay $0x2  }
0x6d: {  	v6 =	vsub.s32 v4, v0;
	vm0 =	vge.s32 v4, v0;
	vm1 =	vlt.s32 v4, v1  }
0x6e: {  	v4 =	vshll.u32 v6, $0xA;
	vm0 =	vmand vm0, vm1  }
0x6f: {  	v4 =	vadd.s32 v5, v4;
	_ =	sdelay $0x4  }
0x70: {  	[tilespmem:v4+s2+$0x0] =	vst.idx.msk vm0, v3  }
0x71: {  	[tilespmem:s0], [sflag:$0x1] =	stream.strided.gather [hbm4b:s11+s30], $0x1000, s31, s30, $0x38;
	[tilespmem:$0xA000] =	vst v63  }
0x72: {  	_ =	swait.ge [sflag:s1], $0x1000  }
0x73: {  	[sflag:s1] =	ssyncset.done $0x0  }
0x74: {  	[sflag:s1] =	ssyncadd.s32 $0xFFFFF000  }
0x75: {  	[tilespmem:s3], [sflag:$0x1] =	stream.strided.gather [hbm4b:s12+s30], $0x1000, s31, s30, $0x38;
	[tilespmem:$0xA000] =	vst v63  }
0x76: {  	_ =	swait.ge [sflag:s1], $0x1000  }
0x77: {  	[sflag:s1] =	ssyncset.done $0x0  }
0x78: {  	s6 =	simm.s32 $0x0;
	s5 =	simm.s32 $0x40;
	[sflag:s1] =	ssyncadd.s32 $0xFFFFF000  }
.LBB2_12:
0x79: {  	p0 =	sne.s32 s5, $0x3FC0;
	v4 =	vld [tilespmem:s6+$0x8000];
	_ =	sdelay $0x1  }
0x7a: {  	v5 =	vld [tilespmem:s6+$0x9000];
	_ =	sdelay $0x2  }
0x7b: {  	v6 =	vsub.s32 v4, v0;
	vm0 =	vge.s32 v4, v0;
	vm1 =	vlt.s32 v4, v1  }
0x7c: {  	v4 =	vshll.u32 v6, $0xA;
	vm0 =	vmand vm0, vm1  }
0x7d: {  	v4 =	vadd.s32 v5, v4  }
.Ltmp5:
0x7e: {  	(pc) =	sbr.rel @p0 .LBB2_12-.Ltmp5, $2  }
0x7f: {  	_ =	sdelay $0x2  }
0x80: {  	s6 =	sshra.s32 s5, $0x2;
	s5 =	sadd.s32 $0x40, s5;
	[tilespmem:v4+s2+$0x0] =	vst.idx.msk vm0, v3  }
0x81: {  	v4 =	vld [tilespmem:s6+$0x8000];
	_ =	sdelay $0x1  }
0x82: {  	v5 =	vld [tilespmem:s6+$0x9000];
	_ =	sdelay $0x2  }
0x83: {  	v6 =	vsub.s32 v4, v0;
	vm0 =	vge.s32 v4, v0;
	vm1 =	vlt.s32 v4, v1  }
0x84: {  	v4 =	vshll.u32 v6, $0xA;
	vm0 =	vmand vm0, vm1  }
0x85: {  	v4 =	vadd.s32 v5, v4;
	_ =	sdelay $0x4  }
0x86: {  	[tilespmem:v4+s2+$0x0] =	vst.idx.msk vm0, v3  }
0x87: {  	[tilespmem:s0], [sflag:$0x1] =	stream.strided.gather [hbm4b:s13+s30], $0x1000, s31, s30, $0x38;
	[tilespmem:$0xA000] =	vst v63  }
0x88: {  	_ =	swait.ge [sflag:s1], $0x1000  }
0x89: {  	[sflag:s1] =	ssyncset.done $0x0  }
0x8a: {  	[sflag:s1] =	ssyncadd.s32 $0xFFFFF000  }
0x8b: {  	[tilespmem:s3], [sflag:$0x1] =	stream.strided.gather [hbm4b:s14+s30], $0x1000, s31, s30, $0x38;
	[tilespmem:$0xA000] =	vst v63  }
0x8c: {  	_ =	swait.ge [sflag:s1], $0x1000  }
0x8d: {  	[sflag:s1] =	ssyncset.done $0x0  }
0x8e: {  	s6 =	simm.s32 $0x0;
	s5 =	simm.s32 $0x40;
	[sflag:s1] =	ssyncadd.s32 $0xFFFFF000  }
.LBB2_14:
0x8f: {  	p0 =	sne.s32 s5, $0x3FC0;
	v4 =	vld [tilespmem:s6+$0x8000];
	_ =	sdelay $0x1  }
0x90: {  	v5 =	vld [tilespmem:s6+$0x9000];
	_ =	sdelay $0x2  }
0x91: {  	v6 =	vsub.s32 v4, v0;
	vm0 =	vge.s32 v4, v0;
	vm1 =	vlt.s32 v4, v1  }
0x92: {  	v4 =	vshll.u32 v6, $0xA;
	vm0 =	vmand vm0, vm1  }
0x93: {  	v4 =	vadd.s32 v5, v4  }
.Ltmp6:
0x94: {  	(pc) =	sbr.rel @p0 .LBB2_14-.Ltmp6, $2  }
0x95: {  	_ =	sdelay $0x2  }
0x96: {  	s6 =	sshra.s32 s5, $0x2;
	s5 =	sadd.s32 $0x40, s5;
	[tilespmem:v4+s2+$0x0] =	vst.idx.msk vm0, v3  }
0x97: {  	v4 =	vld [tilespmem:s6+$0x8000];
	_ =	sdelay $0x1  }
0x98: {  	v5 =	vld [tilespmem:s6+$0x9000];
	_ =	sdelay $0x2  }
0x99: {  	v6 =	vsub.s32 v4, v0;
	vm0 =	vge.s32 v4, v0;
	vm1 =	vlt.s32 v4, v1  }
0x9a: {  	v4 =	vshll.u32 v6, $0xA;
	vm0 =	vmand vm0, vm1  }
0x9b: {  	v4 =	vadd.s32 v5, v4;
	_ =	sdelay $0x4  }
0x9c: {  	[tilespmem:v4+s2+$0x0] =	vst.idx.msk vm0, v3  }
0x9d: {  	[tilespmem:s0], [sflag:$0x1] =	stream.strided.gather [hbm4b:s15+s30], $0x1000, s31, s30, $0x38;
	[tilespmem:$0xA000] =	vst v63  }
0x9e: {  	_ =	swait.ge [sflag:s1], $0x1000  }
0x9f: {  	[sflag:s1] =	ssyncset.done $0x0  }
0xa0: {  	[sflag:s1] =	ssyncadd.s32 $0xFFFFF000  }
0xa1: {  	[tilespmem:s3], [sflag:$0x1] =	stream.strided.gather [hbm4b:s16+s30], $0x1000, s31, s30, $0x38;
	[tilespmem:$0xA000] =	vst v63  }
0xa2: {  	_ =	swait.ge [sflag:s1], $0x1000  }
0xa3: {  	[sflag:s1] =	ssyncset.done $0x0  }
0xa4: {  	s6 =	simm.s32 $0x0;
	s5 =	simm.s32 $0x40;
	[sflag:s1] =	ssyncadd.s32 $0xFFFFF000  }
.LBB2_16:
0xa5: {  	p0 =	sne.s32 s5, $0x3FC0;
	v4 =	vld [tilespmem:s6+$0x8000];
	_ =	sdelay $0x1  }
0xa6: {  	v5 =	vld [tilespmem:s6+$0x9000];
	_ =	sdelay $0x2  }
0xa7: {  	v6 =	vsub.s32 v4, v0;
	vm0 =	vge.s32 v4, v0;
	vm1 =	vlt.s32 v4, v1  }
0xa8: {  	v4 =	vshll.u32 v6, $0xA;
	vm0 =	vmand vm0, vm1  }
0xa9: {  	v4 =	vadd.s32 v5, v4  }
.Ltmp7:
0xaa: {  	(pc) =	sbr.rel @p0 .LBB2_16-.Ltmp7, $2  }
0xab: {  	_ =	sdelay $0x2  }
0xac: {  	s6 =	sshra.s32 s5, $0x2;
	s5 =	sadd.s32 $0x40, s5;
	[tilespmem:v4+s2+$0x0] =	vst.idx.msk vm0, v3  }
0xad: {  	v4 =	vld [tilespmem:s6+$0x8000];
	_ =	sdelay $0x1  }
0xae: {  	v5 =	vld [tilespmem:s6+$0x9000];
	_ =	sdelay $0x2  }
0xaf: {  	v6 =	vsub.s32 v4, v0;
	vm0 =	vge.s32 v4, v0;
	vm1 =	vlt.s32 v4, v1  }
0xb0: {  	v4 =	vshll.u32 v6, $0xA;
	vm0 =	vmand vm0, vm1  }
0xb1: {  	v4 =	vadd.s32 v5, v4;
	_ =	sdelay $0x4  }
0xb2: {  	[tilespmem:v4+s2+$0x0] =	vst.idx.msk vm0, v3  }
0xb3: {  	[tilespmem:s0], [sflag:$0x1] =	stream.strided.gather [hbm4b:s17+s30], $0x1000, s31, s30, $0x38;
	[tilespmem:$0xA000] =	vst v63  }
0xb4: {  	_ =	swait.ge [sflag:s1], $0x1000  }
0xb5: {  	[sflag:s1] =	ssyncset.done $0x0  }
0xb6: {  	[sflag:s1] =	ssyncadd.s32 $0xFFFFF000  }
0xb7: {  	[tilespmem:s3], [sflag:$0x1] =	stream.strided.gather [hbm4b:s18+s30], $0x1000, s31, s30, $0x38;
	[tilespmem:$0xA000] =	vst v63  }
0xb8: {  	_ =	swait.ge [sflag:s1], $0x1000  }
0xb9: {  	[sflag:s1] =	ssyncset.done $0x0  }
0xba: {  	s6 =	simm.s32 $0x0;
	s5 =	simm.s32 $0x40;
	[sflag:s1] =	ssyncadd.s32 $0xFFFFF000  }
.LBB2_18:
0xbb: {  	p0 =	sne.s32 s5, $0x3FC0;
	v4 =	vld [tilespmem:s6+$0x8000];
	_ =	sdelay $0x1  }
0xbc: {  	v5 =	vld [tilespmem:s6+$0x9000];
	_ =	sdelay $0x2  }
0xbd: {  	v6 =	vsub.s32 v4, v0;
	vm0 =	vge.s32 v4, v0;
	vm1 =	vlt.s32 v4, v1  }
0xbe: {  	v4 =	vshll.u32 v6, $0xA;
	vm0 =	vmand vm0, vm1  }
0xbf: {  	v4 =	vadd.s32 v5, v4  }
.Ltmp8:
0xc0: {  	(pc) =	sbr.rel @p0 .LBB2_18-.Ltmp8, $2  }
0xc1: {  	_ =	sdelay $0x2  }
0xc2: {  	s6 =	sshra.s32 s5, $0x2;
	s5 =	sadd.s32 $0x40, s5;
	[tilespmem:v4+s2+$0x0] =	vst.idx.msk vm0, v3  }
0xc3: {  	v4 =	vld [tilespmem:s6+$0x8000];
	_ =	sdelay $0x1  }
0xc4: {  	v5 =	vld [tilespmem:s6+$0x9000];
	_ =	sdelay $0x2  }
0xc5: {  	v6 =	vsub.s32 v4, v0;
	vm0 =	vge.s32 v4, v0;
	vm1 =	vlt.s32 v4, v1  }
0xc6: {  	v4 =	vshll.u32 v6, $0xA;
	vm0 =	vmand vm0, vm1  }
0xc7: {  	v4 =	vadd.s32 v5, v4;
	_ =	sdelay $0x4  }
0xc8: {  	[tilespmem:v4+s2+$0x0] =	vst.idx.msk vm0, v3  }
0xc9: {  	[tilespmem:s0], [sflag:$0x1] =	stream.strided.gather [hbm4b:s19+s30], $0x1000, s31, s30, $0x38;
	[tilespmem:$0xA000] =	vst v63  }
0xca: {  	_ =	swait.ge [sflag:s1], $0x1000  }
0xcb: {  	[sflag:s1] =	ssyncset.done $0x0  }
0xcc: {  	[sflag:s1] =	ssyncadd.s32 $0xFFFFF000  }
0xcd: {  	[tilespmem:s3], [sflag:$0x1] =	stream.strided.gather [hbm4b:s20+s30], $0x1000, s31, s30, $0x38;
	[tilespmem:$0xA000] =	vst v63  }
0xce: {  	_ =	swait.ge [sflag:s1], $0x1000  }
0xcf: {  	[sflag:s1] =	ssyncset.done $0x0  }
0xd0: {  	s6 =	simm.s32 $0x0;
	s5 =	simm.s32 $0x40;
	[sflag:s1] =	ssyncadd.s32 $0xFFFFF000  }
.LBB2_20:
0xd1: {  	p0 =	sne.s32 s5, $0x3FC0;
	v4 =	vld [tilespmem:s6+$0x8000];
	_ =	sdelay $0x1  }
0xd2: {  	v5 =	vld [tilespmem:s6+$0x9000];
	_ =	sdelay $0x2  }
0xd3: {  	v6 =	vsub.s32 v4, v0;
	vm0 =	vge.s32 v4, v0;
	vm1 =	vlt.s32 v4, v1  }
0xd4: {  	v4 =	vshll.u32 v6, $0xA;
	vm0 =	vmand vm0, vm1  }
0xd5: {  	v4 =	vadd.s32 v5, v4  }
.Ltmp9:
0xd6: {  	(pc) =	sbr.rel @p0 .LBB2_20-.Ltmp9, $2  }
0xd7: {  	_ =	sdelay $0x2  }
0xd8: {  	s6 =	sshra.s32 s5, $0x2;
	s5 =	sadd.s32 $0x40, s5;
	[tilespmem:v4+s2+$0x0] =	vst.idx.msk vm0, v3  }
0xd9: {  	v4 =	vld [tilespmem:s6+$0x8000];
	_ =	sdelay $0x1  }
0xda: {  	v5 =	vld [tilespmem:s6+$0x9000];
	_ =	sdelay $0x2  }
0xdb: {  	v6 =	vsub.s32 v4, v0;
	vm0 =	vge.s32 v4, v0;
	vm1 =	vlt.s32 v4, v1  }
0xdc: {  	v4 =	vshll.u32 v6, $0xA;
	vm0 =	vmand vm0, vm1  }
0xdd: {  	v4 =	vadd.s32 v5, v4;
	_ =	sdelay $0x4  }
0xde: {  	[tilespmem:v4+s2+$0x0] =	vst.idx.msk vm0, v3  }
0xdf: {  	[tilespmem:s0], [sflag:$0x1] =	stream.strided.gather [hbm4b:s22+s30], $0x1000, s31, s30, $0x38;
	[tilespmem:$0xA000] =	vst v63  }
0xe0: {  	_ =	swait.ge [sflag:s1], $0x1000  }
0xe1: {  	[sflag:s1] =	ssyncset.done $0x0  }
0xe2: {  	[sflag:s1] =	ssyncadd.s32 $0xFFFFF000  }
0xe3: {  	[tilespmem:s3], [sflag:$0x1] =	stream.strided.gather [hbm4b:s23+s30], $0x1000, s31, s30, $0x38;
	[tilespmem:$0xA000] =	vst v63  }
0xe4: {  	_ =	swait.ge [sflag:s1], $0x1000  }
0xe5: {  	[sflag:s1] =	ssyncset.done $0x0  }
0xe6: {  	s6 =	simm.s32 $0x0;
	s5 =	simm.s32 $0x40;
	[sflag:s1] =	ssyncadd.s32 $0xFFFFF000  }
.LBB2_22:
0xe7: {  	p0 =	sne.s32 s5, $0x3FC0;
	v4 =	vld [tilespmem:s6+$0x8000];
	_ =	sdelay $0x1  }
0xe8: {  	v5 =	vld [tilespmem:s6+$0x9000];
	_ =	sdelay $0x2  }
0xe9: {  	v6 =	vsub.s32 v4, v0;
	vm0 =	vge.s32 v4, v0;
	vm1 =	vlt.s32 v4, v1  }
0xea: {  	v4 =	vshll.u32 v6, $0xA;
	vm0 =	vmand vm0, vm1  }
0xeb: {  	v4 =	vadd.s32 v5, v4  }
.Ltmp10:
0xec: {  	(pc) =	sbr.rel @p0 .LBB2_22-.Ltmp10, $2  }
0xed: {  	_ =	sdelay $0x2  }
0xee: {  	s6 =	sshra.s32 s5, $0x2;
	s5 =	sadd.s32 $0x40, s5;
	[tilespmem:v4+s2+$0x0] =	vst.idx.msk vm0, v3  }
0xef: {  	v4 =	vld [tilespmem:s6+$0x8000];
	_ =	sdelay $0x1  }
0xf0: {  	v5 =	vld [tilespmem:s6+$0x9000];
	_ =	sdelay $0x2  }
0xf1: {  	v6 =	vsub.s32 v4, v0;
	vm0 =	vge.s32 v4, v0;
	vm1 =	vlt.s32 v4, v1  }
0xf2: {  	v4 =	vshll.u32 v6, $0xA;
	vm0 =	vmand vm0, vm1  }
0xf3: {  	v4 =	vadd.s32 v5, v4;
	_ =	sdelay $0x4  }
0xf4: {  	[tilespmem:v4+s2+$0x0] =	vst.idx.msk vm0, v3  }
0xf5: {  	[tilespmem:s0], [sflag:$0x1] =	stream.strided.gather [hbm4b:s24+s30], $0x1000, s31, s30, $0x38;
	[tilespmem:$0xA000] =	vst v63  }
0xf6: {  	_ =	swait.ge [sflag:s1], $0x1000  }
0xf7: {  	[sflag:s1] =	ssyncset.done $0x0  }
0xf8: {  	[sflag:s1] =	ssyncadd.s32 $0xFFFFF000  }
0xf9: {  	[tilespmem:s3], [sflag:$0x1] =	stream.strided.gather [hbm4b:s25+s30], $0x1000, s31, s30, $0x38;
	[tilespmem:$0xA000] =	vst v63  }
0xfa: {  	_ =	swait.ge [sflag:s1], $0x1000  }
0xfb: {  	[sflag:s1] =	ssyncset.done $0x0  }
0xfc: {  	s6 =	simm.s32 $0x0;
	s5 =	simm.s32 $0x40;
	[sflag:s1] =	ssyncadd.s32 $0xFFFFF000  }
.LBB2_24:
0xfd: {  	p0 =	sne.s32 s5, $0x3FC0;
	v4 =	vld [tilespmem:s6+$0x8000];
	_ =	sdelay $0x1  }
0xfe: {  	v5 =	vld [tilespmem:s6+$0x9000];
	_ =	sdelay $0x2  }
0xff: {  	v6 =	vsub.s32 v4, v0;
	vm0 =	vge.s32 v4, v0;
	vm1 =	vlt.s32 v4, v1  }
0x100: {  	v4 =	vshll.u32 v6, $0xA;
	vm0 =	vmand vm0, vm1  }
0x101: {  	v4 =	vadd.s32 v5, v4  }
.Ltmp11:
0x102: {  	(pc) =	sbr.rel @p0 .LBB2_24-.Ltmp11, $2  }
0x103: {  	_ =	sdelay $0x2  }
0x104: {  	s6 =	sshra.s32 s5, $0x2;
	s5 =	sadd.s32 $0x40, s5;
	[tilespmem:v4+s2+$0x0] =	vst.idx.msk vm0, v3  }
0x105: {  	v4 =	vld [tilespmem:s6+$0x8000];
	_ =	sdelay $0x1  }
0x106: {  	v5 =	vld [tilespmem:s6+$0x9000];
	_ =	sdelay $0x2  }
0x107: {  	v6 =	vsub.s32 v4, v0;
	vm0 =	vge.s32 v4, v0;
	vm1 =	vlt.s32 v4, v1  }
0x108: {  	v4 =	vshll.u32 v6, $0xA;
	vm0 =	vmand vm0, vm1  }
0x109: {  	v4 =	vadd.s32 v5, v4;
	_ =	sdelay $0x4  }
0x10a: {  	[tilespmem:v4+s2+$0x0] =	vst.idx.msk vm0, v3  }
0x10b: {  	[tilespmem:s0], [sflag:$0x1] =	stream.strided.gather [hbm4b:s26+s30], $0x1000, s31, s30, $0x38;
	[tilespmem:$0xA000] =	vst v63  }
0x10c: {  	_ =	swait.ge [sflag:s1], $0x1000  }
0x10d: {  	[sflag:s1] =	ssyncset.done $0x0  }
0x10e: {  	[sflag:s1] =	ssyncadd.s32 $0xFFFFF000  }
0x10f: {  	[tilespmem:s3], [sflag:$0x1] =	stream.strided.gather [hbm4b:s28+s30], $0x1000, s31, s30, $0x38;
	[tilespmem:$0xA000] =	vst v63  }
0x110: {  	_ =	swait.ge [sflag:s1], $0x1000  }
0x111: {  	[sflag:s1] =	ssyncset.done $0x0  }
0x112: {  	s6 =	simm.s32 $0x0;
	s5 =	simm.s32 $0x40;
	[sflag:s1] =	ssyncadd.s32 $0xFFFFF000  }
.LBB2_26:
0x113: {  	p0 =	sne.s32 s5, $0x3FC0;
	v4 =	vld [tilespmem:s6+$0x8000];
	_ =	sdelay $0x1  }
0x114: {  	v5 =	vld [tilespmem:s6+$0x9000];
	_ =	sdelay $0x2  }
0x115: {  	v6 =	vsub.s32 v4, v0;
	vm0 =	vge.s32 v4, v0;
	vm1 =	vlt.s32 v4, v1  }
0x116: {  	v4 =	vshll.u32 v6, $0xA;
	vm0 =	vmand vm0, vm1  }
0x117: {  	v4 =	vadd.s32 v5, v4  }
.Ltmp12:
0x118: {  	(pc) =	sbr.rel @p0 .LBB2_26-.Ltmp12, $2  }
0x119: {  	_ =	sdelay $0x2  }
0x11a: {  	s6 =	sshra.s32 s5, $0x2;
	s5 =	sadd.s32 $0x40, s5;
	[tilespmem:v4+s2+$0x0] =	vst.idx.msk vm0, v3  }
0x11b: {  	v4 =	vld [tilespmem:s6+$0x8000];
	_ =	sdelay $0x1  }
0x11c: {  	v5 =	vld [tilespmem:s6+$0x9000];
	_ =	sdelay $0x2  }
0x11d: {  	v6 =	vsub.s32 v4, v0;
	vm0 =	vge.s32 v4, v0;
	vm1 =	vlt.s32 v4, v1  }
0x11e: {  	v4 =	vshll.u32 v6, $0xA;
	vm0 =	vmand vm0, vm1  }
0x11f: {  	v4 =	vadd.s32 v5, v4;
	_ =	sdelay $0x2  }
0x120: {  	s4 =	sadd.s32 $0x1, s4  }
0x121: {  	p0 =	sne.s32 s4, s29  }
.Ltmp13:
0x122: {  	[tilespmem:v4+s2+$0x0] =	vst.idx.msk vm0, v3;
	(pc) =	sbr.rel @p0 .LBB2_1-.Ltmp13, $4  }
0x123: {  	[hbm4b:s21+s2] =	stream.linear.scatter [tilespmem:s2], [sflag:$0x1], $0x8000, $0x38;
	[tilespmem:$0xA000] =	vst v63  }
0x124: {  	_ =	swait.ge [sflag:s1], $0x8000  }
0x125: {  	[sflag:s1] =	ssyncset.done $0x0  }
0x126: {  	[sflag:s1] =	ssyncadd.s32 $0xFFFF8000  }
0x127: {  	_ =	sfence.sel $0x180000  }
0x128: {  	[bflag:$0x0] =	sbarrier.arrive $0xFFFF  }
0x129: {  	_ =	strace $0x90000047  }
0x12a: {  	s0 =	stileid.u32;
	[bflag:$0x2] =	sbarrier.arrive $0xFFFF  }
0x12b: {  	p0 =	sne.s32 s0, $0x0;
	s0 =	rddreg [dreg:$0x2]  }
0x12c: {  	s0 =	sadd.s32 @!p0 $0x100000, s0  }
0x12d: {  	[sflag:s0] =	ssyncadd.tile.s32 @!p0 $0x1;
	_ =	shalt  }
.Lfunc_end2:
_tile_overlayer_lowered:
.L_overlay_start_2:
0x12e: {  	(tag) =	ssettag $0x2  }
0x12f: {  	s0 =	rddreg [dreg:$0x0];
	s2 =	stileid.u32  }
0x130: {  	s1 =	rddreg [dreg:$0x1];
	p0 =	sne.s32 s2, $0x0  }
0x131: {  	s3 =	rddreg [dreg:$0x2];
	[bflag:$0x3] =	sbarrier.arrive $0xFFFF;
	s2 =	simm.s32 @!p0 $0x1C01  }
0x132: {  	[timem:s3], [sflag:s2] =	dma.local @!p0 [hbm:s0], s1  }
0x133: {  	s0 =	simm.s32 @!p0 $0x1  }
0x134: {  	_ =	swait.ge @!p0 [sflag:s0], s1  }
0x135: {  	s1 =	ssub.s32 @!p0 $0x0, s1;
	[sflag:s0] =	ssyncset.done @!p0 $0x0  }
0x136: {  	[sflag:s0] =	ssyncadd.s32 @!p0 s1  }
0x137: {  	[bflag:$0x3] =	sbarrier.arrive $0xFFFF  }
0x138: {  	_ =	shalt  }

</sc_bundles>
